<compile_context>
chip_gen: v7x
topology: tpu7x:2x2x1
jax: 0.10.2.dev20260603
libtpu: 0.0.44.dev20260713+nightly
codegen_flags: <defaults>
</compile_context>

<pallas_src>
import jax
import jax.numpy as jnp
from jax import lax
from jax.experimental import pallas as pl
from jax.experimental.pallas import tpu as pltpu
from jax.experimental.pallas import tpu_sc as plsc

_B = 16384
_EMB = 32
_NW = 32
_BPW = _B // _NW
_CHUNK = 128
_NCH = _BPW // _CHUNK


def _sc_body(users_hbm, items_hbm, utab_hbm, itab_hbm, bias_hbm, out_hbm,
             uidx, iidx_raw, iidx_clean, urows, irows, bias_v, out_v, sem):
    wid = lax.axis_index("s") * 2 + lax.axis_index("c")
    base = wid * _BPW

    for j in range(_NCH):
        pltpu.sync_copy(users_hbm.at[pl.ds(base + j * _CHUNK, _CHUNK)],
                        uidx.at[j])
    pltpu.sync_copy(items_hbm.at[pl.ds(base, _BPW)], iidx_raw)

    for c in range(_BPW // 16):
        v = iidx_raw[pl.ds(c * 16, 16)]
        cv = jnp.where(v == jnp.int32(-1), jnp.int32(0), v)
        iidx_clean[c // (_CHUNK // 16), pl.ds((c % (_CHUNK // 16)) * 16, 16)] = cv

    copies = []
    for j in range(_NCH):
        sl = pl.ds(j * _CHUNK, _CHUNK)
        copies.append(pltpu.make_async_copy(
            utab_hbm.at[uidx.at[j]], urows.at[sl], sem))
        copies.append(pltpu.make_async_copy(
            itab_hbm.at[iidx_clean.at[j]], irows.at[sl], sem))
        copies.append(pltpu.make_async_copy(
            bias_hbm.at[iidx_clean.at[j]], bias_v.at[sl], sem))
    for cp in copies:
        cp.start()
    for cp in copies:
        cp.wait()

    lane = lax.iota(jnp.int32, 16)
    cols = [(lane + t) % _EMB for t in range(_EMB)]

    def chunk(c, carry):
        rows16 = c * 16 + lane
        acc = bias_v[pl.ds(c * 16, 16)]
        for t in range(_EMB):
            u = plsc.load_gather(urows, [rows16, cols[t]])
            v = plsc.load_gather(irows, [rows16, cols[t]])
            acc = acc + u * v
        it = iidx_raw[pl.ds(c * 16, 16)]
        res = jnp.where(it == jnp.int32(-1), jnp.float32(-100.0), acc)
        out_v[pl.ds(c * 16, 16)] = res
        return carry

    lax.fori_loop(0, _BPW // 16, chunk, 0)

    pltpu.sync_copy(out_v, out_hbm.at[pl.ds(base, _BPW)])


@jax.jit
def _sc_call(users, items, user_table, item_table, bias_flat):
    mesh = plsc.VectorSubcoreMesh(core_axis_name="c", subcore_axis_name="s")
    f = pl.kernel(
        _sc_body,
        mesh=mesh,
        compiler_params=pltpu.CompilerParams(
            needs_layout_passes=False, use_tc_tiling_on_sc=False),
        out_type=jax.ShapeDtypeStruct((_B,), jnp.float32),
        scratch_types=[
            pltpu.VMEM((_NCH, _CHUNK), jnp.int32),
            pltpu.VMEM((_BPW,), jnp.int32),
            pltpu.VMEM((_NCH, _CHUNK), jnp.int32),
            pltpu.VMEM((_BPW, _EMB), jnp.float32),
            pltpu.VMEM((_BPW, _EMB), jnp.float32),
            pltpu.VMEM((_BPW,), jnp.float32),
            pltpu.VMEM((_BPW,), jnp.float32),
            pltpu.SemaphoreType.DMA,
        ],
    )
    return f(users, items, user_table, item_table, bias_flat)


def kernel(users, items, user_table, item_table, bias_table):
    users32 = users.astype(jnp.int32)
    items32 = items.astype(jnp.int32)
    bias_flat = jnp.reshape(bias_table, (-1,))
    return _sc_call(users32, items32, user_table, item_table, bias_flat)

# --- scband reference (transcript-rebuilt; emitter-appended) ---
"""Pipeline reference for scband-recommender-network-7009386627600 (READ-ONLY COPY).

The authoritative reference and input builder live on the scoring server;
editing this copy changes nothing except your own understanding.
"""

import jax, jax.numpy as jnp
import numpy as np

N_USERS = 1000000
N_ITEMS = 1000000
BATCH = 16384
EMB = 32

def setup_inputs(seed: int = 0) -> dict:
    key = jax.random.key(seed)
    k1, k2, k3, k4, k5 = jax.random.split(key, 5)
    users = jax.random.randint(k1, (BATCH,), 0, N_USERS, dtype=jnp.int64) if jax.config.jax_enable_x64 else jax.random.randint(k1, (BATCH,), 0, N_USERS, dtype=jnp.int32)
    items = jax.random.randint(k2, (BATCH,), 0, N_ITEMS, dtype=jnp.int64) if jax.config.jax_enable_x64 else jax.random.randint(k2, (BATCH,), 0, N_ITEMS, dtype=jnp.int32)
    user_table = jax.random.normal(k3, (N_USERS, EMB), dtype=jnp.float32)
    item_table = jax.random.normal(k4, (N_ITEMS, EMB), dtype=jnp.float32)
    bias_table = jax.random.normal(k5, (N_ITEMS, 1), dtype=jnp.float32)
    return {"users": users, "items": items, "user_table": user_table, "item_table": item_table, "bias_table": bias_table}

def reference(users, items, user_table, item_table, bias_table):
    # Faithful translation of Recommender_Network.call
    items_with_padding = items.astype(jnp.int32)
    items_clean = jnp.where(items_with_padding == -1, 0, items_with_padding)
    user_embedding = jnp.take(user_table, users, axis=0)           # [B, EMB]
    item_embedding = jnp.take(item_table, items_clean, axis=0)      # [B, EMB]
    bias = jnp.take(bias_table, items_clean, axis=0)                # [B, 1]
    out = jnp.sum(user_embedding * item_embedding, axis=1)          # [B]
    out = out + jnp.reshape(bias, out.shape)
    out = jnp.where(items_with_padding == -1, jnp.float32(-100.0), out)
    return out

if __name__ == "__main__":
    import jax
    _d = setup_inputs()
    print(jax.jit(kernel)(*tuple(_d.values())))

</pallas_src>

<mosaic_0001>
#map = affine_map<(d0, d1) -> (0)>
#map1 = affine_map<(d0, d1) -> (0, 0)>
module attributes {stable_mosaic.version = 14 : i64} {
  func.func @_sc_body(%arg0: i32, %arg1: i32, %arg2: memref<16384xi32, #tpu.memory_space<hbm>>, %arg3: memref<16384xi32, #tpu.memory_space<hbm>>, %arg4: memref<1000000x32xf32, #tpu.memory_space<hbm>>, %arg5: memref<1000000x32xf32, #tpu.memory_space<hbm>>, %arg6: memref<1000000xf32, #tpu.memory_space<hbm>>, %arg7: memref<16384xf32, #tpu.memory_space<hbm>>, %arg8: memref<4x128xi32, #tpu.memory_space<vmem>>, %arg9: memref<512xi32, #tpu.memory_space<vmem>>, %arg10: memref<4x128xi32, #tpu.memory_space<vmem>>, %arg11: memref<512x32xf32, #tpu.memory_space<vmem>>, %arg12: memref<512x32xf32, #tpu.memory_space<vmem>>, %arg13: memref<512xf32, #tpu.memory_space<vmem>>, %arg14: memref<512xf32, #tpu.memory_space<vmem>>, %arg15: memref<!tpu.dma_semaphore, #tpu.memory_space<semaphore_mem>>) attributes {dimension_semantics = [#tpu.dimension_semantics<core_parallel>, #tpu.dimension_semantics<subcore_parallel>], iteration_bounds = array<i64: 2, 16>, scalar_prefetch = 0 : i64, scratch_operands = 8 : i64, tpu.core_type = #tpu.core_type<sc_vector_subcore>, window_params = [{transform_indices = #map}, {transform_indices = #map}, {transform_indices = #map1}, {transform_indices = #map1}, {transform_indices = #map}, {transform_indices = #map}]} {
    %mul3A = arith.constant 2 : i32
    %mul3A_0 = arith.muli %arg1, %mul3A : i32
    %add3A = arith.addi %mul3A_0, %arg0 : i32
    %mul3A_1 = arith.constant 512 : i32
    %mul3A_2 = arith.muli %add3A, %mul3A_1 : i32
    %add3A_3 = arith.constant 0 : i32
    %add3A_4 = arith.addi %mul3A_2, %add3A_3 : i32
    %run_scoped3A = arith.constant 0 : i32
    "tpu.region"() ({
      %run_scoped3A_1415 = tpu.sem_alloc : memref<!tpu.dma_semaphore, #tpu.memory_space<semaphore_mem>>
      %dma_start3A_1416 = arith.constant 0 : i32
      %dma_start3A_1417 = tpu.memref_slice %arg8[%run_scoped3A, %dma_start3A_1416] : memref<4x128xi32, #tpu.memory_space<vmem>> -> memref<1x128xi32, #tpu.memory_space<vmem>>
      %dma_start3A_1418 = tpu.memref_squeeze %dma_start3A_1417 : memref<1x128xi32, #tpu.memory_space<vmem>> -> memref<128xi32, #tpu.memory_space<vmem>>
      %dma_start3A_1419 = tpu.memref_slice %arg2[%add3A_4] : memref<16384xi32, #tpu.memory_space<hbm>> -> memref<128xi32, #tpu.memory_space<hbm>>
      %dma_start3A_1420 = arith.constant 0 : i32
      %dma_start3A_1421 = tpu.memref_slice %arg8[%run_scoped3A, %dma_start3A_1420] : memref<4x128xi32, #tpu.memory_space<vmem>> -> memref<1x128xi32, #tpu.memory_space<vmem>>
      %dma_start3A_1422 = tpu.memref_squeeze %dma_start3A_1421 : memref<1x128xi32, #tpu.memory_space<vmem>> -> memref<128xi32, #tpu.memory_space<vmem>>
      %dma_start3A_1423 = tpu.memref_slice %arg2[%add3A_4] : memref<16384xi32, #tpu.memory_space<hbm>> -> memref<128xi32, #tpu.memory_space<hbm>>
      tpu.enqueue_dma source(%dma_start3A_1423 : memref<128xi32, #tpu.memory_space<hbm>>) target(%dma_start3A_1422 : memref<128xi32, #tpu.memory_space<vmem>>) target_semaphore(%run_scoped3A_1415 : memref<!tpu.dma_semaphore, #tpu.memory_space<semaphore_mem>>)
      %dma_wait3A_1424 = arith.constant 0 : i32
      %dma_wait3A_1425 = tpu.memref_slice %arg8[%run_scoped3A, %dma_wait3A_1424] : memref<4x128xi32, #tpu.memory_space<vmem>> -> memref<1x128xi32, #tpu.memory_space<vmem>>
      %dma_wait3A_1426 = tpu.memref_squeeze %dma_wait3A_1425 : memref<1x128xi32, #tpu.memory_space<vmem>> -> memref<128xi32, #tpu.memory_space<vmem>>
      %dma_wait3A_1427 = tpu.memref_slice %arg2[%add3A_4] : memref<16384xi32, #tpu.memory_space<hbm>> -> memref<128xi32, #tpu.memory_space<hbm>>
      %dma_wait3A_1428 = arith.constant 0 : i32
      %dma_wait3A_1429 = tpu.memref_slice %arg8[%run_scoped3A, %dma_wait3A_1428] : memref<4x128xi32, #tpu.memory_space<vmem>> -> memref<1x128xi32, #tpu.memory_space<vmem>>
      %dma_wait3A_1430 = tpu.memref_squeeze %dma_wait3A_1429 : memref<1x128xi32, #tpu.memory_space<vmem>> -> memref<128xi32, #tpu.memory_space<vmem>>
      %dma_wait3A_1431 = tpu.memref_slice %arg2[%add3A_4] : memref<16384xi32, #tpu.memory_space<hbm>> -> memref<128xi32, #tpu.memory_space<hbm>>
      tpu.wait_dma2 semaphore(%run_scoped3A_1415 : memref<!tpu.dma_semaphore, #tpu.memory_space<semaphore_mem>>) src(%dma_wait3A_1431 : memref<128xi32, #tpu.memory_space<hbm>>) dst(%dma_wait3A_1430 : memref<128xi32, #tpu.memory_space<vmem>>)
      tpu.yield
    }) : () -> ()
    %add3A_5 = arith.constant 128 : i32
    %add3A_6 = arith.addi %mul3A_2, %add3A_5 : i32
    %run_scoped3A_7 = arith.constant 1 : i32
    "tpu.region"() ({
      %run_scoped3A_1415 = tpu.sem_alloc : memref<!tpu.dma_semaphore, #tpu.memory_space<semaphore_mem>>
      %dma_start3A_1416 = arith.constant 0 : i32
      %dma_start3A_1417 = tpu.memref_slice %arg8[%run_scoped3A_7, %dma_start3A_1416] : memref<4x128xi32, #tpu.memory_space<vmem>> -> memref<1x128xi32, #tpu.memory_space<vmem>>
      %dma_start3A_1418 = tpu.memref_squeeze %dma_start3A_1417 : memref<1x128xi32, #tpu.memory_space<vmem>> -> memref<128xi32, #tpu.memory_space<vmem>>
      %dma_start3A_1419 = tpu.memref_slice %arg2[%add3A_6] : memref<16384xi32, #tpu.memory_space<hbm>> -> memref<128xi32, #tpu.memory_space<hbm>>
      %dma_start3A_1420 = arith.constant 0 : i32
      %dma_start3A_1421 = tpu.memref_slice %arg8[%run_scoped3A_7, %dma_start3A_1420] : memref<4x128xi32, #tpu.memory_space<vmem>> -> memref<1x128xi32, #tpu.memory_space<vmem>>
      %dma_start3A_1422 = tpu.memref_squeeze %dma_start3A_1421 : memref<1x128xi32, #tpu.memory_space<vmem>> -> memref<128xi32, #tpu.memory_space<vmem>>
      %dma_start3A_1423 = tpu.memref_slice %arg2[%add3A_6] : memref<16384xi32, #tpu.memory_space<hbm>> -> memref<128xi32, #tpu.memory_space<hbm>>
      tpu.enqueue_dma source(%dma_start3A_1423 : memref<128xi32, #tpu.memory_space<hbm>>) target(%dma_start3A_1422 : memref<128xi32, #tpu.memory_space<vmem>>) target_semaphore(%run_scoped3A_1415 : memref<!tpu.dma_semaphore, #tpu.memory_space<semaphore_mem>>)
      %dma_wait3A_1424 = arith.constant 0 : i32
      %dma_wait3A_1425 = tpu.memref_slice %arg8[%run_scoped3A_7, %dma_wait3A_1424] : memref<4x128xi32, #tpu.memory_space<vmem>> -> memref<1x128xi32, #tpu.memory_space<vmem>>
      %dma_wait3A_1426 = tpu.memref_squeeze %dma_wait3A_1425 : memref<1x128xi32, #tpu.memory_space<vmem>> -> memref<128xi32, #tpu.memory_space<vmem>>
      %dma_wait3A_1427 = tpu.memref_slice %arg2[%add3A_6] : memref<16384xi32, #tpu.memory_space<hbm>> -> memref<128xi32, #tpu.memory_space<hbm>>
      %dma_wait3A_1428 = arith.constant 0 : i32
      %dma_wait3A_1429 = tpu.memref_slice %arg8[%run_scoped3A_7, %dma_wait3A_1428] : memref<4x128xi32, #tpu.memory_space<vmem>> -> memref<1x128xi32, #tpu.memory_space<vmem>>
      %dma_wait3A_1430 = tpu.memref_squeeze %dma_wait3A_1429 : memref<1x128xi32, #tpu.memory_space<vmem>> -> memref<128xi32, #tpu.memory_space<vmem>>
      %dma_wait3A_1431 = tpu.memref_slice %arg2[%add3A_6] : memref<16384xi32, #tpu.memory_space<hbm>> -> memref<128xi32, #tpu.memory_space<hbm>>
      tpu.wait_dma2 semaphore(%run_scoped3A_1415 : memref<!tpu.dma_semaphore, #tpu.memory_space<semaphore_mem>>) src(%dma_wait3A_1431 : memref<128xi32, #tpu.memory_space<hbm>>) dst(%dma_wait3A_1430 : memref<128xi32, #tpu.memory_space<vmem>>)
      tpu.yield
    }) : () -> ()
    %add3A_8 = arith.constant 256 : i32
    %add3A_9 = arith.addi %mul3A_2, %add3A_8 : i32
    %run_scoped3A_10 = arith.constant 2 : i32
    "tpu.region"() ({
      %run_scoped3A_1415 = tpu.sem_alloc : memref<!tpu.dma_semaphore, #tpu.memory_space<semaphore_mem>>
      %dma_start3A_1416 = arith.constant 0 : i32
      %dma_start3A_1417 = tpu.memref_slice %arg8[%run_scoped3A_10, %dma_start3A_1416] : memref<4x128xi32, #tpu.memory_space<vmem>> -> memref<1x128xi32, #tpu.memory_space<vmem>>
      %dma_start3A_1418 = tpu.memref_squeeze %dma_start3A_1417 : memref<1x128xi32, #tpu.memory_space<vmem>> -> memref<128xi32, #tpu.memory_space<vmem>>
      %dma_start3A_1419 = tpu.memref_slice %arg2[%add3A_9] : memref<16384xi32, #tpu.memory_space<hbm>> -> memref<128xi32, #tpu.memory_space<hbm>>
      %dma_start3A_1420 = arith.constant 0 : i32
      %dma_start3A_1421 = tpu.memref_slice %arg8[%run_scoped3A_10, %dma_start3A_1420] : memref<4x128xi32, #tpu.memory_space<vmem>> -> memref<1x128xi32, #tpu.memory_space<vmem>>
      %dma_start3A_1422 = tpu.memref_squeeze %dma_start3A_1421 : memref<1x128xi32, #tpu.memory_space<vmem>> -> memref<128xi32, #tpu.memory_space<vmem>>
      %dma_start3A_1423 = tpu.memref_slice %arg2[%add3A_9] : memref<16384xi32, #tpu.memory_space<hbm>> -> memref<128xi32, #tpu.memory_space<hbm>>
      tpu.enqueue_dma source(%dma_start3A_1423 : memref<128xi32, #tpu.memory_space<hbm>>) target(%dma_start3A_1422 : memref<128xi32, #tpu.memory_space<vmem>>) target_semaphore(%run_scoped3A_1415 : memref<!tpu.dma_semaphore, #tpu.memory_space<semaphore_mem>>)
      %dma_wait3A_1424 = arith.constant 0 : i32
      %dma_wait3A_1425 = tpu.memref_slice %arg8[%run_scoped3A_10, %dma_wait3A_1424] : memref<4x128xi32, #tpu.memory_space<vmem>> -> memref<1x128xi32, #tpu.memory_space<vmem>>
      %dma_wait3A_1426 = tpu.memref_squeeze %dma_wait3A_1425 : memref<1x128xi32, #tpu.memory_space<vmem>> -> memref<128xi32, #tpu.memory_space<vmem>>
      %dma_wait3A_1427 = tpu.memref_slice %arg2[%add3A_9] : memref<16384xi32, #tpu.memory_space<hbm>> -> memref<128xi32, #tpu.memory_space<hbm>>
      %dma_wait3A_1428 = arith.constant 0 : i32
      %dma_wait3A_1429 = tpu.memref_slice %arg8[%run_scoped3A_10, %dma_wait3A_1428] : memref<4x128xi32, #tpu.memory_space<vmem>> -> memref<1x128xi32, #tpu.memory_space<vmem>>
      %dma_wait3A_1430 = tpu.memref_squeeze %dma_wait3A_1429 : memref<1x128xi32, #tpu.memory_space<vmem>> -> memref<128xi32, #tpu.memory_space<vmem>>
      %dma_wait3A_1431 = tpu.memref_slice %arg2[%add3A_9] : memref<16384xi32, #tpu.memory_space<hbm>> -> memref<128xi32, #tpu.memory_space<hbm>>
      tpu.wait_dma2 semaphore(%run_scoped3A_1415 : memref<!tpu.dma_semaphore, #tpu.memory_space<semaphore_mem>>) src(%dma_wait3A_1431 : memref<128xi32, #tpu.memory_space<hbm>>) dst(%dma_wait3A_1430 : memref<128xi32, #tpu.memory_space<vmem>>)
      tpu.yield
    }) : () -> ()
    %add3A_11 = arith.constant 384 : i32
    %add3A_12 = arith.addi %mul3A_2, %add3A_11 : i32
    %run_scoped3A_13 = arith.constant 3 : i32
    "tpu.region"() ({
      %run_scoped3A_1415 = tpu.sem_alloc : memref<!tpu.dma_semaphore, #tpu.memory_space<semaphore_mem>>
      %dma_start3A_1416 = arith.constant 0 : i32
      %dma_start3A_1417 = tpu.memref_slice %arg8[%run_scoped3A_13, %dma_start3A_1416] : memref<4x128xi32, #tpu.memory_space<vmem>> -> memref<1x128xi32, #tpu.memory_space<vmem>>
      %dma_start3A_1418 = tpu.memref_squeeze %dma_start3A_1417 : memref<1x128xi32, #tpu.memory_space<vmem>> -> memref<128xi32, #tpu.memory_space<vmem>>
      %dma_start3A_1419 = tpu.memref_slice %arg2[%add3A_12] : memref<16384xi32, #tpu.memory_space<hbm>> -> memref<128xi32, #tpu.memory_space<hbm>>
      %dma_start3A_1420 = arith.constant 0 : i32
      %dma_start3A_1421 = tpu.memref_slice %arg8[%run_scoped3A_13, %dma_start3A_1420] : memref<4x128xi32, #tpu.memory_space<vmem>> -> memref<1x128xi32, #tpu.memory_space<vmem>>
      %dma_start3A_1422 = tpu.memref_squeeze %dma_start3A_1421 : memref<1x128xi32, #tpu.memory_space<vmem>> -> memref<128xi32, #tpu.memory_space<vmem>>
      %dma_start3A_1423 = tpu.memref_slice %arg2[%add3A_12] : memref<16384xi32, #tpu.memory_space<hbm>> -> memref<128xi32, #tpu.memory_space<hbm>>
      tpu.enqueue_dma source(%dma_start3A_1423 : memref<128xi32, #tpu.memory_space<hbm>>) target(%dma_start3A_1422 : memref<128xi32, #tpu.memory_space<vmem>>) target_semaphore(%run_scoped3A_1415 : memref<!tpu.dma_semaphore, #tpu.memory_space<semaphore_mem>>)
      %dma_wait3A_1424 = arith.constant 0 : i32
      %dma_wait3A_1425 = tpu.memref_slice %arg8[%run_scoped3A_13, %dma_wait3A_1424] : memref<4x128xi32, #tpu.memory_space<vmem>> -> memref<1x128xi32, #tpu.memory_space<vmem>>
      %dma_wait3A_1426 = tpu.memref_squeeze %dma_wait3A_1425 : memref<1x128xi32, #tpu.memory_space<vmem>> -> memref<128xi32, #tpu.memory_space<vmem>>
      %dma_wait3A_1427 = tpu.memref_slice %arg2[%add3A_12] : memref<16384xi32, #tpu.memory_space<hbm>> -> memref<128xi32, #tpu.memory_space<hbm>>
      %dma_wait3A_1428 = arith.constant 0 : i32
      %dma_wait3A_1429 = tpu.memref_slice %arg8[%run_scoped3A_13, %dma_wait3A_1428] : memref<4x128xi32, #tpu.memory_space<vmem>> -> memref<1x128xi32, #tpu.memory_space<vmem>>
      %dma_wait3A_1430 = tpu.memref_squeeze %dma_wait3A_1429 : memref<1x128xi32, #tpu.memory_space<vmem>> -> memref<128xi32, #tpu.memory_space<vmem>>
      %dma_wait3A_1431 = tpu.memref_slice %arg2[%add3A_12] : memref<16384xi32, #tpu.memory_space<hbm>> -> memref<128xi32, #tpu.memory_space<hbm>>
      tpu.wait_dma2 semaphore(%run_scoped3A_1415 : memref<!tpu.dma_semaphore, #tpu.memory_space<semaphore_mem>>) src(%dma_wait3A_1431 : memref<128xi32, #tpu.memory_space<hbm>>) dst(%dma_wait3A_1430 : memref<128xi32, #tpu.memory_space<vmem>>)
      tpu.yield
    }) : () -> ()
    "tpu.region"() ({
      %run_scoped3A_1415 = tpu.sem_alloc : memref<!tpu.dma_semaphore, #tpu.memory_space<semaphore_mem>>
      %dma_start3A_1416 = tpu.memref_slice %arg3[%mul3A_2] : memref<16384xi32, #tpu.memory_space<hbm>> -> memref<512xi32, #tpu.memory_space<hbm>>
      %dma_start3A_1417 = tpu.memref_slice %arg3[%mul3A_2] : memref<16384xi32, #tpu.memory_space<hbm>> -> memref<512xi32, #tpu.memory_space<hbm>>
      tpu.enqueue_dma source(%dma_start3A_1417 : memref<512xi32, #tpu.memory_space<hbm>>) target(%arg9 : memref<512xi32, #tpu.memory_space<vmem>>) target_semaphore(%run_scoped3A_1415 : memref<!tpu.dma_semaphore, #tpu.memory_space<semaphore_mem>>)
      %dma_wait3A_1418 = tpu.memref_slice %arg3[%mul3A_2] : memref<16384xi32, #tpu.memory_space<hbm>> -> memref<512xi32, #tpu.memory_space<hbm>>
      %dma_wait3A_1419 = tpu.memref_slice %arg3[%mul3A_2] : memref<16384xi32, #tpu.memory_space<hbm>> -> memref<512xi32, #tpu.memory_space<hbm>>
      tpu.wait_dma2 semaphore(%run_scoped3A_1415 : memref<!tpu.dma_semaphore, #tpu.memory_space<semaphore_mem>>) src(%dma_wait3A_1419 : memref<512xi32, #tpu.memory_space<hbm>>) dst(%arg9 : memref<512xi32, #tpu.memory_space<vmem>>)
      tpu.yield
    }) : () -> ()
    %get3A = arith.constant 0 : index
    %get3A_14 = tpu.vector_load %arg9[%get3A] {strides = array<i32>} : memref<512xi32, #tpu.memory_space<vmem>>, vector<16xi32>,
    %eq3A = arith.constant -1 : i32
    %eq3A_15 = vector.broadcast %eq3A : i32 to vector<16xi32>
    %eq3A_16 = arith.cmpi eq, %get3A_14, %eq3A_15 : vector<16xi32>
    %jit3A = arith.constant 0 : i32
    %broadcast_in_dim3A = vector.broadcast %jit3A : i32 to vector<16xi32>
    %select_n3A = arith.select %eq3A_16, %broadcast_in_dim3A, %get3A_14 : vector<16xi1>, vector<16xi32>
    %swap3A = arith.constant 0 : i32
    %swap3A_17 = arith.index_cast %swap3A : i32 to index
    %swap3A_18 = arith.constant 0 : index
    %swap3A_19 = tpu.vector_load %arg10[%swap3A_17, %swap3A_18] {strides = array<i32>} : memref<4x128xi32, #tpu.memory_space<vmem>>, vector<16xi32>,
    tpu.vector_store %arg10[%swap3A_17, %swap3A_18], %select_n3A {strides = array<i32>} : memref<4x128xi32, #tpu.memory_space<vmem>>, vector<16xi32>,
    %get3A_20 = arith.constant 16 : index
    %get3A_21 = tpu.vector_load %arg9[%get3A_20] {strides = array<i32>} : memref<512xi32, #tpu.memory_space<vmem>>, vector<16xi32>,
    %eq3A_22 = arith.constant -1 : i32
    %eq3A_23 = vector.broadcast %eq3A_22 : i32 to vector<16xi32>
    %eq3A_24 = arith.cmpi eq, %get3A_21, %eq3A_23 : vector<16xi32>
    %jit3A_25 = arith.constant 0 : i32
    %broadcast_in_dim3A_26 = vector.broadcast %jit3A_25 : i32 to vector<16xi32>
    %select_n3A_27 = arith.select %eq3A_24, %broadcast_in_dim3A_26, %get3A_21 : vector<16xi1>, vector<16xi32>
    %swap3A_28 = arith.constant 0 : i32
    %swap3A_29 = arith.index_cast %swap3A_28 : i32 to index
    %swap3A_30 = arith.constant 16 : index
    %swap3A_31 = tpu.vector_load %arg10[%swap3A_29, %swap3A_30] {strides = array<i32>} : memref<4x128xi32, #tpu.memory_space<vmem>>, vector<16xi32>,
    tpu.vector_store %arg10[%swap3A_29, %swap3A_30], %select_n3A_27 {strides = array<i32>} : memref<4x128xi32, #tpu.memory_space<vmem>>, vector<16xi32>,
    %get3A_32 = arith.constant 32 : index
    %get3A_33 = tpu.vector_load %arg9[%get3A_32] {strides = array<i32>} : memref<512xi32, #tpu.memory_space<vmem>>, vector<16xi32>,
    %eq3A_34 = arith.constant -1 : i32
    %eq3A_35 = vector.broadcast %eq3A_34 : i32 to vector<16xi32>
    %eq3A_36 = arith.cmpi eq, %get3A_33, %eq3A_35 : vector<16xi32>
    %jit3A_37 = arith.constant 0 : i32
    %broadcast_in_dim3A_38 = vector.broadcast %jit3A_37 : i32 to vector<16xi32>
    %select_n3A_39 = arith.select %eq3A_36, %broadcast_in_dim3A_38, %get3A_33 : vector<16xi1>, vector<16xi32>
    %swap3A_40 = arith.constant 0 : i32
    %swap3A_41 = arith.index_cast %swap3A_40 : i32 to index
    %swap3A_42 = arith.constant 32 : index
    %swap3A_43 = tpu.vector_load %arg10[%swap3A_41, %swap3A_42] {strides = array<i32>} : memref<4x128xi32, #tpu.memory_space<vmem>>, vector<16xi32>,
    tpu.vector_store %arg10[%swap3A_41, %swap3A_42], %select_n3A_39 {strides = array<i32>} : memref<4x128xi32, #tpu.memory_space<vmem>>, vector<16xi32>,
    %get3A_44 = arith.constant 48 : index
    %get3A_45 = tpu.vector_load %arg9[%get3A_44] {strides = array<i32>} : memref<512xi32, #tpu.memory_space<vmem>>, vector<16xi32>,
    %eq3A_46 = arith.constant -1 : i32
    %eq3A_47 = vector.broadcast %eq3A_46 : i32 to vector<16xi32>
    %eq3A_48 = arith.cmpi eq, %get3A_45, %eq3A_47 : vector<16xi32>
    %jit3A_49 = arith.constant 0 : i32
    %broadcast_in_dim3A_50 = vector.broadcast %jit3A_49 : i32 to vector<16xi32>
    %select_n3A_51 = arith.select %eq3A_48, %broadcast_in_dim3A_50, %get3A_45 : vector<16xi1>, vector<16xi32>
    %swap3A_52 = arith.constant 0 : i32
    %swap3A_53 = arith.index_cast %swap3A_52 : i32 to index
    %swap3A_54 = arith.constant 48 : index
    %swap3A_55 = tpu.vector_load %arg10[%swap3A_53, %swap3A_54] {strides = array<i32>} : memref<4x128xi32, #tpu.memory_space<vmem>>, vector<16xi32>,
    tpu.vector_store %arg10[%swap3A_53, %swap3A_54], %select_n3A_51 {strides = array<i32>} : memref<4x128xi32, #tpu.memory_space<vmem>>, vector<16xi32>,
    %get3A_56 = arith.constant 64 : index
    %get3A_57 = tpu.vector_load %arg9[%get3A_56] {strides = array<i32>} : memref<512xi32, #tpu.memory_space<vmem>>, vector<16xi32>,
    %eq3A_58 = arith.constant -1 : i32
    %eq3A_59 = vector.broadcast %eq3A_58 : i32 to vector<16xi32>
    %eq3A_60 = arith.cmpi eq, %get3A_57, %eq3A_59 : vector<16xi32>
    %jit3A_61 = arith.constant 0 : i32
    %broadcast_in_dim3A_62 = vector.broadcast %jit3A_61 : i32 to vector<16xi32>
    %select_n3A_63 = arith.select %eq3A_60, %broadcast_in_dim3A_62, %get3A_57 : vector<16xi1>, vector<16xi32>
    %swap3A_64 = arith.constant 0 : i32
    %swap3A_65 = arith.index_cast %swap3A_64 : i32 to index
    %swap3A_66 = arith.constant 64 : index
    %swap3A_67 = tpu.vector_load %arg10[%swap3A_65, %swap3A_66] {strides = array<i32>} : memref<4x128xi32, #tpu.memory_space<vmem>>, vector<16xi32>,
    tpu.vector_store %arg10[%swap3A_65, %swap3A_66], %select_n3A_63 {strides = array<i32>} : memref<4x128xi32, #tpu.memory_space<vmem>>, vector<16xi32>,
    %get3A_68 = arith.constant 80 : index
    %get3A_69 = tpu.vector_load %arg9[%get3A_68] {strides = array<i32>} : memref<512xi32, #tpu.memory_space<vmem>>, vector<16xi32>,
    %eq3A_70 = arith.constant -1 : i32
    %eq3A_71 = vector.broadcast %eq3A_70 : i32 to vector<16xi32>
    %eq3A_72 = arith.cmpi eq, %get3A_69, %eq3A_71 : vector<16xi32>
    %jit3A_73 = arith.constant 0 : i32
    %broadcast_in_dim3A_74 = vector.broadcast %jit3A_73 : i32 to vector<16xi32>
    %select_n3A_75 = arith.select %eq3A_72, %broadcast_in_dim3A_74, %get3A_69 : vector<16xi1>, vector<16xi32>
    %swap3A_76 = arith.constant 0 : i32
    %swap3A_77 = arith.index_cast %swap3A_76 : i32 to index
    %swap3A_78 = arith.constant 80 : index
    %swap3A_79 = tpu.vector_load %arg10[%swap3A_77, %swap3A_78] {strides = array<i32>} : memref<4x128xi32, #tpu.memory_space<vmem>>, vector<16xi32>,
    tpu.vector_store %arg10[%swap3A_77, %swap3A_78], %select_n3A_75 {strides = array<i32>} : memref<4x128xi32, #tpu.memory_space<vmem>>, vector<16xi32>,
    %get3A_80 = arith.constant 96 : index
    %get3A_81 = tpu.vector_load %arg9[%get3A_80] {strides = array<i32>} : memref<512xi32, #tpu.memory_space<vmem>>, vector<16xi32>,
    %eq3A_82 = arith.constant -1 : i32
    %eq3A_83 = vector.broadcast %eq3A_82 : i32 to vector<16xi32>
    %eq3A_84 = arith.cmpi eq, %get3A_81, %eq3A_83 : vector<16xi32>
    %jit3A_85 = arith.constant 0 : i32
    %broadcast_in_dim3A_86 = vector.broadcast %jit3A_85 : i32 to vector<16xi32>
    %select_n3A_87 = arith.select %eq3A_84, %broadcast_in_dim3A_86, %get3A_81 : vector<16xi1>, vector<16xi32>
    %swap3A_88 = arith.constant 0 : i32
    %swap3A_89 = arith.index_cast %swap3A_88 : i32 to index
    %swap3A_90 = arith.constant 96 : index
    %swap3A_91 = tpu.vector_load %arg10[%swap3A_89, %swap3A_90] {strides = array<i32>} : memref<4x128xi32, #tpu.memory_space<vmem>>, vector<16xi32>,
    tpu.vector_store %arg10[%swap3A_89, %swap3A_90], %select_n3A_87 {strides = array<i32>} : memref<4x128xi32, #tpu.memory_space<vmem>>, vector<16xi32>,
    %get3A_92 = arith.constant 112 : index
    %get3A_93 = tpu.vector_load %arg9[%get3A_92] {strides = array<i32>} : memref<512xi32, #tpu.memory_space<vmem>>, vector<16xi32>,
    %eq3A_94 = arith.constant -1 : i32
    %eq3A_95 = vector.broadcast %eq3A_94 : i32 to vector<16xi32>
    %eq3A_96 = arith.cmpi eq, %get3A_93, %eq3A_95 : vector<16xi32>
    %jit3A_97 = arith.constant 0 : i32
    %broadcast_in_dim3A_98 = vector.broadcast %jit3A_97 : i32 to vector<16xi32>
    %select_n3A_99 = arith.select %eq3A_96, %broadcast_in_dim3A_98, %get3A_93 : vector<16xi1>, vector<16xi32>
    %swap3A_100 = arith.constant 0 : i32
    %swap3A_101 = arith.index_cast %swap3A_100 : i32 to index
    %swap3A_102 = arith.constant 112 : index
    %swap3A_103 = tpu.vector_load %arg10[%swap3A_101, %swap3A_102] {strides = array<i32>} : memref<4x128xi32, #tpu.memory_space<vmem>>, vector<16xi32>,
    tpu.vector_store %arg10[%swap3A_101, %swap3A_102], %select_n3A_99 {strides = array<i32>} : memref<4x128xi32, #tpu.memory_space<vmem>>, vector<16xi32>,
    %get3A_104 = arith.constant 128 : index
    %get3A_105 = tpu.vector_load %arg9[%get3A_104] {strides = array<i32>} : memref<512xi32, #tpu.memory_space<vmem>>, vector<16xi32>,
    %eq3A_106 = arith.constant -1 : i32
    %eq3A_107 = vector.broadcast %eq3A_106 : i32 to vector<16xi32>
    %eq3A_108 = arith.cmpi eq, %get3A_105, %eq3A_107 : vector<16xi32>
    %jit3A_109 = arith.constant 0 : i32
    %broadcast_in_dim3A_110 = vector.broadcast %jit3A_109 : i32 to vector<16xi32>
    %select_n3A_111 = arith.select %eq3A_108, %broadcast_in_dim3A_110, %get3A_105 : vector<16xi1>, vector<16xi32>
    %swap3A_112 = arith.constant 1 : i32
    %swap3A_113 = arith.index_cast %swap3A_112 : i32 to index
    %swap3A_114 = arith.constant 0 : index
    %swap3A_115 = tpu.vector_load %arg10[%swap3A_113, %swap3A_114] {strides = array<i32>} : memref<4x128xi32, #tpu.memory_space<vmem>>, vector<16xi32>,
    tpu.vector_store %arg10[%swap3A_113, %swap3A_114], %select_n3A_111 {strides = array<i32>} : memref<4x128xi32, #tpu.memory_space<vmem>>, vector<16xi32>,
    %get3A_116 = arith.constant 144 : index
    %get3A_117 = tpu.vector_load %arg9[%get3A_116] {strides = array<i32>} : memref<512xi32, #tpu.memory_space<vmem>>, vector<16xi32>,
    %eq3A_118 = arith.constant -1 : i32
    %eq3A_119 = vector.broadcast %eq3A_118 : i32 to vector<16xi32>
    %eq3A_120 = arith.cmpi eq, %get3A_117, %eq3A_119 : vector<16xi32>
    %jit3A_121 = arith.constant 0 : i32
    %broadcast_in_dim3A_122 = vector.broadcast %jit3A_121 : i32 to vector<16xi32>
    %select_n3A_123 = arith.select %eq3A_120, %broadcast_in_dim3A_122, %get3A_117 : vector<16xi1>, vector<16xi32>
    %swap3A_124 = arith.constant 1 : i32
    %swap3A_125 = arith.index_cast %swap3A_124 : i32 to index
    %swap3A_126 = arith.constant 16 : index
    %swap3A_127 = tpu.vector_load %arg10[%swap3A_125, %swap3A_126] {strides = array<i32>} : memref<4x128xi32, #tpu.memory_space<vmem>>, vector<16xi32>,
    tpu.vector_store %arg10[%swap3A_125, %swap3A_126], %select_n3A_123 {strides = array<i32>} : memref<4x128xi32, #tpu.memory_space<vmem>>, vector<16xi32>,
    %get3A_128 = arith.constant 160 : index
    %get3A_129 = tpu.vector_load %arg9[%get3A_128] {strides = array<i32>} : memref<512xi32, #tpu.memory_space<vmem>>, vector<16xi32>,
    %eq3A_130 = arith.constant -1 : i32
    %eq3A_131 = vector.broadcast %eq3A_130 : i32 to vector<16xi32>
    %eq3A_132 = arith.cmpi eq, %get3A_129, %eq3A_131 : vector<16xi32>
    %jit3A_133 = arith.constant 0 : i32
    %broadcast_in_dim3A_134 = vector.broadcast %jit3A_133 : i32 to vector<16xi32>
    %select_n3A_135 = arith.select %eq3A_132, %broadcast_in_dim3A_134, %get3A_129 : vector<16xi1>, vector<16xi32>
    %swap3A_136 = arith.constant 1 : i32
    %swap3A_137 = arith.index_cast %swap3A_136 : i32 to index
    %swap3A_138 = arith.constant 32 : index
    %swap3A_139 = tpu.vector_load %arg10[%swap3A_137, %swap3A_138] {strides = array<i32>} : memref<4x128xi32, #tpu.memory_space<vmem>>, vector<16xi32>,
    tpu.vector_store %arg10[%swap3A_137, %swap3A_138], %select_n3A_135 {strides = array<i32>} : memref<4x128xi32, #tpu.memory_space<vmem>>, vector<16xi32>,
    %get3A_140 = arith.constant 176 : index
    %get3A_141 = tpu.vector_load %arg9[%get3A_140] {strides = array<i32>} : memref<512xi32, #tpu.memory_space<vmem>>, vector<16xi32>,
    %eq3A_142 = arith.constant -1 : i32
    %eq3A_143 = vector.broadcast %eq3A_142 : i32 to vector<16xi32>
    %eq3A_144 = arith.cmpi eq, %get3A_141, %eq3A_143 : vector<16xi32>
    %jit3A_145 = arith.constant 0 : i32
    %broadcast_in_dim3A_146 = vector.broadcast %jit3A_145 : i32 to vector<16xi32>
    %select_n3A_147 = arith.select %eq3A_144, %broadcast_in_dim3A_146, %get3A_141 : vector<16xi1>, vector<16xi32>
    %swap3A_148 = arith.constant 1 : i32
    %swap3A_149 = arith.index_cast %swap3A_148 : i32 to index
    %swap3A_150 = arith.constant 48 : index
    %swap3A_151 = tpu.vector_load %arg10[%swap3A_149, %swap3A_150] {strides = array<i32>} : memref<4x128xi32, #tpu.memory_space<vmem>>, vector<16xi32>,
    tpu.vector_store %arg10[%swap3A_149, %swap3A_150], %select_n3A_147 {strides = array<i32>} : memref<4x128xi32, #tpu.memory_space<vmem>>, vector<16xi32>,
    %get3A_152 = arith.constant 192 : index
    %get3A_153 = tpu.vector_load %arg9[%get3A_152] {strides = array<i32>} : memref<512xi32, #tpu.memory_space<vmem>>, vector<16xi32>,
    %eq3A_154 = arith.constant -1 : i32
    %eq3A_155 = vector.broadcast %eq3A_154 : i32 to vector<16xi32>
    %eq3A_156 = arith.cmpi eq, %get3A_153, %eq3A_155 : vector<16xi32>
    %jit3A_157 = arith.constant 0 : i32
    %broadcast_in_dim3A_158 = vector.broadcast %jit3A_157 : i32 to vector<16xi32>
    %select_n3A_159 = arith.select %eq3A_156, %broadcast_in_dim3A_158, %get3A_153 : vector<16xi1>, vector<16xi32>
    %swap3A_160 = arith.constant 1 : i32
    %swap3A_161 = arith.index_cast %swap3A_160 : i32 to index
    %swap3A_162 = arith.constant 64 : index
    %swap3A_163 = tpu.vector_load %arg10[%swap3A_161, %swap3A_162] {strides = array<i32>} : memref<4x128xi32, #tpu.memory_space<vmem>>, vector<16xi32>,
    tpu.vector_store %arg10[%swap3A_161, %swap3A_162], %select_n3A_159 {strides = array<i32>} : memref<4x128xi32, #tpu.memory_space<vmem>>, vector<16xi32>,
    %get3A_164 = arith.constant 208 : index
    %get3A_165 = tpu.vector_load %arg9[%get3A_164] {strides = array<i32>} : memref<512xi32, #tpu.memory_space<vmem>>, vector<16xi32>,
    %eq3A_166 = arith.constant -1 : i32
    %eq3A_167 = vector.broadcast %eq3A_166 : i32 to vector<16xi32>
    %eq3A_168 = arith.cmpi eq, %get3A_165, %eq3A_167 : vector<16xi32>
    %jit3A_169 = arith.constant 0 : i32
    %broadcast_in_dim3A_170 = vector.broadcast %jit3A_169 : i32 to vector<16xi32>
    %select_n3A_171 = arith.select %eq3A_168, %broadcast_in_dim3A_170, %get3A_165 : vector<16xi1>, vector<16xi32>
    %swap3A_172 = arith.constant 1 : i32
    %swap3A_173 = arith.index_cast %swap3A_172 : i32 to index
    %swap3A_174 = arith.constant 80 : index
    %swap3A_175 = tpu.vector_load %arg10[%swap3A_173, %swap3A_174] {strides = array<i32>} : memref<4x128xi32, #tpu.memory_space<vmem>>, vector<16xi32>,
    tpu.vector_store %arg10[%swap3A_173, %swap3A_174], %select_n3A_171 {strides = array<i32>} : memref<4x128xi32, #tpu.memory_space<vmem>>, vector<16xi32>,
    %get3A_176 = arith.constant 224 : index
    %get3A_177 = tpu.vector_load %arg9[%get3A_176] {strides = array<i32>} : memref<512xi32, #tpu.memory_space<vmem>>, vector<16xi32>,
    %eq3A_178 = arith.constant -1 : i32
    %eq3A_179 = vector.broadcast %eq3A_178 : i32 to vector<16xi32>
    %eq3A_180 = arith.cmpi eq, %get3A_177, %eq3A_179 : vector<16xi32>
    %jit3A_181 = arith.constant 0 : i32
    %broadcast_in_dim3A_182 = vector.broadcast %jit3A_181 : i32 to vector<16xi32>
    %select_n3A_183 = arith.select %eq3A_180, %broadcast_in_dim3A_182, %get3A_177 : vector<16xi1>, vector<16xi32>
    %swap3A_184 = arith.constant 1 : i32
    %swap3A_185 = arith.index_cast %swap3A_184 : i32 to index
    %swap3A_186 = arith.constant 96 : index
    %swap3A_187 = tpu.vector_load %arg10[%swap3A_185, %swap3A_186] {strides = array<i32>} : memref<4x128xi32, #tpu.memory_space<vmem>>, vector<16xi32>,
    tpu.vector_store %arg10[%swap3A_185, %swap3A_186], %select_n3A_183 {strides = array<i32>} : memref<4x128xi32, #tpu.memory_space<vmem>>, vector<16xi32>,
    %get3A_188 = arith.constant 240 : index
    %get3A_189 = tpu.vector_load %arg9[%get3A_188] {strides = array<i32>} : memref<512xi32, #tpu.memory_space<vmem>>, vector<16xi32>,
    %eq3A_190 = arith.constant -1 : i32
    %eq3A_191 = vector.broadcast %eq3A_190 : i32 to vector<16xi32>
    %eq3A_192 = arith.cmpi eq, %get3A_189, %eq3A_191 : vector<16xi32>
    %jit3A_193 = arith.constant 0 : i32
    %broadcast_in_dim3A_194 = vector.broadcast %jit3A_193 : i32 to vector<16xi32>
    %select_n3A_195 = arith.select %eq3A_192, %broadcast_in_dim3A_194, %get3A_189 : vector<16xi1>, vector<16xi32>
    %swap3A_196 = arith.constant 1 : i32
    %swap3A_197 = arith.index_cast %swap3A_196 : i32 to index
    %swap3A_198 = arith.constant 112 : index
    %swap3A_199 = tpu.vector_load %arg10[%swap3A_197, %swap3A_198] {strides = array<i32>} : memref<4x128xi32, #tpu.memory_space<vmem>>, vector<16xi32>,
    tpu.vector_store %arg10[%swap3A_197, %swap3A_198], %select_n3A_195 {strides = array<i32>} : memref<4x128xi32, #tpu.memory_space<vmem>>, vector<16xi32>,
    %get3A_200 = arith.constant 256 : index
    %get3A_201 = tpu.vector_load %arg9[%get3A_200] {strides = array<i32>} : memref<512xi32, #tpu.memory_space<vmem>>, vector<16xi32>,
    %eq3A_202 = arith.constant -1 : i32
    %eq3A_203 = vector.broadcast %eq3A_202 : i32 to vector<16xi32>
    %eq3A_204 = arith.cmpi eq, %get3A_201, %eq3A_203 : vector<16xi32>
    %jit3A_205 = arith.constant 0 : i32
    %broadcast_in_dim3A_206 = vector.broadcast %jit3A_205 : i32 to vector<16xi32>
    %select_n3A_207 = arith.select %eq3A_204, %broadcast_in_dim3A_206, %get3A_201 : vector<16xi1>, vector<16xi32>
    %swap3A_208 = arith.constant 2 : i32
    %swap3A_209 = arith.index_cast %swap3A_208 : i32 to index
    %swap3A_210 = arith.constant 0 : index
    %swap3A_211 = tpu.vector_load %arg10[%swap3A_209, %swap3A_210] {strides = array<i32>} : memref<4x128xi32, #tpu.memory_space<vmem>>, vector<16xi32>,
    tpu.vector_store %arg10[%swap3A_209, %swap3A_210], %select_n3A_207 {strides = array<i32>} : memref<4x128xi32, #tpu.memory_space<vmem>>, vector<16xi32>,
    %get3A_212 = arith.constant 272 : index
    %get3A_213 = tpu.vector_load %arg9[%get3A_212] {strides = array<i32>} : memref<512xi32, #tpu.memory_space<vmem>>, vector<16xi32>,
    %eq3A_214 = arith.constant -1 : i32
    %eq3A_215 = vector.broadcast %eq3A_214 : i32 to vector<16xi32>
    %eq3A_216 = arith.cmpi eq, %get3A_213, %eq3A_215 : vector<16xi32>
    %jit3A_217 = arith.constant 0 : i32
    %broadcast_in_dim3A_218 = vector.broadcast %jit3A_217 : i32 to vector<16xi32>
    %select_n3A_219 = arith.select %eq3A_216, %broadcast_in_dim3A_218, %get3A_213 : vector<16xi1>, vector<16xi32>
    %swap3A_220 = arith.constant 2 : i32
    %swap3A_221 = arith.index_cast %swap3A_220 : i32 to index
    %swap3A_222 = arith.constant 16 : index
    %swap3A_223 = tpu.vector_load %arg10[%swap3A_221, %swap3A_222] {strides = array<i32>} : memref<4x128xi32, #tpu.memory_space<vmem>>, vector<16xi32>,
    tpu.vector_store %arg10[%swap3A_221, %swap3A_222], %select_n3A_219 {strides = array<i32>} : memref<4x128xi32, #tpu.memory_space<vmem>>, vector<16xi32>,
    %get3A_224 = arith.constant 288 : index
    %get3A_225 = tpu.vector_load %arg9[%get3A_224] {strides = array<i32>} : memref<512xi32, #tpu.memory_space<vmem>>, vector<16xi32>,
    %eq3A_226 = arith.constant -1 : i32
    %eq3A_227 = vector.broadcast %eq3A_226 : i32 to vector<16xi32>
    %eq3A_228 = arith.cmpi eq, %get3A_225, %eq3A_227 : vector<16xi32>
    %jit3A_229 = arith.constant 0 : i32
    %broadcast_in_dim3A_230 = vector.broadcast %jit3A_229 : i32 to vector<16xi32>
    %select_n3A_231 = arith.select %eq3A_228, %broadcast_in_dim3A_230, %get3A_225 : vector<16xi1>, vector<16xi32>
    %swap3A_232 = arith.constant 2 : i32
    %swap3A_233 = arith.index_cast %swap3A_232 : i32 to index
    %swap3A_234 = arith.constant 32 : index
    %swap3A_235 = tpu.vector_load %arg10[%swap3A_233, %swap3A_234] {strides = array<i32>} : memref<4x128xi32, #tpu.memory_space<vmem>>, vector<16xi32>,
    tpu.vector_store %arg10[%swap3A_233, %swap3A_234], %select_n3A_231 {strides = array<i32>} : memref<4x128xi32, #tpu.memory_space<vmem>>, vector<16xi32>,
    %get3A_236 = arith.constant 304 : index
    %get3A_237 = tpu.vector_load %arg9[%get3A_236] {strides = array<i32>} : memref<512xi32, #tpu.memory_space<vmem>>, vector<16xi32>,
    %eq3A_238 = arith.constant -1 : i32
    %eq3A_239 = vector.broadcast %eq3A_238 : i32 to vector<16xi32>
    %eq3A_240 = arith.cmpi eq, %get3A_237, %eq3A_239 : vector<16xi32>
    %jit3A_241 = arith.constant 0 : i32
    %broadcast_in_dim3A_242 = vector.broadcast %jit3A_241 : i32 to vector<16xi32>
    %select_n3A_243 = arith.select %eq3A_240, %broadcast_in_dim3A_242, %get3A_237 : vector<16xi1>, vector<16xi32>
    %swap3A_244 = arith.constant 2 : i32
    %swap3A_245 = arith.index_cast %swap3A_244 : i32 to index
    %swap3A_246 = arith.constant 48 : index
    %swap3A_247 = tpu.vector_load %arg10[%swap3A_245, %swap3A_246] {strides = array<i32>} : memref<4x128xi32, #tpu.memory_space<vmem>>, vector<16xi32>,
    tpu.vector_store %arg10[%swap3A_245, %swap3A_246], %select_n3A_243 {strides = array<i32>} : memref<4x128xi32, #tpu.memory_space<vmem>>, vector<16xi32>,
    %get3A_248 = arith.constant 320 : index
    %get3A_249 = tpu.vector_load %arg9[%get3A_248] {strides = array<i32>} : memref<512xi32, #tpu.memory_space<vmem>>, vector<16xi32>,
    %eq3A_250 = arith.constant -1 : i32
    %eq3A_251 = vector.broadcast %eq3A_250 : i32 to vector<16xi32>
    %eq3A_252 = arith.cmpi eq, %get3A_249, %eq3A_251 : vector<16xi32>
    %jit3A_253 = arith.constant 0 : i32
    %broadcast_in_dim3A_254 = vector.broadcast %jit3A_253 : i32 to vector<16xi32>
    %select_n3A_255 = arith.select %eq3A_252, %broadcast_in_dim3A_254, %get3A_249 : vector<16xi1>, vector<16xi32>
    %swap3A_256 = arith.constant 2 : i32
    %swap3A_257 = arith.index_cast %swap3A_256 : i32 to index
    %swap3A_258 = arith.constant 64 : index
    %swap3A_259 = tpu.vector_load %arg10[%swap3A_257, %swap3A_258] {strides = array<i32>} : memref<4x128xi32, #tpu.memory_space<vmem>>, vector<16xi32>,
    tpu.vector_store %arg10[%swap3A_257, %swap3A_258], %select_n3A_255 {strides = array<i32>} : memref<4x128xi32, #tpu.memory_space<vmem>>, vector<16xi32>,
    %get3A_260 = arith.constant 336 : index
    %get3A_261 = tpu.vector_load %arg9[%get3A_260] {strides = array<i32>} : memref<512xi32, #tpu.memory_space<vmem>>, vector<16xi32>,
    %eq3A_262 = arith.constant -1 : i32
    %eq3A_263 = vector.broadcast %eq3A_262 : i32 to vector<16xi32>
    %eq3A_264 = arith.cmpi eq, %get3A_261, %eq3A_263 : vector<16xi32>
    %jit3A_265 = arith.constant 0 : i32
    %broadcast_in_dim3A_266 = vector.broadcast %jit3A_265 : i32 to vector<16xi32>
    %select_n3A_267 = arith.select %eq3A_264, %broadcast_in_dim3A_266, %get3A_261 : vector<16xi1>, vector<16xi32>
    %swap3A_268 = arith.constant 2 : i32
    %swap3A_269 = arith.index_cast %swap3A_268 : i32 to index
    %swap3A_270 = arith.constant 80 : index
    %swap3A_271 = tpu.vector_load %arg10[%swap3A_269, %swap3A_270] {strides = array<i32>} : memref<4x128xi32, #tpu.memory_space<vmem>>, vector<16xi32>,
    tpu.vector_store %arg10[%swap3A_269, %swap3A_270], %select_n3A_267 {strides = array<i32>} : memref<4x128xi32, #tpu.memory_space<vmem>>, vector<16xi32>,
    %get3A_272 = arith.constant 352 : index
    %get3A_273 = tpu.vector_load %arg9[%get3A_272] {strides = array<i32>} : memref<512xi32, #tpu.memory_space<vmem>>, vector<16xi32>,
    %eq3A_274 = arith.constant -1 : i32
    %eq3A_275 = vector.broadcast %eq3A_274 : i32 to vector<16xi32>
    %eq3A_276 = arith.cmpi eq, %get3A_273, %eq3A_275 : vector<16xi32>
    %jit3A_277 = arith.constant 0 : i32
    %broadcast_in_dim3A_278 = vector.broadcast %jit3A_277 : i32 to vector<16xi32>
    %select_n3A_279 = arith.select %eq3A_276, %broadcast_in_dim3A_278, %get3A_273 : vector<16xi1>, vector<16xi32>
    %swap3A_280 = arith.constant 2 : i32
    %swap3A_281 = arith.index_cast %swap3A_280 : i32 to index
    %swap3A_282 = arith.constant 96 : index
    %swap3A_283 = tpu.vector_load %arg10[%swap3A_281, %swap3A_282] {strides = array<i32>} : memref<4x128xi32, #tpu.memory_space<vmem>>, vector<16xi32>,
    tpu.vector_store %arg10[%swap3A_281, %swap3A_282], %select_n3A_279 {strides = array<i32>} : memref<4x128xi32, #tpu.memory_space<vmem>>, vector<16xi32>,
    %get3A_284 = arith.constant 368 : index
    %get3A_285 = tpu.vector_load %arg9[%get3A_284] {strides = array<i32>} : memref<512xi32, #tpu.memory_space<vmem>>, vector<16xi32>,
    %eq3A_286 = arith.constant -1 : i32
    %eq3A_287 = vector.broadcast %eq3A_286 : i32 to vector<16xi32>
    %eq3A_288 = arith.cmpi eq, %get3A_285, %eq3A_287 : vector<16xi32>
    %jit3A_289 = arith.constant 0 : i32
    %broadcast_in_dim3A_290 = vector.broadcast %jit3A_289 : i32 to vector<16xi32>
    %select_n3A_291 = arith.select %eq3A_288, %broadcast_in_dim3A_290, %get3A_285 : vector<16xi1>, vector<16xi32>
    %swap3A_292 = arith.constant 2 : i32
    %swap3A_293 = arith.index_cast %swap3A_292 : i32 to index
    %swap3A_294 = arith.constant 112 : index
    %swap3A_295 = tpu.vector_load %arg10[%swap3A_293, %swap3A_294] {strides = array<i32>} : memref<4x128xi32, #tpu.memory_space<vmem>>, vector<16xi32>,
    tpu.vector_store %arg10[%swap3A_293, %swap3A_294], %select_n3A_291 {strides = array<i32>} : memref<4x128xi32, #tpu.memory_space<vmem>>, vector<16xi32>,
    %get3A_296 = arith.constant 384 : index
    %get3A_297 = tpu.vector_load %arg9[%get3A_296] {strides = array<i32>} : memref<512xi32, #tpu.memory_space<vmem>>, vector<16xi32>,
    %eq3A_298 = arith.constant -1 : i32
    %eq3A_299 = vector.broadcast %eq3A_298 : i32 to vector<16xi32>
    %eq3A_300 = arith.cmpi eq, %get3A_297, %eq3A_299 : vector<16xi32>
    %jit3A_301 = arith.constant 0 : i32
    %broadcast_in_dim3A_302 = vector.broadcast %jit3A_301 : i32 to vector<16xi32>
    %select_n3A_303 = arith.select %eq3A_300, %broadcast_in_dim3A_302, %get3A_297 : vector<16xi1>, vector<16xi32>
    %swap3A_304 = arith.constant 3 : i32
    %swap3A_305 = arith.index_cast %swap3A_304 : i32 to index
    %swap3A_306 = arith.constant 0 : index
    %swap3A_307 = tpu.vector_load %arg10[%swap3A_305, %swap3A_306] {strides = array<i32>} : memref<4x128xi32, #tpu.memory_space<vmem>>, vector<16xi32>,
    tpu.vector_store %arg10[%swap3A_305, %swap3A_306], %select_n3A_303 {strides = array<i32>} : memref<4x128xi32, #tpu.memory_space<vmem>>, vector<16xi32>,
    %get3A_308 = arith.constant 400 : index
    %get3A_309 = tpu.vector_load %arg9[%get3A_308] {strides = array<i32>} : memref<512xi32, #tpu.memory_space<vmem>>, vector<16xi32>,
    %eq3A_310 = arith.constant -1 : i32
    %eq3A_311 = vector.broadcast %eq3A_310 : i32 to vector<16xi32>
    %eq3A_312 = arith.cmpi eq, %get3A_309, %eq3A_311 : vector<16xi32>
    %jit3A_313 = arith.constant 0 : i32
    %broadcast_in_dim3A_314 = vector.broadcast %jit3A_313 : i32 to vector<16xi32>
    %select_n3A_315 = arith.select %eq3A_312, %broadcast_in_dim3A_314, %get3A_309 : vector<16xi1>, vector<16xi32>
    %swap3A_316 = arith.constant 3 : i32
    %swap3A_317 = arith.index_cast %swap3A_316 : i32 to index
    %swap3A_318 = arith.constant 16 : index
    %swap3A_319 = tpu.vector_load %arg10[%swap3A_317, %swap3A_318] {strides = array<i32>} : memref<4x128xi32, #tpu.memory_space<vmem>>, vector<16xi32>,
    tpu.vector_store %arg10[%swap3A_317, %swap3A_318], %select_n3A_315 {strides = array<i32>} : memref<4x128xi32, #tpu.memory_space<vmem>>, vector<16xi32>,
    %get3A_320 = arith.constant 416 : index
    %get3A_321 = tpu.vector_load %arg9[%get3A_320] {strides = array<i32>} : memref<512xi32, #tpu.memory_space<vmem>>, vector<16xi32>,
    %eq3A_322 = arith.constant -1 : i32
    %eq3A_323 = vector.broadcast %eq3A_322 : i32 to vector<16xi32>
    %eq3A_324 = arith.cmpi eq, %get3A_321, %eq3A_323 : vector<16xi32>
    %jit3A_325 = arith.constant 0 : i32
    %broadcast_in_dim3A_326 = vector.broadcast %jit3A_325 : i32 to vector<16xi32>
    %select_n3A_327 = arith.select %eq3A_324, %broadcast_in_dim3A_326, %get3A_321 : vector<16xi1>, vector<16xi32>
    %swap3A_328 = arith.constant 3 : i32
    %swap3A_329 = arith.index_cast %swap3A_328 : i32 to index
    %swap3A_330 = arith.constant 32 : index
    %swap3A_331 = tpu.vector_load %arg10[%swap3A_329, %swap3A_330] {strides = array<i32>} : memref<4x128xi32, #tpu.memory_space<vmem>>, vector<16xi32>,
    tpu.vector_store %arg10[%swap3A_329, %swap3A_330], %select_n3A_327 {strides = array<i32>} : memref<4x128xi32, #tpu.memory_space<vmem>>, vector<16xi32>,
    %get3A_332 = arith.constant 432 : index
    %get3A_333 = tpu.vector_load %arg9[%get3A_332] {strides = array<i32>} : memref<512xi32, #tpu.memory_space<vmem>>, vector<16xi32>,
    %eq3A_334 = arith.constant -1 : i32
    %eq3A_335 = vector.broadcast %eq3A_334 : i32 to vector<16xi32>
    %eq3A_336 = arith.cmpi eq, %get3A_333, %eq3A_335 : vector<16xi32>
    %jit3A_337 = arith.constant 0 : i32
    %broadcast_in_dim3A_338 = vector.broadcast %jit3A_337 : i32 to vector<16xi32>
    %select_n3A_339 = arith.select %eq3A_336, %broadcast_in_dim3A_338, %get3A_333 : vector<16xi1>, vector<16xi32>
    %swap3A_340 = arith.constant 3 : i32
    %swap3A_341 = arith.index_cast %swap3A_340 : i32 to index
    %swap3A_342 = arith.constant 48 : index
    %swap3A_343 = tpu.vector_load %arg10[%swap3A_341, %swap3A_342] {strides = array<i32>} : memref<4x128xi32, #tpu.memory_space<vmem>>, vector<16xi32>,
    tpu.vector_store %arg10[%swap3A_341, %swap3A_342], %select_n3A_339 {strides = array<i32>} : memref<4x128xi32, #tpu.memory_space<vmem>>, vector<16xi32>,
    %get3A_344 = arith.constant 448 : index
    %get3A_345 = tpu.vector_load %arg9[%get3A_344] {strides = array<i32>} : memref<512xi32, #tpu.memory_space<vmem>>, vector<16xi32>,
    %eq3A_346 = arith.constant -1 : i32
    %eq3A_347 = vector.broadcast %eq3A_346 : i32 to vector<16xi32>
    %eq3A_348 = arith.cmpi eq, %get3A_345, %eq3A_347 : vector<16xi32>
    %jit3A_349 = arith.constant 0 : i32
    %broadcast_in_dim3A_350 = vector.broadcast %jit3A_349 : i32 to vector<16xi32>
    %select_n3A_351 = arith.select %eq3A_348, %broadcast_in_dim3A_350, %get3A_345 : vector<16xi1>, vector<16xi32>
    %swap3A_352 = arith.constant 3 : i32
    %swap3A_353 = arith.index_cast %swap3A_352 : i32 to index
    %swap3A_354 = arith.constant 64 : index
    %swap3A_355 = tpu.vector_load %arg10[%swap3A_353, %swap3A_354] {strides = array<i32>} : memref<4x128xi32, #tpu.memory_space<vmem>>, vector<16xi32>,
    tpu.vector_store %arg10[%swap3A_353, %swap3A_354], %select_n3A_351 {strides = array<i32>} : memref<4x128xi32, #tpu.memory_space<vmem>>, vector<16xi32>,
    %get3A_356 = arith.constant 464 : index
    %get3A_357 = tpu.vector_load %arg9[%get3A_356] {strides = array<i32>} : memref<512xi32, #tpu.memory_space<vmem>>, vector<16xi32>,
    %eq3A_358 = arith.constant -1 : i32
    %eq3A_359 = vector.broadcast %eq3A_358 : i32 to vector<16xi32>
    %eq3A_360 = arith.cmpi eq, %get3A_357, %eq3A_359 : vector<16xi32>
    %jit3A_361 = arith.constant 0 : i32
    %broadcast_in_dim3A_362 = vector.broadcast %jit3A_361 : i32 to vector<16xi32>
    %select_n3A_363 = arith.select %eq3A_360, %broadcast_in_dim3A_362, %get3A_357 : vector<16xi1>, vector<16xi32>
    %swap3A_364 = arith.constant 3 : i32
    %swap3A_365 = arith.index_cast %swap3A_364 : i32 to index
    %swap3A_366 = arith.constant 80 : index
    %swap3A_367 = tpu.vector_load %arg10[%swap3A_365, %swap3A_366] {strides = array<i32>} : memref<4x128xi32, #tpu.memory_space<vmem>>, vector<16xi32>,
    tpu.vector_store %arg10[%swap3A_365, %swap3A_366], %select_n3A_363 {strides = array<i32>} : memref<4x128xi32, #tpu.memory_space<vmem>>, vector<16xi32>,
    %get3A_368 = arith.constant 480 : index
    %get3A_369 = tpu.vector_load %arg9[%get3A_368] {strides = array<i32>} : memref<512xi32, #tpu.memory_space<vmem>>, vector<16xi32>,
    %eq3A_370 = arith.constant -1 : i32
    %eq3A_371 = vector.broadcast %eq3A_370 : i32 to vector<16xi32>
    %eq3A_372 = arith.cmpi eq, %get3A_369, %eq3A_371 : vector<16xi32>
    %jit3A_373 = arith.constant 0 : i32
    %broadcast_in_dim3A_374 = vector.broadcast %jit3A_373 : i32 to vector<16xi32>
    %select_n3A_375 = arith.select %eq3A_372, %broadcast_in_dim3A_374, %get3A_369 : vector<16xi1>, vector<16xi32>
    %swap3A_376 = arith.constant 3 : i32
    %swap3A_377 = arith.index_cast %swap3A_376 : i32 to index
    %swap3A_378 = arith.constant 96 : index
    %swap3A_379 = tpu.vector_load %arg10[%swap3A_377, %swap3A_378] {strides = array<i32>} : memref<4x128xi32, #tpu.memory_space<vmem>>, vector<16xi32>,
    tpu.vector_store %arg10[%swap3A_377, %swap3A_378], %select_n3A_375 {strides = array<i32>} : memref<4x128xi32, #tpu.memory_space<vmem>>, vector<16xi32>,
    %get3A_380 = arith.constant 496 : index
    %get3A_381 = tpu.vector_load %arg9[%get3A_380] {strides = array<i32>} : memref<512xi32, #tpu.memory_space<vmem>>, vector<16xi32>,
    %eq3A_382 = arith.constant -1 : i32
    %eq3A_383 = vector.broadcast %eq3A_382 : i32 to vector<16xi32>
    %eq3A_384 = arith.cmpi eq, %get3A_381, %eq3A_383 : vector<16xi32>
    %jit3A_385 = arith.constant 0 : i32
    %broadcast_in_dim3A_386 = vector.broadcast %jit3A_385 : i32 to vector<16xi32>
    %select_n3A_387 = arith.select %eq3A_384, %broadcast_in_dim3A_386, %get3A_381 : vector<16xi1>, vector<16xi32>
    %swap3A_388 = arith.constant 3 : i32
    %swap3A_389 = arith.index_cast %swap3A_388 : i32 to index
    %swap3A_390 = arith.constant 112 : index
    %swap3A_391 = tpu.vector_load %arg10[%swap3A_389, %swap3A_390] {strides = array<i32>} : memref<4x128xi32, #tpu.memory_space<vmem>>, vector<16xi32>,
    tpu.vector_store %arg10[%swap3A_389, %swap3A_390], %select_n3A_387 {strides = array<i32>} : memref<4x128xi32, #tpu.memory_space<vmem>>, vector<16xi32>,
    %dma_start3A = arith.constant 0 : i32
    %dma_start3A_392 = arith.constant 0 : i32
    %dma_start3A_393 = arith.constant 0 : i32
    %dma_start3A_394 = tpu.memref_slice %arg11[%dma_start3A_392, %dma_start3A_393] : memref<512x32xf32, #tpu.memory_space<vmem>> -> memref<128x32xf32, #tpu.memory_space<vmem>>
    %dma_start3A_395 = arith.constant 0 : i32
    %dma_start3A_396 = tpu.memref_slice %arg8[%dma_start3A, %dma_start3A_395] : memref<4x128xi32, #tpu.memory_space<vmem>> -> memref<1x128xi32, #tpu.memory_space<vmem>>
    %dma_start3A_397 = tpu.memref_squeeze %dma_start3A_396 : memref<1x128xi32, #tpu.memory_space<vmem>> -> memref<128xi32, #tpu.memory_space<vmem>>
    %dma_start3A_398 = arith.constant 0 : i32
    %dma_start3A_399 = arith.constant 0 : i32
    %dma_start3A_400 = tpu.memref_slice %arg4[%dma_start3A_398, %dma_start3A_399] : memref<1000000x32xf32, #tpu.memory_space<hbm>> -> memref<1000000x32xf32, #tpu.memory_space<hbm>>
    tpu.enqueue_indirect_dma source(%dma_start3A_400 : memref<1000000x32xf32, #tpu.memory_space<hbm>>) target(%dma_start3A_394 : memref<128x32xf32, #tpu.memory_space<vmem>>) offsets(%dma_start3A_397 : memref<128xi32, #tpu.memory_space<vmem>>) semaphore(%arg15 : memref<!tpu.dma_semaphore, #tpu.memory_space<semaphore_mem>>)
    %dma_start3A_401 = arith.constant 0 : i32
    %dma_start3A_402 = arith.constant 0 : i32
    %dma_start3A_403 = arith.constant 0 : i32
    %dma_start3A_404 = tpu.memref_slice %arg12[%dma_start3A_402, %dma_start3A_403] : memref<512x32xf32, #tpu.memory_space<vmem>> -> memref<128x32xf32, #tpu.memory_space<vmem>>
    %dma_start3A_405 = arith.constant 0 : i32
    %dma_start3A_406 = tpu.memref_slice %arg10[%dma_start3A_401, %dma_start3A_405] : memref<4x128xi32, #tpu.memory_space<vmem>> -> memref<1x128xi32, #tpu.memory_space<vmem>>
    %dma_start3A_407 = tpu.memref_squeeze %dma_start3A_406 : memref<1x128xi32, #tpu.memory_space<vmem>> -> memref<128xi32, #tpu.memory_space<vmem>>
    %dma_start3A_408 = arith.constant 0 : i32
    %dma_start3A_409 = arith.constant 0 : i32
    %dma_start3A_410 = tpu.memref_slice %arg5[%dma_start3A_408, %dma_start3A_409] : memref<1000000x32xf32, #tpu.memory_space<hbm>> -> memref<1000000x32xf32, #tpu.memory_space<hbm>>
    tpu.enqueue_indirect_dma source(%dma_start3A_410 : memref<1000000x32xf32, #tpu.memory_space<hbm>>) target(%dma_start3A_404 : memref<128x32xf32, #tpu.memory_space<vmem>>) offsets(%dma_start3A_407 : memref<128xi32, #tpu.memory_space<vmem>>) semaphore(%arg15 : memref<!tpu.dma_semaphore, #tpu.memory_space<semaphore_mem>>)
    %dma_start3A_411 = arith.constant 0 : i32
    %dma_start3A_412 = arith.constant 0 : i32
    %dma_start3A_413 = tpu.memref_slice %arg13[%dma_start3A_412] : memref<512xf32, #tpu.memory_space<vmem>> -> memref<128xf32, #tpu.memory_space<vmem>>
    %dma_start3A_414 = arith.constant 0 : i32
    %dma_start3A_415 = tpu.memref_slice %arg10[%dma_start3A_411, %dma_start3A_414] : memref<4x128xi32, #tpu.memory_space<vmem>> -> memref<1x128xi32, #tpu.memory_space<vmem>>
    %dma_start3A_416 = tpu.memref_squeeze %dma_start3A_415 : memref<1x128xi32, #tpu.memory_space<vmem>> -> memref<128xi32, #tpu.memory_space<vmem>>
    %dma_start3A_417 = arith.constant 0 : i32
    %dma_start3A_418 = tpu.memref_slice %arg6[%dma_start3A_417] : memref<1000000xf32, #tpu.memory_space<hbm>> -> memref<1000000xf32, #tpu.memory_space<hbm>>
    tpu.enqueue_indirect_dma source(%dma_start3A_418 : memref<1000000xf32, #tpu.memory_space<hbm>>) target(%dma_start3A_413 : memref<128xf32, #tpu.memory_space<vmem>>) offsets(%dma_start3A_416 : memref<128xi32, #tpu.memory_space<vmem>>) semaphore(%arg15 : memref<!tpu.dma_semaphore, #tpu.memory_space<semaphore_mem>>)
    %dma_start3A_419 = arith.constant 1 : i32
    %dma_start3A_420 = arith.constant 128 : i32
    %dma_start3A_421 = arith.constant 0 : i32
    %dma_start3A_422 = tpu.memref_slice %arg11[%dma_start3A_420, %dma_start3A_421] : memref<512x32xf32, #tpu.memory_space<vmem>> -> memref<128x32xf32, #tpu.memory_space<vmem>>
    %dma_start3A_423 = arith.constant 0 : i32
    %dma_start3A_424 = tpu.memref_slice %arg8[%dma_start3A_419, %dma_start3A_423] : memref<4x128xi32, #tpu.memory_space<vmem>> -> memref<1x128xi32, #tpu.memory_space<vmem>>
    %dma_start3A_425 = tpu.memref_squeeze %dma_start3A_424 : memref<1x128xi32, #tpu.memory_space<vmem>> -> memref<128xi32, #tpu.memory_space<vmem>>
    %dma_start3A_426 = arith.constant 0 : i32
    %dma_start3A_427 = arith.constant 0 : i32
    %dma_start3A_428 = tpu.memref_slice %arg4[%dma_start3A_426, %dma_start3A_427] : memref<1000000x32xf32, #tpu.memory_space<hbm>> -> memref<1000000x32xf32, #tpu.memory_space<hbm>>
    tpu.enqueue_indirect_dma source(%dma_start3A_428 : memref<1000000x32xf32, #tpu.memory_space<hbm>>) target(%dma_start3A_422 : memref<128x32xf32, #tpu.memory_space<vmem>>) offsets(%dma_start3A_425 : memref<128xi32, #tpu.memory_space<vmem>>) semaphore(%arg15 : memref<!tpu.dma_semaphore, #tpu.memory_space<semaphore_mem>>)
    %dma_start3A_429 = arith.constant 1 : i32
    %dma_start3A_430 = arith.constant 128 : i32
    %dma_start3A_431 = arith.constant 0 : i32
    %dma_start3A_432 = tpu.memref_slice %arg12[%dma_start3A_430, %dma_start3A_431] : memref<512x32xf32, #tpu.memory_space<vmem>> -> memref<128x32xf32, #tpu.memory_space<vmem>>
    %dma_start3A_433 = arith.constant 0 : i32
    %dma_start3A_434 = tpu.memref_slice %arg10[%dma_start3A_429, %dma_start3A_433] : memref<4x128xi32, #tpu.memory_space<vmem>> -> memref<1x128xi32, #tpu.memory_space<vmem>>
    %dma_start3A_435 = tpu.memref_squeeze %dma_start3A_434 : memref<1x128xi32, #tpu.memory_space<vmem>> -> memref<128xi32, #tpu.memory_space<vmem>>
    %dma_start3A_436 = arith.constant 0 : i32
    %dma_start3A_437 = arith.constant 0 : i32
    %dma_start3A_438 = tpu.memref_slice %arg5[%dma_start3A_436, %dma_start3A_437] : memref<1000000x32xf32, #tpu.memory_space<hbm>> -> memref<1000000x32xf32, #tpu.memory_space<hbm>>
    tpu.enqueue_indirect_dma source(%dma_start3A_438 : memref<1000000x32xf32, #tpu.memory_space<hbm>>) target(%dma_start3A_432 : memref<128x32xf32, #tpu.memory_space<vmem>>) offsets(%dma_start3A_435 : memref<128xi32, #tpu.memory_space<vmem>>) semaphore(%arg15 : memref<!tpu.dma_semaphore, #tpu.memory_space<semaphore_mem>>)
    %dma_start3A_439 = arith.constant 1 : i32
    %dma_start3A_440 = arith.constant 128 : i32
    %dma_start3A_441 = tpu.memref_slice %arg13[%dma_start3A_440] : memref<512xf32, #tpu.memory_space<vmem>> -> memref<128xf32, #tpu.memory_space<vmem>>
    %dma_start3A_442 = arith.constant 0 : i32
    %dma_start3A_443 = tpu.memref_slice %arg10[%dma_start3A_439, %dma_start3A_442] : memref<4x128xi32, #tpu.memory_space<vmem>> -> memref<1x128xi32, #tpu.memory_space<vmem>>
    %dma_start3A_444 = tpu.memref_squeeze %dma_start3A_443 : memref<1x128xi32, #tpu.memory_space<vmem>> -> memref<128xi32, #tpu.memory_space<vmem>>
    %dma_start3A_445 = arith.constant 0 : i32
    %dma_start3A_446 = tpu.memref_slice %arg6[%dma_start3A_445] : memref<1000000xf32, #tpu.memory_space<hbm>> -> memref<1000000xf32, #tpu.memory_space<hbm>>
    tpu.enqueue_indirect_dma source(%dma_start3A_446 : memref<1000000xf32, #tpu.memory_space<hbm>>) target(%dma_start3A_441 : memref<128xf32, #tpu.memory_space<vmem>>) offsets(%dma_start3A_444 : memref<128xi32, #tpu.memory_space<vmem>>) semaphore(%arg15 : memref<!tpu.dma_semaphore, #tpu.memory_space<semaphore_mem>>)
    %dma_start3A_447 = arith.constant 2 : i32
    %dma_start3A_448 = arith.constant 256 : i32
    %dma_start3A_449 = arith.constant 0 : i32
    %dma_start3A_450 = tpu.memref_slice %arg11[%dma_start3A_448, %dma_start3A_449] : memref<512x32xf32, #tpu.memory_space<vmem>> -> memref<128x32xf32, #tpu.memory_space<vmem>>
    %dma_start3A_451 = arith.constant 0 : i32
    %dma_start3A_452 = tpu.memref_slice %arg8[%dma_start3A_447, %dma_start3A_451] : memref<4x128xi32, #tpu.memory_space<vmem>> -> memref<1x128xi32, #tpu.memory_space<vmem>>
    %dma_start3A_453 = tpu.memref_squeeze %dma_start3A_452 : memref<1x128xi32, #tpu.memory_space<vmem>> -> memref<128xi32, #tpu.memory_space<vmem>>
    %dma_start3A_454 = arith.constant 0 : i32
    %dma_start3A_455 = arith.constant 0 : i32
    %dma_start3A_456 = tpu.memref_slice %arg4[%dma_start3A_454, %dma_start3A_455] : memref<1000000x32xf32, #tpu.memory_space<hbm>> -> memref<1000000x32xf32, #tpu.memory_space<hbm>>
    tpu.enqueue_indirect_dma source(%dma_start3A_456 : memref<1000000x32xf32, #tpu.memory_space<hbm>>) target(%dma_start3A_450 : memref<128x32xf32, #tpu.memory_space<vmem>>) offsets(%dma_start3A_453 : memref<128xi32, #tpu.memory_space<vmem>>) semaphore(%arg15 : memref<!tpu.dma_semaphore, #tpu.memory_space<semaphore_mem>>)
    %dma_start3A_457 = arith.constant 2 : i32
    %dma_start3A_458 = arith.constant 256 : i32
    %dma_start3A_459 = arith.constant 0 : i32
    %dma_start3A_460 = tpu.memref_slice %arg12[%dma_start3A_458, %dma_start3A_459] : memref<512x32xf32, #tpu.memory_space<vmem>> -> memref<128x32xf32, #tpu.memory_space<vmem>>
    %dma_start3A_461 = arith.constant 0 : i32
    %dma_start3A_462 = tpu.memref_slice %arg10[%dma_start3A_457, %dma_start3A_461] : memref<4x128xi32, #tpu.memory_space<vmem>> -> memref<1x128xi32, #tpu.memory_space<vmem>>
    %dma_start3A_463 = tpu.memref_squeeze %dma_start3A_462 : memref<1x128xi32, #tpu.memory_space<vmem>> -> memref<128xi32, #tpu.memory_space<vmem>>
    %dma_start3A_464 = arith.constant 0 : i32
    %dma_start3A_465 = arith.constant 0 : i32
    %dma_start3A_466 = tpu.memref_slice %arg5[%dma_start3A_464, %dma_start3A_465] : memref<1000000x32xf32, #tpu.memory_space<hbm>> -> memref<1000000x32xf32, #tpu.memory_space<hbm>>
    tpu.enqueue_indirect_dma source(%dma_start3A_466 : memref<1000000x32xf32, #tpu.memory_space<hbm>>) target(%dma_start3A_460 : memref<128x32xf32, #tpu.memory_space<vmem>>) offsets(%dma_start3A_463 : memref<128xi32, #tpu.memory_space<vmem>>) semaphore(%arg15 : memref<!tpu.dma_semaphore, #tpu.memory_space<semaphore_mem>>)
    %dma_start3A_467 = arith.constant 2 : i32
    %dma_start3A_468 = arith.constant 256 : i32
    %dma_start3A_469 = tpu.memref_slice %arg13[%dma_start3A_468] : memref<512xf32, #tpu.memory_space<vmem>> -> memref<128xf32, #tpu.memory_space<vmem>>
    %dma_start3A_470 = arith.constant 0 : i32
    %dma_start3A_471 = tpu.memref_slice %arg10[%dma_start3A_467, %dma_start3A_470] : memref<4x128xi32, #tpu.memory_space<vmem>> -> memref<1x128xi32, #tpu.memory_space<vmem>>
    %dma_start3A_472 = tpu.memref_squeeze %dma_start3A_471 : memref<1x128xi32, #tpu.memory_space<vmem>> -> memref<128xi32, #tpu.memory_space<vmem>>
    %dma_start3A_473 = arith.constant 0 : i32
    %dma_start3A_474 = tpu.memref_slice %arg6[%dma_start3A_473] : memref<1000000xf32, #tpu.memory_space<hbm>> -> memref<1000000xf32, #tpu.memory_space<hbm>>
    tpu.enqueue_indirect_dma source(%dma_start3A_474 : memref<1000000xf32, #tpu.memory_space<hbm>>) target(%dma_start3A_469 : memref<128xf32, #tpu.memory_space<vmem>>) offsets(%dma_start3A_472 : memref<128xi32, #tpu.memory_space<vmem>>) semaphore(%arg15 : memref<!tpu.dma_semaphore, #tpu.memory_space<semaphore_mem>>)
    %dma_start3A_475 = arith.constant 3 : i32
    %dma_start3A_476 = arith.constant 384 : i32
    %dma_start3A_477 = arith.constant 0 : i32
    %dma_start3A_478 = tpu.memref_slice %arg11[%dma_start3A_476, %dma_start3A_477] : memref<512x32xf32, #tpu.memory_space<vmem>> -> memref<128x32xf32, #tpu.memory_space<vmem>>
    %dma_start3A_479 = arith.constant 0 : i32
    %dma_start3A_480 = tpu.memref_slice %arg8[%dma_start3A_475, %dma_start3A_479] : memref<4x128xi32, #tpu.memory_space<vmem>> -> memref<1x128xi32, #tpu.memory_space<vmem>>
    %dma_start3A_481 = tpu.memref_squeeze %dma_start3A_480 : memref<1x128xi32, #tpu.memory_space<vmem>> -> memref<128xi32, #tpu.memory_space<vmem>>
    %dma_start3A_482 = arith.constant 0 : i32
    %dma_start3A_483 = arith.constant 0 : i32
    %dma_start3A_484 = tpu.memref_slice %arg4[%dma_start3A_482, %dma_start3A_483] : memref<1000000x32xf32, #tpu.memory_space<hbm>> -> memref<1000000x32xf32, #tpu.memory_space<hbm>>
    tpu.enqueue_indirect_dma source(%dma_start3A_484 : memref<1000000x32xf32, #tpu.memory_space<hbm>>) target(%dma_start3A_478 : memref<128x32xf32, #tpu.memory_space<vmem>>) offsets(%dma_start3A_481 : memref<128xi32, #tpu.memory_space<vmem>>) semaphore(%arg15 : memref<!tpu.dma_semaphore, #tpu.memory_space<semaphore_mem>>)
    %dma_start3A_485 = arith.constant 3 : i32
    %dma_start3A_486 = arith.constant 384 : i32
    %dma_start3A_487 = arith.constant 0 : i32
    %dma_start3A_488 = tpu.memref_slice %arg12[%dma_start3A_486, %dma_start3A_487] : memref<512x32xf32, #tpu.memory_space<vmem>> -> memref<128x32xf32, #tpu.memory_space<vmem>>
    %dma_start3A_489 = arith.constant 0 : i32
    %dma_start3A_490 = tpu.memref_slice %arg10[%dma_start3A_485, %dma_start3A_489] : memref<4x128xi32, #tpu.memory_space<vmem>> -> memref<1x128xi32, #tpu.memory_space<vmem>>
    %dma_start3A_491 = tpu.memref_squeeze %dma_start3A_490 : memref<1x128xi32, #tpu.memory_space<vmem>> -> memref<128xi32, #tpu.memory_space<vmem>>
    %dma_start3A_492 = arith.constant 0 : i32
    %dma_start3A_493 = arith.constant 0 : i32
    %dma_start3A_494 = tpu.memref_slice %arg5[%dma_start3A_492, %dma_start3A_493] : memref<1000000x32xf32, #tpu.memory_space<hbm>> -> memref<1000000x32xf32, #tpu.memory_space<hbm>>
    tpu.enqueue_indirect_dma source(%dma_start3A_494 : memref<1000000x32xf32, #tpu.memory_space<hbm>>) target(%dma_start3A_488 : memref<128x32xf32, #tpu.memory_space<vmem>>) offsets(%dma_start3A_491 : memref<128xi32, #tpu.memory_space<vmem>>) semaphore(%arg15 : memref<!tpu.dma_semaphore, #tpu.memory_space<semaphore_mem>>)
    %dma_start3A_495 = arith.constant 3 : i32
    %dma_start3A_496 = arith.constant 384 : i32
    %dma_start3A_497 = tpu.memref_slice %arg13[%dma_start3A_496] : memref<512xf32, #tpu.memory_space<vmem>> -> memref<128xf32, #tpu.memory_space<vmem>>
    %dma_start3A_498 = arith.constant 0 : i32
    %dma_start3A_499 = tpu.memref_slice %arg10[%dma_start3A_495, %dma_start3A_498] : memref<4x128xi32, #tpu.memory_space<vmem>> -> memref<1x128xi32, #tpu.memory_space<vmem>>
    %dma_start3A_500 = tpu.memref_squeeze %dma_start3A_499 : memref<1x128xi32, #tpu.memory_space<vmem>> -> memref<128xi32, #tpu.memory_space<vmem>>
    %dma_start3A_501 = arith.constant 0 : i32
    %dma_start3A_502 = tpu.memref_slice %arg6[%dma_start3A_501] : memref<1000000xf32, #tpu.memory_space<hbm>> -> memref<1000000xf32, #tpu.memory_space<hbm>>
    tpu.enqueue_indirect_dma source(%dma_start3A_502 : memref<1000000xf32, #tpu.memory_space<hbm>>) target(%dma_start3A_497 : memref<128xf32, #tpu.memory_space<vmem>>) offsets(%dma_start3A_500 : memref<128xi32, #tpu.memory_space<vmem>>) semaphore(%arg15 : memref<!tpu.dma_semaphore, #tpu.memory_space<semaphore_mem>>)
    %dma_wait3A = arith.constant 0 : i32
    %dma_wait3A_503 = arith.constant 0 : i32
    %dma_wait3A_504 = arith.constant 0 : i32
    %dma_wait3A_505 = tpu.memref_slice %arg11[%dma_wait3A_503, %dma_wait3A_504] : memref<512x32xf32, #tpu.memory_space<vmem>> -> memref<128x32xf32, #tpu.memory_space<vmem>>
    %dma_wait3A_506 = arith.constant 0 : i32
    %dma_wait3A_507 = tpu.memref_slice %arg8[%dma_wait3A, %dma_wait3A_506] : memref<4x128xi32, #tpu.memory_space<vmem>> -> memref<1x128xi32, #tpu.memory_space<vmem>>
    %dma_wait3A_508 = tpu.memref_squeeze %dma_wait3A_507 : memref<1x128xi32, #tpu.memory_space<vmem>> -> memref<128xi32, #tpu.memory_space<vmem>>
    %dma_wait3A_509 = arith.constant 0 : i32
    %dma_wait3A_510 = arith.constant 0 : i32
    %dma_wait3A_511 = tpu.memref_slice %arg4[%dma_wait3A_509, %dma_wait3A_510] : memref<1000000x32xf32, #tpu.memory_space<hbm>> -> memref<1000000x32xf32, #tpu.memory_space<hbm>>
    tpu.wait_indirect_dma semaphore(%arg15 : memref<!tpu.dma_semaphore, #tpu.memory_space<semaphore_mem>>) src(%dma_wait3A_511 : memref<1000000x32xf32, #tpu.memory_space<hbm>>) dst(%dma_wait3A_505 : memref<128x32xf32, #tpu.memory_space<vmem>>)
    %dma_wait3A_512 = arith.constant 0 : i32
    %dma_wait3A_513 = arith.constant 0 : i32
    %dma_wait3A_514 = arith.constant 0 : i32
    %dma_wait3A_515 = tpu.memref_slice %arg12[%dma_wait3A_513, %dma_wait3A_514] : memref<512x32xf32, #tpu.memory_space<vmem>> -> memref<128x32xf32, #tpu.memory_space<vmem>>
    %dma_wait3A_516 = arith.constant 0 : i32
    %dma_wait3A_517 = tpu.memref_slice %arg10[%dma_wait3A_512, %dma_wait3A_516] : memref<4x128xi32, #tpu.memory_space<vmem>> -> memref<1x128xi32, #tpu.memory_space<vmem>>
    %dma_wait3A_518 = tpu.memref_squeeze %dma_wait3A_517 : memref<1x128xi32, #tpu.memory_space<vmem>> -> memref<128xi32, #tpu.memory_space<vmem>>
    %dma_wait3A_519 = arith.constant 0 : i32
    %dma_wait3A_520 = arith.constant 0 : i32
    %dma_wait3A_521 = tpu.memref_slice %arg5[%dma_wait3A_519, %dma_wait3A_520] : memref<1000000x32xf32, #tpu.memory_space<hbm>> -> memref<1000000x32xf32, #tpu.memory_space<hbm>>
    tpu.wait_indirect_dma semaphore(%arg15 : memref<!tpu.dma_semaphore, #tpu.memory_space<semaphore_mem>>) src(%dma_wait3A_521 : memref<1000000x32xf32, #tpu.memory_space<hbm>>) dst(%dma_wait3A_515 : memref<128x32xf32, #tpu.memory_space<vmem>>)
    %dma_wait3A_522 = arith.constant 0 : i32
    %dma_wait3A_523 = arith.constant 0 : i32
    %dma_wait3A_524 = tpu.memref_slice %arg13[%dma_wait3A_523] : memref<512xf32, #tpu.memory_space<vmem>> -> memref<128xf32, #tpu.memory_space<vmem>>
    %dma_wait3A_525 = arith.constant 0 : i32
    %dma_wait3A_526 = tpu.memref_slice %arg10[%dma_wait3A_522, %dma_wait3A_525] : memref<4x128xi32, #tpu.memory_space<vmem>> -> memref<1x128xi32, #tpu.memory_space<vmem>>
    %dma_wait3A_527 = tpu.memref_squeeze %dma_wait3A_526 : memref<1x128xi32, #tpu.memory_space<vmem>> -> memref<128xi32, #tpu.memory_space<vmem>>
    %dma_wait3A_528 = arith.constant 0 : i32
    %dma_wait3A_529 = tpu.memref_slice %arg6[%dma_wait3A_528] : memref<1000000xf32, #tpu.memory_space<hbm>> -> memref<1000000xf32, #tpu.memory_space<hbm>>
    tpu.wait_indirect_dma semaphore(%arg15 : memref<!tpu.dma_semaphore, #tpu.memory_space<semaphore_mem>>) src(%dma_wait3A_529 : memref<1000000xf32, #tpu.memory_space<hbm>>) dst(%dma_wait3A_524 : memref<128xf32, #tpu.memory_space<vmem>>)
    %dma_wait3A_530 = arith.constant 1 : i32
    %dma_wait3A_531 = arith.constant 128 : i32
    %dma_wait3A_532 = arith.constant 0 : i32
    %dma_wait3A_533 = tpu.memref_slice %arg11[%dma_wait3A_531, %dma_wait3A_532] : memref<512x32xf32, #tpu.memory_space<vmem>> -> memref<128x32xf32, #tpu.memory_space<vmem>>
    %dma_wait3A_534 = arith.constant 0 : i32
    %dma_wait3A_535 = tpu.memref_slice %arg8[%dma_wait3A_530, %dma_wait3A_534] : memref<4x128xi32, #tpu.memory_space<vmem>> -> memref<1x128xi32, #tpu.memory_space<vmem>>
    %dma_wait3A_536 = tpu.memref_squeeze %dma_wait3A_535 : memref<1x128xi32, #tpu.memory_space<vmem>> -> memref<128xi32, #tpu.memory_space<vmem>>
    %dma_wait3A_537 = arith.constant 0 : i32
    %dma_wait3A_538 = arith.constant 0 : i32
    %dma_wait3A_539 = tpu.memref_slice %arg4[%dma_wait3A_537, %dma_wait3A_538] : memref<1000000x32xf32, #tpu.memory_space<hbm>> -> memref<1000000x32xf32, #tpu.memory_space<hbm>>
    tpu.wait_indirect_dma semaphore(%arg15 : memref<!tpu.dma_semaphore, #tpu.memory_space<semaphore_mem>>) src(%dma_wait3A_539 : memref<1000000x32xf32, #tpu.memory_space<hbm>>) dst(%dma_wait3A_533 : memref<128x32xf32, #tpu.memory_space<vmem>>)
    %dma_wait3A_540 = arith.constant 1 : i32
    %dma_wait3A_541 = arith.constant 128 : i32
    %dma_wait3A_542 = arith.constant 0 : i32
    %dma_wait3A_543 = tpu.memref_slice %arg12[%dma_wait3A_541, %dma_wait3A_542] : memref<512x32xf32, #tpu.memory_space<vmem>> -> memref<128x32xf32, #tpu.memory_space<vmem>>
    %dma_wait3A_544 = arith.constant 0 : i32
    %dma_wait3A_545 = tpu.memref_slice %arg10[%dma_wait3A_540, %dma_wait3A_544] : memref<4x128xi32, #tpu.memory_space<vmem>> -> memref<1x128xi32, #tpu.memory_space<vmem>>
    %dma_wait3A_546 = tpu.memref_squeeze %dma_wait3A_545 : memref<1x128xi32, #tpu.memory_space<vmem>> -> memref<128xi32, #tpu.memory_space<vmem>>
    %dma_wait3A_547 = arith.constant 0 : i32
    %dma_wait3A_548 = arith.constant 0 : i32
    %dma_wait3A_549 = tpu.memref_slice %arg5[%dma_wait3A_547, %dma_wait3A_548] : memref<1000000x32xf32, #tpu.memory_space<hbm>> -> memref<1000000x32xf32, #tpu.memory_space<hbm>>
    tpu.wait_indirect_dma semaphore(%arg15 : memref<!tpu.dma_semaphore, #tpu.memory_space<semaphore_mem>>) src(%dma_wait3A_549 : memref<1000000x32xf32, #tpu.memory_space<hbm>>) dst(%dma_wait3A_543 : memref<128x32xf32, #tpu.memory_space<vmem>>)
    %dma_wait3A_550 = arith.constant 1 : i32
    %dma_wait3A_551 = arith.constant 128 : i32
    %dma_wait3A_552 = tpu.memref_slice %arg13[%dma_wait3A_551] : memref<512xf32, #tpu.memory_space<vmem>> -> memref<128xf32, #tpu.memory_space<vmem>>
    %dma_wait3A_553 = arith.constant 0 : i32
    %dma_wait3A_554 = tpu.memref_slice %arg10[%dma_wait3A_550, %dma_wait3A_553] : memref<4x128xi32, #tpu.memory_space<vmem>> -> memref<1x128xi32, #tpu.memory_space<vmem>>
    %dma_wait3A_555 = tpu.memref_squeeze %dma_wait3A_554 : memref<1x128xi32, #tpu.memory_space<vmem>> -> memref<128xi32, #tpu.memory_space<vmem>>
    %dma_wait3A_556 = arith.constant 0 : i32
    %dma_wait3A_557 = tpu.memref_slice %arg6[%dma_wait3A_556] : memref<1000000xf32, #tpu.memory_space<hbm>> -> memref<1000000xf32, #tpu.memory_space<hbm>>
    tpu.wait_indirect_dma semaphore(%arg15 : memref<!tpu.dma_semaphore, #tpu.memory_space<semaphore_mem>>) src(%dma_wait3A_557 : memref<1000000xf32, #tpu.memory_space<hbm>>) dst(%dma_wait3A_552 : memref<128xf32, #tpu.memory_space<vmem>>)
    %dma_wait3A_558 = arith.constant 2 : i32
    %dma_wait3A_559 = arith.constant 256 : i32
    %dma_wait3A_560 = arith.constant 0 : i32
    %dma_wait3A_561 = tpu.memref_slice %arg11[%dma_wait3A_559, %dma_wait3A_560] : memref<512x32xf32, #tpu.memory_space<vmem>> -> memref<128x32xf32, #tpu.memory_space<vmem>>
    %dma_wait3A_562 = arith.constant 0 : i32
    %dma_wait3A_563 = tpu.memref_slice %arg8[%dma_wait3A_558, %dma_wait3A_562] : memref<4x128xi32, #tpu.memory_space<vmem>> -> memref<1x128xi32, #tpu.memory_space<vmem>>
    %dma_wait3A_564 = tpu.memref_squeeze %dma_wait3A_563 : memref<1x128xi32, #tpu.memory_space<vmem>> -> memref<128xi32, #tpu.memory_space<vmem>>
    %dma_wait3A_565 = arith.constant 0 : i32
    %dma_wait3A_566 = arith.constant 0 : i32
    %dma_wait3A_567 = tpu.memref_slice %arg4[%dma_wait3A_565, %dma_wait3A_566] : memref<1000000x32xf32, #tpu.memory_space<hbm>> -> memref<1000000x32xf32, #tpu.memory_space<hbm>>
    tpu.wait_indirect_dma semaphore(%arg15 : memref<!tpu.dma_semaphore, #tpu.memory_space<semaphore_mem>>) src(%dma_wait3A_567 : memref<1000000x32xf32, #tpu.memory_space<hbm>>) dst(%dma_wait3A_561 : memref<128x32xf32, #tpu.memory_space<vmem>>)
    %dma_wait3A_568 = arith.constant 2 : i32
    %dma_wait3A_569 = arith.constant 256 : i32
    %dma_wait3A_570 = arith.constant 0 : i32
    %dma_wait3A_571 = tpu.memref_slice %arg12[%dma_wait3A_569, %dma_wait3A_570] : memref<512x32xf32, #tpu.memory_space<vmem>> -> memref<128x32xf32, #tpu.memory_space<vmem>>
    %dma_wait3A_572 = arith.constant 0 : i32
    %dma_wait3A_573 = tpu.memref_slice %arg10[%dma_wait3A_568, %dma_wait3A_572] : memref<4x128xi32, #tpu.memory_space<vmem>> -> memref<1x128xi32, #tpu.memory_space<vmem>>
    %dma_wait3A_574 = tpu.memref_squeeze %dma_wait3A_573 : memref<1x128xi32, #tpu.memory_space<vmem>> -> memref<128xi32, #tpu.memory_space<vmem>>
    %dma_wait3A_575 = arith.constant 0 : i32
    %dma_wait3A_576 = arith.constant 0 : i32
    %dma_wait3A_577 = tpu.memref_slice %arg5[%dma_wait3A_575, %dma_wait3A_576] : memref<1000000x32xf32, #tpu.memory_space<hbm>> -> memref<1000000x32xf32, #tpu.memory_space<hbm>>
    tpu.wait_indirect_dma semaphore(%arg15 : memref<!tpu.dma_semaphore, #tpu.memory_space<semaphore_mem>>) src(%dma_wait3A_577 : memref<1000000x32xf32, #tpu.memory_space<hbm>>) dst(%dma_wait3A_571 : memref<128x32xf32, #tpu.memory_space<vmem>>)
    %dma_wait3A_578 = arith.constant 2 : i32
    %dma_wait3A_579 = arith.constant 256 : i32
    %dma_wait3A_580 = tpu.memref_slice %arg13[%dma_wait3A_579] : memref<512xf32, #tpu.memory_space<vmem>> -> memref<128xf32, #tpu.memory_space<vmem>>
    %dma_wait3A_581 = arith.constant 0 : i32
    %dma_wait3A_582 = tpu.memref_slice %arg10[%dma_wait3A_578, %dma_wait3A_581] : memref<4x128xi32, #tpu.memory_space<vmem>> -> memref<1x128xi32, #tpu.memory_space<vmem>>
    %dma_wait3A_583 = tpu.memref_squeeze %dma_wait3A_582 : memref<1x128xi32, #tpu.memory_space<vmem>> -> memref<128xi32, #tpu.memory_space<vmem>>
    %dma_wait3A_584 = arith.constant 0 : i32
    %dma_wait3A_585 = tpu.memref_slice %arg6[%dma_wait3A_584] : memref<1000000xf32, #tpu.memory_space<hbm>> -> memref<1000000xf32, #tpu.memory_space<hbm>>
    tpu.wait_indirect_dma semaphore(%arg15 : memref<!tpu.dma_semaphore, #tpu.memory_space<semaphore_mem>>) src(%dma_wait3A_585 : memref<1000000xf32, #tpu.memory_space<hbm>>) dst(%dma_wait3A_580 : memref<128xf32, #tpu.memory_space<vmem>>)
    %dma_wait3A_586 = arith.constant 3 : i32
    %dma_wait3A_587 = arith.constant 384 : i32
    %dma_wait3A_588 = arith.constant 0 : i32
    %dma_wait3A_589 = tpu.memref_slice %arg11[%dma_wait3A_587, %dma_wait3A_588] : memref<512x32xf32, #tpu.memory_space<vmem>> -> memref<128x32xf32, #tpu.memory_space<vmem>>
    %dma_wait3A_590 = arith.constant 0 : i32
    %dma_wait3A_591 = tpu.memref_slice %arg8[%dma_wait3A_586, %dma_wait3A_590] : memref<4x128xi32, #tpu.memory_space<vmem>> -> memref<1x128xi32, #tpu.memory_space<vmem>>
    %dma_wait3A_592 = tpu.memref_squeeze %dma_wait3A_591 : memref<1x128xi32, #tpu.memory_space<vmem>> -> memref<128xi32, #tpu.memory_space<vmem>>
    %dma_wait3A_593 = arith.constant 0 : i32
    %dma_wait3A_594 = arith.constant 0 : i32
    %dma_wait3A_595 = tpu.memref_slice %arg4[%dma_wait3A_593, %dma_wait3A_594] : memref<1000000x32xf32, #tpu.memory_space<hbm>> -> memref<1000000x32xf32, #tpu.memory_space<hbm>>
    tpu.wait_indirect_dma semaphore(%arg15 : memref<!tpu.dma_semaphore, #tpu.memory_space<semaphore_mem>>) src(%dma_wait3A_595 : memref<1000000x32xf32, #tpu.memory_space<hbm>>) dst(%dma_wait3A_589 : memref<128x32xf32, #tpu.memory_space<vmem>>)
    %dma_wait3A_596 = arith.constant 3 : i32
    %dma_wait3A_597 = arith.constant 384 : i32
    %dma_wait3A_598 = arith.constant 0 : i32
    %dma_wait3A_599 = tpu.memref_slice %arg12[%dma_wait3A_597, %dma_wait3A_598] : memref<512x32xf32, #tpu.memory_space<vmem>> -> memref<128x32xf32, #tpu.memory_space<vmem>>
    %dma_wait3A_600 = arith.constant 0 : i32
    %dma_wait3A_601 = tpu.memref_slice %arg10[%dma_wait3A_596, %dma_wait3A_600] : memref<4x128xi32, #tpu.memory_space<vmem>> -> memref<1x128xi32, #tpu.memory_space<vmem>>
    %dma_wait3A_602 = tpu.memref_squeeze %dma_wait3A_601 : memref<1x128xi32, #tpu.memory_space<vmem>> -> memref<128xi32, #tpu.memory_space<vmem>>
    %dma_wait3A_603 = arith.constant 0 : i32
    %dma_wait3A_604 = arith.constant 0 : i32
    %dma_wait3A_605 = tpu.memref_slice %arg5[%dma_wait3A_603, %dma_wait3A_604] : memref<1000000x32xf32, #tpu.memory_space<hbm>> -> memref<1000000x32xf32, #tpu.memory_space<hbm>>
    tpu.wait_indirect_dma semaphore(%arg15 : memref<!tpu.dma_semaphore, #tpu.memory_space<semaphore_mem>>) src(%dma_wait3A_605 : memref<1000000x32xf32, #tpu.memory_space<hbm>>) dst(%dma_wait3A_599 : memref<128x32xf32, #tpu.memory_space<vmem>>)
    %dma_wait3A_606 = arith.constant 3 : i32
    %dma_wait3A_607 = arith.constant 384 : i32
    %dma_wait3A_608 = tpu.memref_slice %arg13[%dma_wait3A_607] : memref<512xf32, #tpu.memory_space<vmem>> -> memref<128xf32, #tpu.memory_space<vmem>>
    %dma_wait3A_609 = arith.constant 0 : i32
    %dma_wait3A_610 = tpu.memref_slice %arg10[%dma_wait3A_606, %dma_wait3A_609] : memref<4x128xi32, #tpu.memory_space<vmem>> -> memref<1x128xi32, #tpu.memory_space<vmem>>
    %dma_wait3A_611 = tpu.memref_squeeze %dma_wait3A_610 : memref<1x128xi32, #tpu.memory_space<vmem>> -> memref<128xi32, #tpu.memory_space<vmem>>
    %dma_wait3A_612 = arith.constant 0 : i32
    %dma_wait3A_613 = tpu.memref_slice %arg6[%dma_wait3A_612] : memref<1000000xf32, #tpu.memory_space<hbm>> -> memref<1000000xf32, #tpu.memory_space<hbm>>
    tpu.wait_indirect_dma semaphore(%arg15 : memref<!tpu.dma_semaphore, #tpu.memory_space<semaphore_mem>>) src(%dma_wait3A_613 : memref<1000000xf32, #tpu.memory_space<hbm>>) dst(%dma_wait3A_608 : memref<128xf32, #tpu.memory_space<vmem>>)
    %iota3A = tpu.iota {dimensions = array<i32: 0>} : vector<16xi32>
    %add3A_614 = arith.constant 0 : i32
    %add3A_615 = vector.broadcast %add3A_614 : i32 to vector<16xi32>
    %add3A_616 = arith.addi %iota3A, %add3A_615 : vector<16xi32>
    %jit3A_617 = arith.constant 32 : i32
    %eq3A_618 = arith.constant 0 : i32
    %eq3A_619 = arith.cmpi eq, %jit3A_617, %eq3A_618 : i32
    %jit3A_620 = arith.constant 1 : i32
    %select_n3A_621 = arith.select %eq3A_619, %jit3A_620, %jit3A_617 : i32
    %rem3A = vector.broadcast %select_n3A_621 : i32 to vector<16xi32>
    %rem3A_622 = arith.remsi %add3A_616, %rem3A : vector<16xi32>
    %ne3A = arith.constant 0 : i32
    %ne3A_623 = vector.broadcast %ne3A : i32 to vector<16xi32>
    %ne3A_624 = arith.cmpi ne, %rem3A_622, %ne3A_623 : vector<16xi32>
    %lt3A = arith.constant 0 : i32
    %lt3A_625 = vector.broadcast %lt3A : i32 to vector<16xi32>
    %lt3A_626 = arith.cmpi slt, %rem3A_622, %lt3A_625 : vector<16xi32>
    %lt3A_627 = arith.constant 0 : i32
    %lt3A_628 = arith.cmpi slt, %select_n3A_621, %lt3A_627 : i32
    %ne3A_629 = vector.broadcast %lt3A_628 : i1 to vector<16xi1>
    %ne3A_630 = vector.broadcast %ne3A_629 : vector<16xi1> to vector<16xi1>
    %ne3A_631 = arith.xori %lt3A_626, %ne3A_630 : vector<16xi1>
    %and3A = arith.andi %ne3A_631, %ne3A_624 : vector<16xi1>
    %add3A_632 = vector.broadcast %select_n3A_621 : i32 to vector<16xi32>
    %add3A_633 = arith.addi %rem3A_622, %add3A_632 : vector<16xi32>
    %select_n3A_634 = arith.select %and3A, %add3A_633, %rem3A_622 : vector<16xi1>, vector<16xi32>
    %add3A_635 = arith.constant 1 : i32
    %add3A_636 = vector.broadcast %add3A_635 : i32 to vector<16xi32>
    %add3A_637 = arith.addi %iota3A, %add3A_636 : vector<16xi32>
    %jit3A_638 = arith.constant 32 : i32
    %eq3A_639 = arith.constant 0 : i32
    %eq3A_640 = arith.cmpi eq, %jit3A_638, %eq3A_639 : i32
    %jit3A_641 = arith.constant 1 : i32
    %select_n3A_642 = arith.select %eq3A_640, %jit3A_641, %jit3A_638 : i32
    %rem3A_643 = vector.broadcast %select_n3A_642 : i32 to vector<16xi32>
    %rem3A_644 = arith.remsi %add3A_637, %rem3A_643 : vector<16xi32>
    %ne3A_645 = arith.constant 0 : i32
    %ne3A_646 = vector.broadcast %ne3A_645 : i32 to vector<16xi32>
    %ne3A_647 = arith.cmpi ne, %rem3A_644, %ne3A_646 : vector<16xi32>
    %lt3A_648 = arith.constant 0 : i32
    %lt3A_649 = vector.broadcast %lt3A_648 : i32 to vector<16xi32>
    %lt3A_650 = arith.cmpi slt, %rem3A_644, %lt3A_649 : vector<16xi32>
    %lt3A_651 = arith.constant 0 : i32
    %lt3A_652 = arith.cmpi slt, %select_n3A_642, %lt3A_651 : i32
    %ne3A_653 = vector.broadcast %lt3A_652 : i1 to vector<16xi1>
    %ne3A_654 = vector.broadcast %ne3A_653 : vector<16xi1> to vector<16xi1>
    %ne3A_655 = arith.xori %lt3A_650, %ne3A_654 : vector<16xi1>
    %and3A_656 = arith.andi %ne3A_655, %ne3A_647 : vector<16xi1>
    %add3A_657 = vector.broadcast %select_n3A_642 : i32 to vector<16xi32>
    %add3A_658 = arith.addi %rem3A_644, %add3A_657 : vector<16xi32>
    %select_n3A_659 = arith.select %and3A_656, %add3A_658, %rem3A_644 : vector<16xi1>, vector<16xi32>
    %add3A_660 = arith.constant 2 : i32
    %add3A_661 = vector.broadcast %add3A_660 : i32 to vector<16xi32>
    %add3A_662 = arith.addi %iota3A, %add3A_661 : vector<16xi32>
    %jit3A_663 = arith.constant 32 : i32
    %eq3A_664 = arith.constant 0 : i32
    %eq3A_665 = arith.cmpi eq, %jit3A_663, %eq3A_664 : i32
    %jit3A_666 = arith.constant 1 : i32
    %select_n3A_667 = arith.select %eq3A_665, %jit3A_666, %jit3A_663 : i32
    %rem3A_668 = vector.broadcast %select_n3A_667 : i32 to vector<16xi32>
    %rem3A_669 = arith.remsi %add3A_662, %rem3A_668 : vector<16xi32>
    %ne3A_670 = arith.constant 0 : i32
    %ne3A_671 = vector.broadcast %ne3A_670 : i32 to vector<16xi32>
    %ne3A_672 = arith.cmpi ne, %rem3A_669, %ne3A_671 : vector<16xi32>
    %lt3A_673 = arith.constant 0 : i32
    %lt3A_674 = vector.broadcast %lt3A_673 : i32 to vector<16xi32>
    %lt3A_675 = arith.cmpi slt, %rem3A_669, %lt3A_674 : vector<16xi32>
    %lt3A_676 = arith.constant 0 : i32
    %lt3A_677 = arith.cmpi slt, %select_n3A_667, %lt3A_676 : i32
    %ne3A_678 = vector.broadcast %lt3A_677 : i1 to vector<16xi1>
    %ne3A_679 = vector.broadcast %ne3A_678 : vector<16xi1> to vector<16xi1>
    %ne3A_680 = arith.xori %lt3A_675, %ne3A_679 : vector<16xi1>
    %and3A_681 = arith.andi %ne3A_680, %ne3A_672 : vector<16xi1>
    %add3A_682 = vector.broadcast %select_n3A_667 : i32 to vector<16xi32>
    %add3A_683 = arith.addi %rem3A_669, %add3A_682 : vector<16xi32>
    %select_n3A_684 = arith.select %and3A_681, %add3A_683, %rem3A_669 : vector<16xi1>, vector<16xi32>
    %add3A_685 = arith.constant 3 : i32
    %add3A_686 = vector.broadcast %add3A_685 : i32 to vector<16xi32>
    %add3A_687 = arith.addi %iota3A, %add3A_686 : vector<16xi32>
    %jit3A_688 = arith.constant 32 : i32
    %eq3A_689 = arith.constant 0 : i32
    %eq3A_690 = arith.cmpi eq, %jit3A_688, %eq3A_689 : i32
    %jit3A_691 = arith.constant 1 : i32
    %select_n3A_692 = arith.select %eq3A_690, %jit3A_691, %jit3A_688 : i32
    %rem3A_693 = vector.broadcast %select_n3A_692 : i32 to vector<16xi32>
    %rem3A_694 = arith.remsi %add3A_687, %rem3A_693 : vector<16xi32>
    %ne3A_695 = arith.constant 0 : i32
    %ne3A_696 = vector.broadcast %ne3A_695 : i32 to vector<16xi32>
    %ne3A_697 = arith.cmpi ne, %rem3A_694, %ne3A_696 : vector<16xi32>
    %lt3A_698 = arith.constant 0 : i32
    %lt3A_699 = vector.broadcast %lt3A_698 : i32 to vector<16xi32>
    %lt3A_700 = arith.cmpi slt, %rem3A_694, %lt3A_699 : vector<16xi32>
    %lt3A_701 = arith.constant 0 : i32
    %lt3A_702 = arith.cmpi slt, %select_n3A_692, %lt3A_701 : i32
    %ne3A_703 = vector.broadcast %lt3A_702 : i1 to vector<16xi1>
    %ne3A_704 = vector.broadcast %ne3A_703 : vector<16xi1> to vector<16xi1>
    %ne3A_705 = arith.xori %lt3A_700, %ne3A_704 : vector<16xi1>
    %and3A_706 = arith.andi %ne3A_705, %ne3A_697 : vector<16xi1>
    %add3A_707 = vector.broadcast %select_n3A_692 : i32 to vector<16xi32>
    %add3A_708 = arith.addi %rem3A_694, %add3A_707 : vector<16xi32>
    %select_n3A_709 = arith.select %and3A_706, %add3A_708, %rem3A_694 : vector<16xi1>, vector<16xi32>
    %add3A_710 = arith.constant 4 : i32
    %add3A_711 = vector.broadcast %add3A_710 : i32 to vector<16xi32>
    %add3A_712 = arith.addi %iota3A, %add3A_711 : vector<16xi32>
    %jit3A_713 = arith.constant 32 : i32
    %eq3A_714 = arith.constant 0 : i32
    %eq3A_715 = arith.cmpi eq, %jit3A_713, %eq3A_714 : i32
    %jit3A_716 = arith.constant 1 : i32
    %select_n3A_717 = arith.select %eq3A_715, %jit3A_716, %jit3A_713 : i32
    %rem3A_718 = vector.broadcast %select_n3A_717 : i32 to vector<16xi32>
    %rem3A_719 = arith.remsi %add3A_712, %rem3A_718 : vector<16xi32>
    %ne3A_720 = arith.constant 0 : i32
    %ne3A_721 = vector.broadcast %ne3A_720 : i32 to vector<16xi32>
    %ne3A_722 = arith.cmpi ne, %rem3A_719, %ne3A_721 : vector<16xi32>
    %lt3A_723 = arith.constant 0 : i32
    %lt3A_724 = vector.broadcast %lt3A_723 : i32 to vector<16xi32>
    %lt3A_725 = arith.cmpi slt, %rem3A_719, %lt3A_724 : vector<16xi32>
    %lt3A_726 = arith.constant 0 : i32
    %lt3A_727 = arith.cmpi slt, %select_n3A_717, %lt3A_726 : i32
    %ne3A_728 = vector.broadcast %lt3A_727 : i1 to vector<16xi1>
    %ne3A_729 = vector.broadcast %ne3A_728 : vector<16xi1> to vector<16xi1>
    %ne3A_730 = arith.xori %lt3A_725, %ne3A_729 : vector<16xi1>
    %and3A_731 = arith.andi %ne3A_730, %ne3A_722 : vector<16xi1>
    %add3A_732 = vector.broadcast %select_n3A_717 : i32 to vector<16xi32>
    %add3A_733 = arith.addi %rem3A_719, %add3A_732 : vector<16xi32>
    %select_n3A_734 = arith.select %and3A_731, %add3A_733, %rem3A_719 : vector<16xi1>, vector<16xi32>
    %add3A_735 = arith.constant 5 : i32
    %add3A_736 = vector.broadcast %add3A_735 : i32 to vector<16xi32>
    %add3A_737 = arith.addi %iota3A, %add3A_736 : vector<16xi32>
    %jit3A_738 = arith.constant 32 : i32
    %eq3A_739 = arith.constant 0 : i32
    %eq3A_740 = arith.cmpi eq, %jit3A_738, %eq3A_739 : i32
    %jit3A_741 = arith.constant 1 : i32
    %select_n3A_742 = arith.select %eq3A_740, %jit3A_741, %jit3A_738 : i32
    %rem3A_743 = vector.broadcast %select_n3A_742 : i32 to vector<16xi32>
    %rem3A_744 = arith.remsi %add3A_737, %rem3A_743 : vector<16xi32>
    %ne3A_745 = arith.constant 0 : i32
    %ne3A_746 = vector.broadcast %ne3A_745 : i32 to vector<16xi32>
    %ne3A_747 = arith.cmpi ne, %rem3A_744, %ne3A_746 : vector<16xi32>
    %lt3A_748 = arith.constant 0 : i32
    %lt3A_749 = vector.broadcast %lt3A_748 : i32 to vector<16xi32>
    %lt3A_750 = arith.cmpi slt, %rem3A_744, %lt3A_749 : vector<16xi32>
    %lt3A_751 = arith.constant 0 : i32
    %lt3A_752 = arith.cmpi slt, %select_n3A_742, %lt3A_751 : i32
    %ne3A_753 = vector.broadcast %lt3A_752 : i1 to vector<16xi1>
    %ne3A_754 = vector.broadcast %ne3A_753 : vector<16xi1> to vector<16xi1>
    %ne3A_755 = arith.xori %lt3A_750, %ne3A_754 : vector<16xi1>
    %and3A_756 = arith.andi %ne3A_755, %ne3A_747 : vector<16xi1>
    %add3A_757 = vector.broadcast %select_n3A_742 : i32 to vector<16xi32>
    %add3A_758 = arith.addi %rem3A_744, %add3A_757 : vector<16xi32>
    %select_n3A_759 = arith.select %and3A_756, %add3A_758, %rem3A_744 : vector<16xi1>, vector<16xi32>
    %add3A_760 = arith.constant 6 : i32
    %add3A_761 = vector.broadcast %add3A_760 : i32 to vector<16xi32>
    %add3A_762 = arith.addi %iota3A, %add3A_761 : vector<16xi32>
    %jit3A_763 = arith.constant 32 : i32
    %eq3A_764 = arith.constant 0 : i32
    %eq3A_765 = arith.cmpi eq, %jit3A_763, %eq3A_764 : i32
    %jit3A_766 = arith.constant 1 : i32
    %select_n3A_767 = arith.select %eq3A_765, %jit3A_766, %jit3A_763 : i32
    %rem3A_768 = vector.broadcast %select_n3A_767 : i32 to vector<16xi32>
    %rem3A_769 = arith.remsi %add3A_762, %rem3A_768 : vector<16xi32>
    %ne3A_770 = arith.constant 0 : i32
    %ne3A_771 = vector.broadcast %ne3A_770 : i32 to vector<16xi32>
    %ne3A_772 = arith.cmpi ne, %rem3A_769, %ne3A_771 : vector<16xi32>
    %lt3A_773 = arith.constant 0 : i32
    %lt3A_774 = vector.broadcast %lt3A_773 : i32 to vector<16xi32>
    %lt3A_775 = arith.cmpi slt, %rem3A_769, %lt3A_774 : vector<16xi32>
    %lt3A_776 = arith.constant 0 : i32
    %lt3A_777 = arith.cmpi slt, %select_n3A_767, %lt3A_776 : i32
    %ne3A_778 = vector.broadcast %lt3A_777 : i1 to vector<16xi1>
    %ne3A_779 = vector.broadcast %ne3A_778 : vector<16xi1> to vector<16xi1>
    %ne3A_780 = arith.xori %lt3A_775, %ne3A_779 : vector<16xi1>
    %and3A_781 = arith.andi %ne3A_780, %ne3A_772 : vector<16xi1>
    %add3A_782 = vector.broadcast %select_n3A_767 : i32 to vector<16xi32>
    %add3A_783 = arith.addi %rem3A_769, %add3A_782 : vector<16xi32>
    %select_n3A_784 = arith.select %and3A_781, %add3A_783, %rem3A_769 : vector<16xi1>, vector<16xi32>
    %add3A_785 = arith.constant 7 : i32
    %add3A_786 = vector.broadcast %add3A_785 : i32 to vector<16xi32>
    %add3A_787 = arith.addi %iota3A, %add3A_786 : vector<16xi32>
    %jit3A_788 = arith.constant 32 : i32
    %eq3A_789 = arith.constant 0 : i32
    %eq3A_790 = arith.cmpi eq, %jit3A_788, %eq3A_789 : i32
    %jit3A_791 = arith.constant 1 : i32
    %select_n3A_792 = arith.select %eq3A_790, %jit3A_791, %jit3A_788 : i32
    %rem3A_793 = vector.broadcast %select_n3A_792 : i32 to vector<16xi32>
    %rem3A_794 = arith.remsi %add3A_787, %rem3A_793 : vector<16xi32>
    %ne3A_795 = arith.constant 0 : i32
    %ne3A_796 = vector.broadcast %ne3A_795 : i32 to vector<16xi32>
    %ne3A_797 = arith.cmpi ne, %rem3A_794, %ne3A_796 : vector<16xi32>
    %lt3A_798 = arith.constant 0 : i32
    %lt3A_799 = vector.broadcast %lt3A_798 : i32 to vector<16xi32>
    %lt3A_800 = arith.cmpi slt, %rem3A_794, %lt3A_799 : vector<16xi32>
    %lt3A_801 = arith.constant 0 : i32
    %lt3A_802 = arith.cmpi slt, %select_n3A_792, %lt3A_801 : i32
    %ne3A_803 = vector.broadcast %lt3A_802 : i1 to vector<16xi1>
    %ne3A_804 = vector.broadcast %ne3A_803 : vector<16xi1> to vector<16xi1>
    %ne3A_805 = arith.xori %lt3A_800, %ne3A_804 : vector<16xi1>
    %and3A_806 = arith.andi %ne3A_805, %ne3A_797 : vector<16xi1>
    %add3A_807 = vector.broadcast %select_n3A_792 : i32 to vector<16xi32>
    %add3A_808 = arith.addi %rem3A_794, %add3A_807 : vector<16xi32>
    %select_n3A_809 = arith.select %and3A_806, %add3A_808, %rem3A_794 : vector<16xi1>, vector<16xi32>
    %add3A_810 = arith.constant 8 : i32
    %add3A_811 = vector.broadcast %add3A_810 : i32 to vector<16xi32>
    %add3A_812 = arith.addi %iota3A, %add3A_811 : vector<16xi32>
    %jit3A_813 = arith.constant 32 : i32
    %eq3A_814 = arith.constant 0 : i32
    %eq3A_815 = arith.cmpi eq, %jit3A_813, %eq3A_814 : i32
    %jit3A_816 = arith.constant 1 : i32
    %select_n3A_817 = arith.select %eq3A_815, %jit3A_816, %jit3A_813 : i32
    %rem3A_818 = vector.broadcast %select_n3A_817 : i32 to vector<16xi32>
    %rem3A_819 = arith.remsi %add3A_812, %rem3A_818 : vector<16xi32>
    %ne3A_820 = arith.constant 0 : i32
    %ne3A_821 = vector.broadcast %ne3A_820 : i32 to vector<16xi32>
    %ne3A_822 = arith.cmpi ne, %rem3A_819, %ne3A_821 : vector<16xi32>
    %lt3A_823 = arith.constant 0 : i32
    %lt3A_824 = vector.broadcast %lt3A_823 : i32 to vector<16xi32>
    %lt3A_825 = arith.cmpi slt, %rem3A_819, %lt3A_824 : vector<16xi32>
    %lt3A_826 = arith.constant 0 : i32
    %lt3A_827 = arith.cmpi slt, %select_n3A_817, %lt3A_826 : i32
    %ne3A_828 = vector.broadcast %lt3A_827 : i1 to vector<16xi1>
    %ne3A_829 = vector.broadcast %ne3A_828 : vector<16xi1> to vector<16xi1>
    %ne3A_830 = arith.xori %lt3A_825, %ne3A_829 : vector<16xi1>
    %and3A_831 = arith.andi %ne3A_830, %ne3A_822 : vector<16xi1>
    %add3A_832 = vector.broadcast %select_n3A_817 : i32 to vector<16xi32>
    %add3A_833 = arith.addi %rem3A_819, %add3A_832 : vector<16xi32>
    %select_n3A_834 = arith.select %and3A_831, %add3A_833, %rem3A_819 : vector<16xi1>, vector<16xi32>
    %add3A_835 = arith.constant 9 : i32
    %add3A_836 = vector.broadcast %add3A_835 : i32 to vector<16xi32>
    %add3A_837 = arith.addi %iota3A, %add3A_836 : vector<16xi32>
    %jit3A_838 = arith.constant 32 : i32
    %eq3A_839 = arith.constant 0 : i32
    %eq3A_840 = arith.cmpi eq, %jit3A_838, %eq3A_839 : i32
    %jit3A_841 = arith.constant 1 : i32
    %select_n3A_842 = arith.select %eq3A_840, %jit3A_841, %jit3A_838 : i32
    %rem3A_843 = vector.broadcast %select_n3A_842 : i32 to vector<16xi32>
    %rem3A_844 = arith.remsi %add3A_837, %rem3A_843 : vector<16xi32>
    %ne3A_845 = arith.constant 0 : i32
    %ne3A_846 = vector.broadcast %ne3A_845 : i32 to vector<16xi32>
    %ne3A_847 = arith.cmpi ne, %rem3A_844, %ne3A_846 : vector<16xi32>
    %lt3A_848 = arith.constant 0 : i32
    %lt3A_849 = vector.broadcast %lt3A_848 : i32 to vector<16xi32>
    %lt3A_850 = arith.cmpi slt, %rem3A_844, %lt3A_849 : vector<16xi32>
    %lt3A_851 = arith.constant 0 : i32
    %lt3A_852 = arith.cmpi slt, %select_n3A_842, %lt3A_851 : i32
    %ne3A_853 = vector.broadcast %lt3A_852 : i1 to vector<16xi1>
    %ne3A_854 = vector.broadcast %ne3A_853 : vector<16xi1> to vector<16xi1>
    %ne3A_855 = arith.xori %lt3A_850, %ne3A_854 : vector<16xi1>
    %and3A_856 = arith.andi %ne3A_855, %ne3A_847 : vector<16xi1>
    %add3A_857 = vector.broadcast %select_n3A_842 : i32 to vector<16xi32>
    %add3A_858 = arith.addi %rem3A_844, %add3A_857 : vector<16xi32>
    %select_n3A_859 = arith.select %and3A_856, %add3A_858, %rem3A_844 : vector<16xi1>, vector<16xi32>
    %add3A_860 = arith.constant 10 : i32
    %add3A_861 = vector.broadcast %add3A_860 : i32 to vector<16xi32>
    %add3A_862 = arith.addi %iota3A, %add3A_861 : vector<16xi32>
    %jit3A_863 = arith.constant 32 : i32
    %eq3A_864 = arith.constant 0 : i32
    %eq3A_865 = arith.cmpi eq, %jit3A_863, %eq3A_864 : i32
    %jit3A_866 = arith.constant 1 : i32
    %select_n3A_867 = arith.select %eq3A_865, %jit3A_866, %jit3A_863 : i32
    %rem3A_868 = vector.broadcast %select_n3A_867 : i32 to vector<16xi32>
    %rem3A_869 = arith.remsi %add3A_862, %rem3A_868 : vector<16xi32>
    %ne3A_870 = arith.constant 0 : i32
    %ne3A_871 = vector.broadcast %ne3A_870 : i32 to vector<16xi32>
    %ne3A_872 = arith.cmpi ne, %rem3A_869, %ne3A_871 : vector<16xi32>
    %lt3A_873 = arith.constant 0 : i32
    %lt3A_874 = vector.broadcast %lt3A_873 : i32 to vector<16xi32>
    %lt3A_875 = arith.cmpi slt, %rem3A_869, %lt3A_874 : vector<16xi32>
    %lt3A_876 = arith.constant 0 : i32
    %lt3A_877 = arith.cmpi slt, %select_n3A_867, %lt3A_876 : i32
    %ne3A_878 = vector.broadcast %lt3A_877 : i1 to vector<16xi1>
    %ne3A_879 = vector.broadcast %ne3A_878 : vector<16xi1> to vector<16xi1>
    %ne3A_880 = arith.xori %lt3A_875, %ne3A_879 : vector<16xi1>
    %and3A_881 = arith.andi %ne3A_880, %ne3A_872 : vector<16xi1>
    %add3A_882 = vector.broadcast %select_n3A_867 : i32 to vector<16xi32>
    %add3A_883 = arith.addi %rem3A_869, %add3A_882 : vector<16xi32>
    %select_n3A_884 = arith.select %and3A_881, %add3A_883, %rem3A_869 : vector<16xi1>, vector<16xi32>
    %add3A_885 = arith.constant 11 : i32
    %add3A_886 = vector.broadcast %add3A_885 : i32 to vector<16xi32>
    %add3A_887 = arith.addi %iota3A, %add3A_886 : vector<16xi32>
    %jit3A_888 = arith.constant 32 : i32
    %eq3A_889 = arith.constant 0 : i32
    %eq3A_890 = arith.cmpi eq, %jit3A_888, %eq3A_889 : i32
    %jit3A_891 = arith.constant 1 : i32
    %select_n3A_892 = arith.select %eq3A_890, %jit3A_891, %jit3A_888 : i32
    %rem3A_893 = vector.broadcast %select_n3A_892 : i32 to vector<16xi32>
    %rem3A_894 = arith.remsi %add3A_887, %rem3A_893 : vector<16xi32>
    %ne3A_895 = arith.constant 0 : i32
    %ne3A_896 = vector.broadcast %ne3A_895 : i32 to vector<16xi32>
    %ne3A_897 = arith.cmpi ne, %rem3A_894, %ne3A_896 : vector<16xi32>
    %lt3A_898 = arith.constant 0 : i32
    %lt3A_899 = vector.broadcast %lt3A_898 : i32 to vector<16xi32>
    %lt3A_900 = arith.cmpi slt, %rem3A_894, %lt3A_899 : vector<16xi32>
    %lt3A_901 = arith.constant 0 : i32
    %lt3A_902 = arith.cmpi slt, %select_n3A_892, %lt3A_901 : i32
    %ne3A_903 = vector.broadcast %lt3A_902 : i1 to vector<16xi1>
    %ne3A_904 = vector.broadcast %ne3A_903 : vector<16xi1> to vector<16xi1>
    %ne3A_905 = arith.xori %lt3A_900, %ne3A_904 : vector<16xi1>
    %and3A_906 = arith.andi %ne3A_905, %ne3A_897 : vector<16xi1>
    %add3A_907 = vector.broadcast %select_n3A_892 : i32 to vector<16xi32>
    %add3A_908 = arith.addi %rem3A_894, %add3A_907 : vector<16xi32>
    %select_n3A_909 = arith.select %and3A_906, %add3A_908, %rem3A_894 : vector<16xi1>, vector<16xi32>
    %add3A_910 = arith.constant 12 : i32
    %add3A_911 = vector.broadcast %add3A_910 : i32 to vector<16xi32>
    %add3A_912 = arith.addi %iota3A, %add3A_911 : vector<16xi32>
    %jit3A_913 = arith.constant 32 : i32
    %eq3A_914 = arith.constant 0 : i32
    %eq3A_915 = arith.cmpi eq, %jit3A_913, %eq3A_914 : i32
    %jit3A_916 = arith.constant 1 : i32
    %select_n3A_917 = arith.select %eq3A_915, %jit3A_916, %jit3A_913 : i32
    %rem3A_918 = vector.broadcast %select_n3A_917 : i32 to vector<16xi32>
    %rem3A_919 = arith.remsi %add3A_912, %rem3A_918 : vector<16xi32>
    %ne3A_920 = arith.constant 0 : i32
    %ne3A_921 = vector.broadcast %ne3A_920 : i32 to vector<16xi32>
    %ne3A_922 = arith.cmpi ne, %rem3A_919, %ne3A_921 : vector<16xi32>
    %lt3A_923 = arith.constant 0 : i32
    %lt3A_924 = vector.broadcast %lt3A_923 : i32 to vector<16xi32>
    %lt3A_925 = arith.cmpi slt, %rem3A_919, %lt3A_924 : vector<16xi32>
    %lt3A_926 = arith.constant 0 : i32
    %lt3A_927 = arith.cmpi slt, %select_n3A_917, %lt3A_926 : i32
    %ne3A_928 = vector.broadcast %lt3A_927 : i1 to vector<16xi1>
    %ne3A_929 = vector.broadcast %ne3A_928 : vector<16xi1> to vector<16xi1>
    %ne3A_930 = arith.xori %lt3A_925, %ne3A_929 : vector<16xi1>
    %and3A_931 = arith.andi %ne3A_930, %ne3A_922 : vector<16xi1>
    %add3A_932 = vector.broadcast %select_n3A_917 : i32 to vector<16xi32>
    %add3A_933 = arith.addi %rem3A_919, %add3A_932 : vector<16xi32>
    %select_n3A_934 = arith.select %and3A_931, %add3A_933, %rem3A_919 : vector<16xi1>, vector<16xi32>
    %add3A_935 = arith.constant 13 : i32
    %add3A_936 = vector.broadcast %add3A_935 : i32 to vector<16xi32>
    %add3A_937 = arith.addi %iota3A, %add3A_936 : vector<16xi32>
    %jit3A_938 = arith.constant 32 : i32
    %eq3A_939 = arith.constant 0 : i32
    %eq3A_940 = arith.cmpi eq, %jit3A_938, %eq3A_939 : i32
    %jit3A_941 = arith.constant 1 : i32
    %select_n3A_942 = arith.select %eq3A_940, %jit3A_941, %jit3A_938 : i32
    %rem3A_943 = vector.broadcast %select_n3A_942 : i32 to vector<16xi32>
    %rem3A_944 = arith.remsi %add3A_937, %rem3A_943 : vector<16xi32>
    %ne3A_945 = arith.constant 0 : i32
    %ne3A_946 = vector.broadcast %ne3A_945 : i32 to vector<16xi32>
    %ne3A_947 = arith.cmpi ne, %rem3A_944, %ne3A_946 : vector<16xi32>
    %lt3A_948 = arith.constant 0 : i32
    %lt3A_949 = vector.broadcast %lt3A_948 : i32 to vector<16xi32>
    %lt3A_950 = arith.cmpi slt, %rem3A_944, %lt3A_949 : vector<16xi32>
    %lt3A_951 = arith.constant 0 : i32
    %lt3A_952 = arith.cmpi slt, %select_n3A_942, %lt3A_951 : i32
    %ne3A_953 = vector.broadcast %lt3A_952 : i1 to vector<16xi1>
    %ne3A_954 = vector.broadcast %ne3A_953 : vector<16xi1> to vector<16xi1>
    %ne3A_955 = arith.xori %lt3A_950, %ne3A_954 : vector<16xi1>
    %and3A_956 = arith.andi %ne3A_955, %ne3A_947 : vector<16xi1>
    %add3A_957 = vector.broadcast %select_n3A_942 : i32 to vector<16xi32>
    %add3A_958 = arith.addi %rem3A_944, %add3A_957 : vector<16xi32>
    %select_n3A_959 = arith.select %and3A_956, %add3A_958, %rem3A_944 : vector<16xi1>, vector<16xi32>
    %add3A_960 = arith.constant 14 : i32
    %add3A_961 = vector.broadcast %add3A_960 : i32 to vector<16xi32>
    %add3A_962 = arith.addi %iota3A, %add3A_961 : vector<16xi32>
    %jit3A_963 = arith.constant 32 : i32
    %eq3A_964 = arith.constant 0 : i32
    %eq3A_965 = arith.cmpi eq, %jit3A_963, %eq3A_964 : i32
    %jit3A_966 = arith.constant 1 : i32
    %select_n3A_967 = arith.select %eq3A_965, %jit3A_966, %jit3A_963 : i32
    %rem3A_968 = vector.broadcast %select_n3A_967 : i32 to vector<16xi32>
    %rem3A_969 = arith.remsi %add3A_962, %rem3A_968 : vector<16xi32>
    %ne3A_970 = arith.constant 0 : i32
    %ne3A_971 = vector.broadcast %ne3A_970 : i32 to vector<16xi32>
    %ne3A_972 = arith.cmpi ne, %rem3A_969, %ne3A_971 : vector<16xi32>
    %lt3A_973 = arith.constant 0 : i32
    %lt3A_974 = vector.broadcast %lt3A_973 : i32 to vector<16xi32>
    %lt3A_975 = arith.cmpi slt, %rem3A_969, %lt3A_974 : vector<16xi32>
    %lt3A_976 = arith.constant 0 : i32
    %lt3A_977 = arith.cmpi slt, %select_n3A_967, %lt3A_976 : i32
    %ne3A_978 = vector.broadcast %lt3A_977 : i1 to vector<16xi1>
    %ne3A_979 = vector.broadcast %ne3A_978 : vector<16xi1> to vector<16xi1>
    %ne3A_980 = arith.xori %lt3A_975, %ne3A_979 : vector<16xi1>
    %and3A_981 = arith.andi %ne3A_980, %ne3A_972 : vector<16xi1>
    %add3A_982 = vector.broadcast %select_n3A_967 : i32 to vector<16xi32>
    %add3A_983 = arith.addi %rem3A_969, %add3A_982 : vector<16xi32>
    %select_n3A_984 = arith.select %and3A_981, %add3A_983, %rem3A_969 : vector<16xi1>, vector<16xi32>
    %add3A_985 = arith.constant 15 : i32
    %add3A_986 = vector.broadcast %add3A_985 : i32 to vector<16xi32>
    %add3A_987 = arith.addi %iota3A, %add3A_986 : vector<16xi32>
    %jit3A_988 = arith.constant 32 : i32
    %eq3A_989 = arith.constant 0 : i32
    %eq3A_990 = arith.cmpi eq, %jit3A_988, %eq3A_989 : i32
    %jit3A_991 = arith.constant 1 : i32
    %select_n3A_992 = arith.select %eq3A_990, %jit3A_991, %jit3A_988 : i32
    %rem3A_993 = vector.broadcast %select_n3A_992 : i32 to vector<16xi32>
    %rem3A_994 = arith.remsi %add3A_987, %rem3A_993 : vector<16xi32>
    %ne3A_995 = arith.constant 0 : i32
    %ne3A_996 = vector.broadcast %ne3A_995 : i32 to vector<16xi32>
    %ne3A_997 = arith.cmpi ne, %rem3A_994, %ne3A_996 : vector<16xi32>
    %lt3A_998 = arith.constant 0 : i32
    %lt3A_999 = vector.broadcast %lt3A_998 : i32 to vector<16xi32>
    %lt3A_1000 = arith.cmpi slt, %rem3A_994, %lt3A_999 : vector<16xi32>
    %lt3A_1001 = arith.constant 0 : i32
    %lt3A_1002 = arith.cmpi slt, %select_n3A_992, %lt3A_1001 : i32
    %ne3A_1003 = vector.broadcast %lt3A_1002 : i1 to vector<16xi1>
    %ne3A_1004 = vector.broadcast %ne3A_1003 : vector<16xi1> to vector<16xi1>
    %ne3A_1005 = arith.xori %lt3A_1000, %ne3A_1004 : vector<16xi1>
    %and3A_1006 = arith.andi %ne3A_1005, %ne3A_997 : vector<16xi1>
    %add3A_1007 = vector.broadcast %select_n3A_992 : i32 to vector<16xi32>
    %add3A_1008 = arith.addi %rem3A_994, %add3A_1007 : vector<16xi32>
    %select_n3A_1009 = arith.select %and3A_1006, %add3A_1008, %rem3A_994 : vector<16xi1>, vector<16xi32>
    %add3A_1010 = arith.constant 16 : i32
    %add3A_1011 = vector.broadcast %add3A_1010 : i32 to vector<16xi32>
    %add3A_1012 = arith.addi %iota3A, %add3A_1011 : vector<16xi32>
    %jit3A_1013 = arith.constant 32 : i32
    %eq3A_1014 = arith.constant 0 : i32
    %eq3A_1015 = arith.cmpi eq, %jit3A_1013, %eq3A_1014 : i32
    %jit3A_1016 = arith.constant 1 : i32
    %select_n3A_1017 = arith.select %eq3A_1015, %jit3A_1016, %jit3A_1013 : i32
    %rem3A_1018 = vector.broadcast %select_n3A_1017 : i32 to vector<16xi32>
    %rem3A_1019 = arith.remsi %add3A_1012, %rem3A_1018 : vector<16xi32>
    %ne3A_1020 = arith.constant 0 : i32
    %ne3A_1021 = vector.broadcast %ne3A_1020 : i32 to vector<16xi32>
    %ne3A_1022 = arith.cmpi ne, %rem3A_1019, %ne3A_1021 : vector<16xi32>
    %lt3A_1023 = arith.constant 0 : i32
    %lt3A_1024 = vector.broadcast %lt3A_1023 : i32 to vector<16xi32>
    %lt3A_1025 = arith.cmpi slt, %rem3A_1019, %lt3A_1024 : vector<16xi32>
    %lt3A_1026 = arith.constant 0 : i32
    %lt3A_1027 = arith.cmpi slt, %select_n3A_1017, %lt3A_1026 : i32
    %ne3A_1028 = vector.broadcast %lt3A_1027 : i1 to vector<16xi1>
    %ne3A_1029 = vector.broadcast %ne3A_1028 : vector<16xi1> to vector<16xi1>
    %ne3A_1030 = arith.xori %lt3A_1025, %ne3A_1029 : vector<16xi1>
    %and3A_1031 = arith.andi %ne3A_1030, %ne3A_1022 : vector<16xi1>
    %add3A_1032 = vector.broadcast %select_n3A_1017 : i32 to vector<16xi32>
    %add3A_1033 = arith.addi %rem3A_1019, %add3A_1032 : vector<16xi32>
    %select_n3A_1034 = arith.select %and3A_1031, %add3A_1033, %rem3A_1019 : vector<16xi1>, vector<16xi32>
    %add3A_1035 = arith.constant 17 : i32
    %add3A_1036 = vector.broadcast %add3A_1035 : i32 to vector<16xi32>
    %add3A_1037 = arith.addi %iota3A, %add3A_1036 : vector<16xi32>
    %jit3A_1038 = arith.constant 32 : i32
    %eq3A_1039 = arith.constant 0 : i32
    %eq3A_1040 = arith.cmpi eq, %jit3A_1038, %eq3A_1039 : i32
    %jit3A_1041 = arith.constant 1 : i32
    %select_n3A_1042 = arith.select %eq3A_1040, %jit3A_1041, %jit3A_1038 : i32
    %rem3A_1043 = vector.broadcast %select_n3A_1042 : i32 to vector<16xi32>
    %rem3A_1044 = arith.remsi %add3A_1037, %rem3A_1043 : vector<16xi32>
    %ne3A_1045 = arith.constant 0 : i32
    %ne3A_1046 = vector.broadcast %ne3A_1045 : i32 to vector<16xi32>
    %ne3A_1047 = arith.cmpi ne, %rem3A_1044, %ne3A_1046 : vector<16xi32>
    %lt3A_1048 = arith.constant 0 : i32
    %lt3A_1049 = vector.broadcast %lt3A_1048 : i32 to vector<16xi32>
    %lt3A_1050 = arith.cmpi slt, %rem3A_1044, %lt3A_1049 : vector<16xi32>
    %lt3A_1051 = arith.constant 0 : i32
    %lt3A_1052 = arith.cmpi slt, %select_n3A_1042, %lt3A_1051 : i32
    %ne3A_1053 = vector.broadcast %lt3A_1052 : i1 to vector<16xi1>
    %ne3A_1054 = vector.broadcast %ne3A_1053 : vector<16xi1> to vector<16xi1>
    %ne3A_1055 = arith.xori %lt3A_1050, %ne3A_1054 : vector<16xi1>
    %and3A_1056 = arith.andi %ne3A_1055, %ne3A_1047 : vector<16xi1>
    %add3A_1057 = vector.broadcast %select_n3A_1042 : i32 to vector<16xi32>
    %add3A_1058 = arith.addi %rem3A_1044, %add3A_1057 : vector<16xi32>
    %select_n3A_1059 = arith.select %and3A_1056, %add3A_1058, %rem3A_1044 : vector<16xi1>, vector<16xi32>
    %add3A_1060 = arith.constant 18 : i32
    %add3A_1061 = vector.broadcast %add3A_1060 : i32 to vector<16xi32>
    %add3A_1062 = arith.addi %iota3A, %add3A_1061 : vector<16xi32>
    %jit3A_1063 = arith.constant 32 : i32
    %eq3A_1064 = arith.constant 0 : i32
    %eq3A_1065 = arith.cmpi eq, %jit3A_1063, %eq3A_1064 : i32
    %jit3A_1066 = arith.constant 1 : i32
    %select_n3A_1067 = arith.select %eq3A_1065, %jit3A_1066, %jit3A_1063 : i32
    %rem3A_1068 = vector.broadcast %select_n3A_1067 : i32 to vector<16xi32>
    %rem3A_1069 = arith.remsi %add3A_1062, %rem3A_1068 : vector<16xi32>
    %ne3A_1070 = arith.constant 0 : i32
    %ne3A_1071 = vector.broadcast %ne3A_1070 : i32 to vector<16xi32>
    %ne3A_1072 = arith.cmpi ne, %rem3A_1069, %ne3A_1071 : vector<16xi32>
    %lt3A_1073 = arith.constant 0 : i32
    %lt3A_1074 = vector.broadcast %lt3A_1073 : i32 to vector<16xi32>
    %lt3A_1075 = arith.cmpi slt, %rem3A_1069, %lt3A_1074 : vector<16xi32>
    %lt3A_1076 = arith.constant 0 : i32
    %lt3A_1077 = arith.cmpi slt, %select_n3A_1067, %lt3A_1076 : i32
    %ne3A_1078 = vector.broadcast %lt3A_1077 : i1 to vector<16xi1>
    %ne3A_1079 = vector.broadcast %ne3A_1078 : vector<16xi1> to vector<16xi1>
    %ne3A_1080 = arith.xori %lt3A_1075, %ne3A_1079 : vector<16xi1>
    %and3A_1081 = arith.andi %ne3A_1080, %ne3A_1072 : vector<16xi1>
    %add3A_1082 = vector.broadcast %select_n3A_1067 : i32 to vector<16xi32>
    %add3A_1083 = arith.addi %rem3A_1069, %add3A_1082 : vector<16xi32>
    %select_n3A_1084 = arith.select %and3A_1081, %add3A_1083, %rem3A_1069 : vector<16xi1>, vector<16xi32>
    %add3A_1085 = arith.constant 19 : i32
    %add3A_1086 = vector.broadcast %add3A_1085 : i32 to vector<16xi32>
    %add3A_1087 = arith.addi %iota3A, %add3A_1086 : vector<16xi32>
    %jit3A_1088 = arith.constant 32 : i32
    %eq3A_1089 = arith.constant 0 : i32
    %eq3A_1090 = arith.cmpi eq, %jit3A_1088, %eq3A_1089 : i32
    %jit3A_1091 = arith.constant 1 : i32
    %select_n3A_1092 = arith.select %eq3A_1090, %jit3A_1091, %jit3A_1088 : i32
    %rem3A_1093 = vector.broadcast %select_n3A_1092 : i32 to vector<16xi32>
    %rem3A_1094 = arith.remsi %add3A_1087, %rem3A_1093 : vector<16xi32>
    %ne3A_1095 = arith.constant 0 : i32
    %ne3A_1096 = vector.broadcast %ne3A_1095 : i32 to vector<16xi32>
    %ne3A_1097 = arith.cmpi ne, %rem3A_1094, %ne3A_1096 : vector<16xi32>
    %lt3A_1098 = arith.constant 0 : i32
    %lt3A_1099 = vector.broadcast %lt3A_1098 : i32 to vector<16xi32>
    %lt3A_1100 = arith.cmpi slt, %rem3A_1094, %lt3A_1099 : vector<16xi32>
    %lt3A_1101 = arith.constant 0 : i32
    %lt3A_1102 = arith.cmpi slt, %select_n3A_1092, %lt3A_1101 : i32
    %ne3A_1103 = vector.broadcast %lt3A_1102 : i1 to vector<16xi1>
    %ne3A_1104 = vector.broadcast %ne3A_1103 : vector<16xi1> to vector<16xi1>
    %ne3A_1105 = arith.xori %lt3A_1100, %ne3A_1104 : vector<16xi1>
    %and3A_1106 = arith.andi %ne3A_1105, %ne3A_1097 : vector<16xi1>
    %add3A_1107 = vector.broadcast %select_n3A_1092 : i32 to vector<16xi32>
    %add3A_1108 = arith.addi %rem3A_1094, %add3A_1107 : vector<16xi32>
    %select_n3A_1109 = arith.select %and3A_1106, %add3A_1108, %rem3A_1094 : vector<16xi1>, vector<16xi32>
    %add3A_1110 = arith.constant 20 : i32
    %add3A_1111 = vector.broadcast %add3A_1110 : i32 to vector<16xi32>
    %add3A_1112 = arith.addi %iota3A, %add3A_1111 : vector<16xi32>
    %jit3A_1113 = arith.constant 32 : i32
    %eq3A_1114 = arith.constant 0 : i32
    %eq3A_1115 = arith.cmpi eq, %jit3A_1113, %eq3A_1114 : i32
    %jit3A_1116 = arith.constant 1 : i32
    %select_n3A_1117 = arith.select %eq3A_1115, %jit3A_1116, %jit3A_1113 : i32
    %rem3A_1118 = vector.broadcast %select_n3A_1117 : i32 to vector<16xi32>
    %rem3A_1119 = arith.remsi %add3A_1112, %rem3A_1118 : vector<16xi32>
    %ne3A_1120 = arith.constant 0 : i32
    %ne3A_1121 = vector.broadcast %ne3A_1120 : i32 to vector<16xi32>
    %ne3A_1122 = arith.cmpi ne, %rem3A_1119, %ne3A_1121 : vector<16xi32>
    %lt3A_1123 = arith.constant 0 : i32
    %lt3A_1124 = vector.broadcast %lt3A_1123 : i32 to vector<16xi32>
    %lt3A_1125 = arith.cmpi slt, %rem3A_1119, %lt3A_1124 : vector<16xi32>
    %lt3A_1126 = arith.constant 0 : i32
    %lt3A_1127 = arith.cmpi slt, %select_n3A_1117, %lt3A_1126 : i32
    %ne3A_1128 = vector.broadcast %lt3A_1127 : i1 to vector<16xi1>
    %ne3A_1129 = vector.broadcast %ne3A_1128 : vector<16xi1> to vector<16xi1>
    %ne3A_1130 = arith.xori %lt3A_1125, %ne3A_1129 : vector<16xi1>
    %and3A_1131 = arith.andi %ne3A_1130, %ne3A_1122 : vector<16xi1>
    %add3A_1132 = vector.broadcast %select_n3A_1117 : i32 to vector<16xi32>
    %add3A_1133 = arith.addi %rem3A_1119, %add3A_1132 : vector<16xi32>
    %select_n3A_1134 = arith.select %and3A_1131, %add3A_1133, %rem3A_1119 : vector<16xi1>, vector<16xi32>
    %add3A_1135 = arith.constant 21 : i32
    %add3A_1136 = vector.broadcast %add3A_1135 : i32 to vector<16xi32>
    %add3A_1137 = arith.addi %iota3A, %add3A_1136 : vector<16xi32>
    %jit3A_1138 = arith.constant 32 : i32
    %eq3A_1139 = arith.constant 0 : i32
    %eq3A_1140 = arith.cmpi eq, %jit3A_1138, %eq3A_1139 : i32
    %jit3A_1141 = arith.constant 1 : i32
    %select_n3A_1142 = arith.select %eq3A_1140, %jit3A_1141, %jit3A_1138 : i32
    %rem3A_1143 = vector.broadcast %select_n3A_1142 : i32 to vector<16xi32>
    %rem3A_1144 = arith.remsi %add3A_1137, %rem3A_1143 : vector<16xi32>
    %ne3A_1145 = arith.constant 0 : i32
    %ne3A_1146 = vector.broadcast %ne3A_1145 : i32 to vector<16xi32>
    %ne3A_1147 = arith.cmpi ne, %rem3A_1144, %ne3A_1146 : vector<16xi32>
    %lt3A_1148 = arith.constant 0 : i32
    %lt3A_1149 = vector.broadcast %lt3A_1148 : i32 to vector<16xi32>
    %lt3A_1150 = arith.cmpi slt, %rem3A_1144, %lt3A_1149 : vector<16xi32>
    %lt3A_1151 = arith.constant 0 : i32
    %lt3A_1152 = arith.cmpi slt, %select_n3A_1142, %lt3A_1151 : i32
    %ne3A_1153 = vector.broadcast %lt3A_1152 : i1 to vector<16xi1>
    %ne3A_1154 = vector.broadcast %ne3A_1153 : vector<16xi1> to vector<16xi1>
    %ne3A_1155 = arith.xori %lt3A_1150, %ne3A_1154 : vector<16xi1>
    %and3A_1156 = arith.andi %ne3A_1155, %ne3A_1147 : vector<16xi1>
    %add3A_1157 = vector.broadcast %select_n3A_1142 : i32 to vector<16xi32>
    %add3A_1158 = arith.addi %rem3A_1144, %add3A_1157 : vector<16xi32>
    %select_n3A_1159 = arith.select %and3A_1156, %add3A_1158, %rem3A_1144 : vector<16xi1>, vector<16xi32>
    %add3A_1160 = arith.constant 22 : i32
    %add3A_1161 = vector.broadcast %add3A_1160 : i32 to vector<16xi32>
    %add3A_1162 = arith.addi %iota3A, %add3A_1161 : vector<16xi32>
    %jit3A_1163 = arith.constant 32 : i32
    %eq3A_1164 = arith.constant 0 : i32
    %eq3A_1165 = arith.cmpi eq, %jit3A_1163, %eq3A_1164 : i32
    %jit3A_1166 = arith.constant 1 : i32
    %select_n3A_1167 = arith.select %eq3A_1165, %jit3A_1166, %jit3A_1163 : i32
    %rem3A_1168 = vector.broadcast %select_n3A_1167 : i32 to vector<16xi32>
    %rem3A_1169 = arith.remsi %add3A_1162, %rem3A_1168 : vector<16xi32>
    %ne3A_1170 = arith.constant 0 : i32
    %ne3A_1171 = vector.broadcast %ne3A_1170 : i32 to vector<16xi32>
    %ne3A_1172 = arith.cmpi ne, %rem3A_1169, %ne3A_1171 : vector<16xi32>
    %lt3A_1173 = arith.constant 0 : i32
    %lt3A_1174 = vector.broadcast %lt3A_1173 : i32 to vector<16xi32>
    %lt3A_1175 = arith.cmpi slt, %rem3A_1169, %lt3A_1174 : vector<16xi32>
    %lt3A_1176 = arith.constant 0 : i32
    %lt3A_1177 = arith.cmpi slt, %select_n3A_1167, %lt3A_1176 : i32
    %ne3A_1178 = vector.broadcast %lt3A_1177 : i1 to vector<16xi1>
    %ne3A_1179 = vector.broadcast %ne3A_1178 : vector<16xi1> to vector<16xi1>
    %ne3A_1180 = arith.xori %lt3A_1175, %ne3A_1179 : vector<16xi1>
    %and3A_1181 = arith.andi %ne3A_1180, %ne3A_1172 : vector<16xi1>
    %add3A_1182 = vector.broadcast %select_n3A_1167 : i32 to vector<16xi32>
    %add3A_1183 = arith.addi %rem3A_1169, %add3A_1182 : vector<16xi32>
    %select_n3A_1184 = arith.select %and3A_1181, %add3A_1183, %rem3A_1169 : vector<16xi1>, vector<16xi32>
    %add3A_1185 = arith.constant 23 : i32
    %add3A_1186 = vector.broadcast %add3A_1185 : i32 to vector<16xi32>
    %add3A_1187 = arith.addi %iota3A, %add3A_1186 : vector<16xi32>
    %jit3A_1188 = arith.constant 32 : i32
    %eq3A_1189 = arith.constant 0 : i32
    %eq3A_1190 = arith.cmpi eq, %jit3A_1188, %eq3A_1189 : i32
    %jit3A_1191 = arith.constant 1 : i32
    %select_n3A_1192 = arith.select %eq3A_1190, %jit3A_1191, %jit3A_1188 : i32
    %rem3A_1193 = vector.broadcast %select_n3A_1192 : i32 to vector<16xi32>
    %rem3A_1194 = arith.remsi %add3A_1187, %rem3A_1193 : vector<16xi32>
    %ne3A_1195 = arith.constant 0 : i32
    %ne3A_1196 = vector.broadcast %ne3A_1195 : i32 to vector<16xi32>
    %ne3A_1197 = arith.cmpi ne, %rem3A_1194, %ne3A_1196 : vector<16xi32>
    %lt3A_1198 = arith.constant 0 : i32
    %lt3A_1199 = vector.broadcast %lt3A_1198 : i32 to vector<16xi32>
    %lt3A_1200 = arith.cmpi slt, %rem3A_1194, %lt3A_1199 : vector<16xi32>
    %lt3A_1201 = arith.constant 0 : i32
    %lt3A_1202 = arith.cmpi slt, %select_n3A_1192, %lt3A_1201 : i32
    %ne3A_1203 = vector.broadcast %lt3A_1202 : i1 to vector<16xi1>
    %ne3A_1204 = vector.broadcast %ne3A_1203 : vector<16xi1> to vector<16xi1>
    %ne3A_1205 = arith.xori %lt3A_1200, %ne3A_1204 : vector<16xi1>
    %and3A_1206 = arith.andi %ne3A_1205, %ne3A_1197 : vector<16xi1>
    %add3A_1207 = vector.broadcast %select_n3A_1192 : i32 to vector<16xi32>
    %add3A_1208 = arith.addi %rem3A_1194, %add3A_1207 : vector<16xi32>
    %select_n3A_1209 = arith.select %and3A_1206, %add3A_1208, %rem3A_1194 : vector<16xi1>, vector<16xi32>
    %add3A_1210 = arith.constant 24 : i32
    %add3A_1211 = vector.broadcast %add3A_1210 : i32 to vector<16xi32>
    %add3A_1212 = arith.addi %iota3A, %add3A_1211 : vector<16xi32>
    %jit3A_1213 = arith.constant 32 : i32
    %eq3A_1214 = arith.constant 0 : i32
    %eq3A_1215 = arith.cmpi eq, %jit3A_1213, %eq3A_1214 : i32
    %jit3A_1216 = arith.constant 1 : i32
    %select_n3A_1217 = arith.select %eq3A_1215, %jit3A_1216, %jit3A_1213 : i32
    %rem3A_1218 = vector.broadcast %select_n3A_1217 : i32 to vector<16xi32>
    %rem3A_1219 = arith.remsi %add3A_1212, %rem3A_1218 : vector<16xi32>
    %ne3A_1220 = arith.constant 0 : i32
    %ne3A_1221 = vector.broadcast %ne3A_1220 : i32 to vector<16xi32>
    %ne3A_1222 = arith.cmpi ne, %rem3A_1219, %ne3A_1221 : vector<16xi32>
    %lt3A_1223 = arith.constant 0 : i32
    %lt3A_1224 = vector.broadcast %lt3A_1223 : i32 to vector<16xi32>
    %lt3A_1225 = arith.cmpi slt, %rem3A_1219, %lt3A_1224 : vector<16xi32>
    %lt3A_1226 = arith.constant 0 : i32
    %lt3A_1227 = arith.cmpi slt, %select_n3A_1217, %lt3A_1226 : i32
    %ne3A_1228 = vector.broadcast %lt3A_1227 : i1 to vector<16xi1>
    %ne3A_1229 = vector.broadcast %ne3A_1228 : vector<16xi1> to vector<16xi1>
    %ne3A_1230 = arith.xori %lt3A_1225, %ne3A_1229 : vector<16xi1>
    %and3A_1231 = arith.andi %ne3A_1230, %ne3A_1222 : vector<16xi1>
    %add3A_1232 = vector.broadcast %select_n3A_1217 : i32 to vector<16xi32>
    %add3A_1233 = arith.addi %rem3A_1219, %add3A_1232 : vector<16xi32>
    %select_n3A_1234 = arith.select %and3A_1231, %add3A_1233, %rem3A_1219 : vector<16xi1>, vector<16xi32>
    %add3A_1235 = arith.constant 25 : i32
    %add3A_1236 = vector.broadcast %add3A_1235 : i32 to vector<16xi32>
    %add3A_1237 = arith.addi %iota3A, %add3A_1236 : vector<16xi32>
    %jit3A_1238 = arith.constant 32 : i32
    %eq3A_1239 = arith.constant 0 : i32
    %eq3A_1240 = arith.cmpi eq, %jit3A_1238, %eq3A_1239 : i32
    %jit3A_1241 = arith.constant 1 : i32
    %select_n3A_1242 = arith.select %eq3A_1240, %jit3A_1241, %jit3A_1238 : i32
    %rem3A_1243 = vector.broadcast %select_n3A_1242 : i32 to vector<16xi32>
    %rem3A_1244 = arith.remsi %add3A_1237, %rem3A_1243 : vector<16xi32>
    %ne3A_1245 = arith.constant 0 : i32
    %ne3A_1246 = vector.broadcast %ne3A_1245 : i32 to vector<16xi32>
    %ne3A_1247 = arith.cmpi ne, %rem3A_1244, %ne3A_1246 : vector<16xi32>
    %lt3A_1248 = arith.constant 0 : i32
    %lt3A_1249 = vector.broadcast %lt3A_1248 : i32 to vector<16xi32>
    %lt3A_1250 = arith.cmpi slt, %rem3A_1244, %lt3A_1249 : vector<16xi32>
    %lt3A_1251 = arith.constant 0 : i32
    %lt3A_1252 = arith.cmpi slt, %select_n3A_1242, %lt3A_1251 : i32
    %ne3A_1253 = vector.broadcast %lt3A_1252 : i1 to vector<16xi1>
    %ne3A_1254 = vector.broadcast %ne3A_1253 : vector<16xi1> to vector<16xi1>
    %ne3A_1255 = arith.xori %lt3A_1250, %ne3A_1254 : vector<16xi1>
    %and3A_1256 = arith.andi %ne3A_1255, %ne3A_1247 : vector<16xi1>
    %add3A_1257 = vector.broadcast %select_n3A_1242 : i32 to vector<16xi32>
    %add3A_1258 = arith.addi %rem3A_1244, %add3A_1257 : vector<16xi32>
    %select_n3A_1259 = arith.select %and3A_1256, %add3A_1258, %rem3A_1244 : vector<16xi1>, vector<16xi32>
    %add3A_1260 = arith.constant 26 : i32
    %add3A_1261 = vector.broadcast %add3A_1260 : i32 to vector<16xi32>
    %add3A_1262 = arith.addi %iota3A, %add3A_1261 : vector<16xi32>
    %jit3A_1263 = arith.constant 32 : i32
    %eq3A_1264 = arith.constant 0 : i32
    %eq3A_1265 = arith.cmpi eq, %jit3A_1263, %eq3A_1264 : i32
    %jit3A_1266 = arith.constant 1 : i32
    %select_n3A_1267 = arith.select %eq3A_1265, %jit3A_1266, %jit3A_1263 : i32
    %rem3A_1268 = vector.broadcast %select_n3A_1267 : i32 to vector<16xi32>
    %rem3A_1269 = arith.remsi %add3A_1262, %rem3A_1268 : vector<16xi32>
    %ne3A_1270 = arith.constant 0 : i32
    %ne3A_1271 = vector.broadcast %ne3A_1270 : i32 to vector<16xi32>
    %ne3A_1272 = arith.cmpi ne, %rem3A_1269, %ne3A_1271 : vector<16xi32>
    %lt3A_1273 = arith.constant 0 : i32
    %lt3A_1274 = vector.broadcast %lt3A_1273 : i32 to vector<16xi32>
    %lt3A_1275 = arith.cmpi slt, %rem3A_1269, %lt3A_1274 : vector<16xi32>
    %lt3A_1276 = arith.constant 0 : i32
    %lt3A_1277 = arith.cmpi slt, %select_n3A_1267, %lt3A_1276 : i32
    %ne3A_1278 = vector.broadcast %lt3A_1277 : i1 to vector<16xi1>
    %ne3A_1279 = vector.broadcast %ne3A_1278 : vector<16xi1> to vector<16xi1>
    %ne3A_1280 = arith.xori %lt3A_1275, %ne3A_1279 : vector<16xi1>
    %and3A_1281 = arith.andi %ne3A_1280, %ne3A_1272 : vector<16xi1>
    %add3A_1282 = vector.broadcast %select_n3A_1267 : i32 to vector<16xi32>
    %add3A_1283 = arith.addi %rem3A_1269, %add3A_1282 : vector<16xi32>
    %select_n3A_1284 = arith.select %and3A_1281, %add3A_1283, %rem3A_1269 : vector<16xi1>, vector<16xi32>
    %add3A_1285 = arith.constant 27 : i32
    %add3A_1286 = vector.broadcast %add3A_1285 : i32 to vector<16xi32>
    %add3A_1287 = arith.addi %iota3A, %add3A_1286 : vector<16xi32>
    %jit3A_1288 = arith.constant 32 : i32
    %eq3A_1289 = arith.constant 0 : i32
    %eq3A_1290 = arith.cmpi eq, %jit3A_1288, %eq3A_1289 : i32
    %jit3A_1291 = arith.constant 1 : i32
    %select_n3A_1292 = arith.select %eq3A_1290, %jit3A_1291, %jit3A_1288 : i32
    %rem3A_1293 = vector.broadcast %select_n3A_1292 : i32 to vector<16xi32>
    %rem3A_1294 = arith.remsi %add3A_1287, %rem3A_1293 : vector<16xi32>
    %ne3A_1295 = arith.constant 0 : i32
    %ne3A_1296 = vector.broadcast %ne3A_1295 : i32 to vector<16xi32>
    %ne3A_1297 = arith.cmpi ne, %rem3A_1294, %ne3A_1296 : vector<16xi32>
    %lt3A_1298 = arith.constant 0 : i32
    %lt3A_1299 = vector.broadcast %lt3A_1298 : i32 to vector<16xi32>
    %lt3A_1300 = arith.cmpi slt, %rem3A_1294, %lt3A_1299 : vector<16xi32>
    %lt3A_1301 = arith.constant 0 : i32
    %lt3A_1302 = arith.cmpi slt, %select_n3A_1292, %lt3A_1301 : i32
    %ne3A_1303 = vector.broadcast %lt3A_1302 : i1 to vector<16xi1>
    %ne3A_1304 = vector.broadcast %ne3A_1303 : vector<16xi1> to vector<16xi1>
    %ne3A_1305 = arith.xori %lt3A_1300, %ne3A_1304 : vector<16xi1>
    %and3A_1306 = arith.andi %ne3A_1305, %ne3A_1297 : vector<16xi1>
    %add3A_1307 = vector.broadcast %select_n3A_1292 : i32 to vector<16xi32>
    %add3A_1308 = arith.addi %rem3A_1294, %add3A_1307 : vector<16xi32>
    %select_n3A_1309 = arith.select %and3A_1306, %add3A_1308, %rem3A_1294 : vector<16xi1>, vector<16xi32>
    %add3A_1310 = arith.constant 28 : i32
    %add3A_1311 = vector.broadcast %add3A_1310 : i32 to vector<16xi32>
    %add3A_1312 = arith.addi %iota3A, %add3A_1311 : vector<16xi32>
    %jit3A_1313 = arith.constant 32 : i32
    %eq3A_1314 = arith.constant 0 : i32
    %eq3A_1315 = arith.cmpi eq, %jit3A_1313, %eq3A_1314 : i32
    %jit3A_1316 = arith.constant 1 : i32
    %select_n3A_1317 = arith.select %eq3A_1315, %jit3A_1316, %jit3A_1313 : i32
    %rem3A_1318 = vector.broadcast %select_n3A_1317 : i32 to vector<16xi32>
    %rem3A_1319 = arith.remsi %add3A_1312, %rem3A_1318 : vector<16xi32>
    %ne3A_1320 = arith.constant 0 : i32
    %ne3A_1321 = vector.broadcast %ne3A_1320 : i32 to vector<16xi32>
    %ne3A_1322 = arith.cmpi ne, %rem3A_1319, %ne3A_1321 : vector<16xi32>
    %lt3A_1323 = arith.constant 0 : i32
    %lt3A_1324 = vector.broadcast %lt3A_1323 : i32 to vector<16xi32>
    %lt3A_1325 = arith.cmpi slt, %rem3A_1319, %lt3A_1324 : vector<16xi32>
    %lt3A_1326 = arith.constant 0 : i32
    %lt3A_1327 = arith.cmpi slt, %select_n3A_1317, %lt3A_1326 : i32
    %ne3A_1328 = vector.broadcast %lt3A_1327 : i1 to vector<16xi1>
    %ne3A_1329 = vector.broadcast %ne3A_1328 : vector<16xi1> to vector<16xi1>
    %ne3A_1330 = arith.xori %lt3A_1325, %ne3A_1329 : vector<16xi1>
    %and3A_1331 = arith.andi %ne3A_1330, %ne3A_1322 : vector<16xi1>
    %add3A_1332 = vector.broadcast %select_n3A_1317 : i32 to vector<16xi32>
    %add3A_1333 = arith.addi %rem3A_1319, %add3A_1332 : vector<16xi32>
    %select_n3A_1334 = arith.select %and3A_1331, %add3A_1333, %rem3A_1319 : vector<16xi1>, vector<16xi32>
    %add3A_1335 = arith.constant 29 : i32
    %add3A_1336 = vector.broadcast %add3A_1335 : i32 to vector<16xi32>
    %add3A_1337 = arith.addi %iota3A, %add3A_1336 : vector<16xi32>
    %jit3A_1338 = arith.constant 32 : i32
    %eq3A_1339 = arith.constant 0 : i32
    %eq3A_1340 = arith.cmpi eq, %jit3A_1338, %eq3A_1339 : i32
    %jit3A_1341 = arith.constant 1 : i32
    %select_n3A_1342 = arith.select %eq3A_1340, %jit3A_1341, %jit3A_1338 : i32
    %rem3A_1343 = vector.broadcast %select_n3A_1342 : i32 to vector<16xi32>
    %rem3A_1344 = arith.remsi %add3A_1337, %rem3A_1343 : vector<16xi32>
    %ne3A_1345 = arith.constant 0 : i32
    %ne3A_1346 = vector.broadcast %ne3A_1345 : i32 to vector<16xi32>
    %ne3A_1347 = arith.cmpi ne, %rem3A_1344, %ne3A_1346 : vector<16xi32>
    %lt3A_1348 = arith.constant 0 : i32
    %lt3A_1349 = vector.broadcast %lt3A_1348 : i32 to vector<16xi32>
    %lt3A_1350 = arith.cmpi slt, %rem3A_1344, %lt3A_1349 : vector<16xi32>
    %lt3A_1351 = arith.constant 0 : i32
    %lt3A_1352 = arith.cmpi slt, %select_n3A_1342, %lt3A_1351 : i32
    %ne3A_1353 = vector.broadcast %lt3A_1352 : i1 to vector<16xi1>
    %ne3A_1354 = vector.broadcast %ne3A_1353 : vector<16xi1> to vector<16xi1>
    %ne3A_1355 = arith.xori %lt3A_1350, %ne3A_1354 : vector<16xi1>
    %and3A_1356 = arith.andi %ne3A_1355, %ne3A_1347 : vector<16xi1>
    %add3A_1357 = vector.broadcast %select_n3A_1342 : i32 to vector<16xi32>
    %add3A_1358 = arith.addi %rem3A_1344, %add3A_1357 : vector<16xi32>
    %select_n3A_1359 = arith.select %and3A_1356, %add3A_1358, %rem3A_1344 : vector<16xi1>, vector<16xi32>
    %add3A_1360 = arith.constant 30 : i32
    %add3A_1361 = vector.broadcast %add3A_1360 : i32 to vector<16xi32>
    %add3A_1362 = arith.addi %iota3A, %add3A_1361 : vector<16xi32>
    %jit3A_1363 = arith.constant 32 : i32
    %eq3A_1364 = arith.constant 0 : i32
    %eq3A_1365 = arith.cmpi eq, %jit3A_1363, %eq3A_1364 : i32
    %jit3A_1366 = arith.constant 1 : i32
    %select_n3A_1367 = arith.select %eq3A_1365, %jit3A_1366, %jit3A_1363 : i32
    %rem3A_1368 = vector.broadcast %select_n3A_1367 : i32 to vector<16xi32>
    %rem3A_1369 = arith.remsi %add3A_1362, %rem3A_1368 : vector<16xi32>
    %ne3A_1370 = arith.constant 0 : i32
    %ne3A_1371 = vector.broadcast %ne3A_1370 : i32 to vector<16xi32>
    %ne3A_1372 = arith.cmpi ne, %rem3A_1369, %ne3A_1371 : vector<16xi32>
    %lt3A_1373 = arith.constant 0 : i32
    %lt3A_1374 = vector.broadcast %lt3A_1373 : i32 to vector<16xi32>
    %lt3A_1375 = arith.cmpi slt, %rem3A_1369, %lt3A_1374 : vector<16xi32>
    %lt3A_1376 = arith.constant 0 : i32
    %lt3A_1377 = arith.cmpi slt, %select_n3A_1367, %lt3A_1376 : i32
    %ne3A_1378 = vector.broadcast %lt3A_1377 : i1 to vector<16xi1>
    %ne3A_1379 = vector.broadcast %ne3A_1378 : vector<16xi1> to vector<16xi1>
    %ne3A_1380 = arith.xori %lt3A_1375, %ne3A_1379 : vector<16xi1>
    %and3A_1381 = arith.andi %ne3A_1380, %ne3A_1372 : vector<16xi1>
    %add3A_1382 = vector.broadcast %select_n3A_1367 : i32 to vector<16xi32>
    %add3A_1383 = arith.addi %rem3A_1369, %add3A_1382 : vector<16xi32>
    %select_n3A_1384 = arith.select %and3A_1381, %add3A_1383, %rem3A_1369 : vector<16xi1>, vector<16xi32>
    %add3A_1385 = arith.constant 31 : i32
    %add3A_1386 = vector.broadcast %add3A_1385 : i32 to vector<16xi32>
    %add3A_1387 = arith.addi %iota3A, %add3A_1386 : vector<16xi32>
    %jit3A_1388 = arith.constant 32 : i32
    %eq3A_1389 = arith.constant 0 : i32
    %eq3A_1390 = arith.cmpi eq, %jit3A_1388, %eq3A_1389 : i32
    %jit3A_1391 = arith.constant 1 : i32
    %select_n3A_1392 = arith.select %eq3A_1390, %jit3A_1391, %jit3A_1388 : i32
    %rem3A_1393 = vector.broadcast %select_n3A_1392 : i32 to vector<16xi32>
    %rem3A_1394 = arith.remsi %add3A_1387, %rem3A_1393 : vector<16xi32>
    %ne3A_1395 = arith.constant 0 : i32
    %ne3A_1396 = vector.broadcast %ne3A_1395 : i32 to vector<16xi32>
    %ne3A_1397 = arith.cmpi ne, %rem3A_1394, %ne3A_1396 : vector<16xi32>
    %lt3A_1398 = arith.constant 0 : i32
    %lt3A_1399 = vector.broadcast %lt3A_1398 : i32 to vector<16xi32>
    %lt3A_1400 = arith.cmpi slt, %rem3A_1394, %lt3A_1399 : vector<16xi32>
    %lt3A_1401 = arith.constant 0 : i32
    %lt3A_1402 = arith.cmpi slt, %select_n3A_1392, %lt3A_1401 : i32
    %ne3A_1403 = vector.broadcast %lt3A_1402 : i1 to vector<16xi1>
    %ne3A_1404 = vector.broadcast %ne3A_1403 : vector<16xi1> to vector<16xi1>
    %ne3A_1405 = arith.xori %lt3A_1400, %ne3A_1404 : vector<16xi1>
    %and3A_1406 = arith.andi %ne3A_1405, %ne3A_1397 : vector<16xi1>
    %add3A_1407 = vector.broadcast %select_n3A_1392 : i32 to vector<16xi32>
    %add3A_1408 = arith.addi %rem3A_1394, %add3A_1407 : vector<16xi32>
    %select_n3A_1409 = arith.select %and3A_1406, %add3A_1408, %rem3A_1394 : vector<16xi1>, vector<16xi32>
    %scan3A = arith.constant 0 : i32
    %scan3A_1410 = arith.constant 0 : i32
    %scan3A_1411 = arith.constant 32 : i32
    %scan3A_1412 = arith.addi %scan3A_1410, %scan3A_1411 : i32
    %scan3A_1413 = arith.constant 1 : i32
    scf.for %scan3A_1415 = %scan3A_1410 to %scan3A_1412 step %scan3A_1413  : i32 {
      %mul3A_1416 = arith.constant 16 : i32
      %mul3A_1417 = arith.muli %scan3A_1415, %mul3A_1416 : i32
      %add3A_1418 = vector.broadcast %mul3A_1417 : i32 to vector<16xi32>
      %add3A_1419 = arith.addi %add3A_1418, %iota3A : vector<16xi32>
      %mul3A_1420 = arith.constant 16 : i32
      %mul3A_1421 = arith.muli %scan3A_1415, %mul3A_1420 : i32
      %get3A_1422 = arith.index_cast %mul3A_1421 : i32 to index
      %get3A_1423 = tpu.vector_load %arg13[%get3A_1422] {strides = array<i32>} : memref<512xf32, #tpu.memory_space<vmem>>, vector<16xf32>,
      %gather3A = tpu.vector_load_idx %arg11[%add3A_1419, %select_n3A_634] : memref<512x32xf32, #tpu.memory_space<vmem>>[vector<16xi32>, vector<16xi32>], vector<16xf32>,
      %gather3A_1424 = tpu.vector_load_idx %arg12[%add3A_1419, %select_n3A_634] : memref<512x32xf32, #tpu.memory_space<vmem>>[vector<16xi32>, vector<16xi32>], vector<16xf32>,
      %mul3A_1425 = arith.mulf %gather3A, %gather3A_1424 : vector<16xf32>
      %add3A_1426 = arith.addf %get3A_1423, %mul3A_1425 : vector<16xf32>
      %gather3A_1427 = tpu.vector_load_idx %arg11[%add3A_1419, %select_n3A_659] : memref<512x32xf32, #tpu.memory_space<vmem>>[vector<16xi32>, vector<16xi32>], vector<16xf32>,
      %gather3A_1428 = tpu.vector_load_idx %arg12[%add3A_1419, %select_n3A_659] : memref<512x32xf32, #tpu.memory_space<vmem>>[vector<16xi32>, vector<16xi32>], vector<16xf32>,
      %mul3A_1429 = arith.mulf %gather3A_1427, %gather3A_1428 : vector<16xf32>
      %add3A_1430 = arith.addf %add3A_1426, %mul3A_1429 : vector<16xf32>
      %gather3A_1431 = tpu.vector_load_idx %arg11[%add3A_1419, %select_n3A_684] : memref<512x32xf32, #tpu.memory_space<vmem>>[vector<16xi32>, vector<16xi32>], vector<16xf32>,
      %gather3A_1432 = tpu.vector_load_idx %arg12[%add3A_1419, %select_n3A_684] : memref<512x32xf32, #tpu.memory_space<vmem>>[vector<16xi32>, vector<16xi32>], vector<16xf32>,
      %mul3A_1433 = arith.mulf %gather3A_1431, %gather3A_1432 : vector<16xf32>
      %add3A_1434 = arith.addf %add3A_1430, %mul3A_1433 : vector<16xf32>
      %gather3A_1435 = tpu.vector_load_idx %arg11[%add3A_1419, %select_n3A_709] : memref<512x32xf32, #tpu.memory_space<vmem>>[vector<16xi32>, vector<16xi32>], vector<16xf32>,
      %gather3A_1436 = tpu.vector_load_idx %arg12[%add3A_1419, %select_n3A_709] : memref<512x32xf32, #tpu.memory_space<vmem>>[vector<16xi32>, vector<16xi32>], vector<16xf32>,
      %mul3A_1437 = arith.mulf %gather3A_1435, %gather3A_1436 : vector<16xf32>
      %add3A_1438 = arith.addf %add3A_1434, %mul3A_1437 : vector<16xf32>
      %gather3A_1439 = tpu.vector_load_idx %arg11[%add3A_1419, %select_n3A_734] : memref<512x32xf32, #tpu.memory_space<vmem>>[vector<16xi32>, vector<16xi32>], vector<16xf32>,
      %gather3A_1440 = tpu.vector_load_idx %arg12[%add3A_1419, %select_n3A_734] : memref<512x32xf32, #tpu.memory_space<vmem>>[vector<16xi32>, vector<16xi32>], vector<16xf32>,
      %mul3A_1441 = arith.mulf %gather3A_1439, %gather3A_1440 : vector<16xf32>
      %add3A_1442 = arith.addf %add3A_1438, %mul3A_1441 : vector<16xf32>
      %gather3A_1443 = tpu.vector_load_idx %arg11[%add3A_1419, %select_n3A_759] : memref<512x32xf32, #tpu.memory_space<vmem>>[vector<16xi32>, vector<16xi32>], vector<16xf32>,
      %gather3A_1444 = tpu.vector_load_idx %arg12[%add3A_1419, %select_n3A_759] : memref<512x32xf32, #tpu.memory_space<vmem>>[vector<16xi32>, vector<16xi32>], vector<16xf32>,
      %mul3A_1445 = arith.mulf %gather3A_1443, %gather3A_1444 : vector<16xf32>
      %add3A_1446 = arith.addf %add3A_1442, %mul3A_1445 : vector<16xf32>
      %gather3A_1447 = tpu.vector_load_idx %arg11[%add3A_1419, %select_n3A_784] : memref<512x32xf32, #tpu.memory_space<vmem>>[vector<16xi32>, vector<16xi32>], vector<16xf32>,
      %gather3A_1448 = tpu.vector_load_idx %arg12[%add3A_1419, %select_n3A_784] : memref<512x32xf32, #tpu.memory_space<vmem>>[vector<16xi32>, vector<16xi32>], vector<16xf32>,
      %mul3A_1449 = arith.mulf %gather3A_1447, %gather3A_1448 : vector<16xf32>
      %add3A_1450 = arith.addf %add3A_1446, %mul3A_1449 : vector<16xf32>
      %gather3A_1451 = tpu.vector_load_idx %arg11[%add3A_1419, %select_n3A_809] : memref<512x32xf32, #tpu.memory_space<vmem>>[vector<16xi32>, vector<16xi32>], vector<16xf32>,
      %gather3A_1452 = tpu.vector_load_idx %arg12[%add3A_1419, %select_n3A_809] : memref<512x32xf32, #tpu.memory_space<vmem>>[vector<16xi32>, vector<16xi32>], vector<16xf32>,
      %mul3A_1453 = arith.mulf %gather3A_1451, %gather3A_1452 : vector<16xf32>
      %add3A_1454 = arith.addf %add3A_1450, %mul3A_1453 : vector<16xf32>
      %gather3A_1455 = tpu.vector_load_idx %arg11[%add3A_1419, %select_n3A_834] : memref<512x32xf32, #tpu.memory_space<vmem>>[vector<16xi32>, vector<16xi32>], vector<16xf32>,
      %gather3A_1456 = tpu.vector_load_idx %arg12[%add3A_1419, %select_n3A_834] : memref<512x32xf32, #tpu.memory_space<vmem>>[vector<16xi32>, vector<16xi32>], vector<16xf32>,
      %mul3A_1457 = arith.mulf %gather3A_1455, %gather3A_1456 : vector<16xf32>
      %add3A_1458 = arith.addf %add3A_1454, %mul3A_1457 : vector<16xf32>
      %gather3A_1459 = tpu.vector_load_idx %arg11[%add3A_1419, %select_n3A_859] : memref<512x32xf32, #tpu.memory_space<vmem>>[vector<16xi32>, vector<16xi32>], vector<16xf32>,
      %gather3A_1460 = tpu.vector_load_idx %arg12[%add3A_1419, %select_n3A_859] : memref<512x32xf32, #tpu.memory_space<vmem>>[vector<16xi32>, vector<16xi32>], vector<16xf32>,
      %mul3A_1461 = arith.mulf %gather3A_1459, %gather3A_1460 : vector<16xf32>
      %add3A_1462 = arith.addf %add3A_1458, %mul3A_1461 : vector<16xf32>
      %gather3A_1463 = tpu.vector_load_idx %arg11[%add3A_1419, %select_n3A_884] : memref<512x32xf32, #tpu.memory_space<vmem>>[vector<16xi32>, vector<16xi32>], vector<16xf32>,
      %gather3A_1464 = tpu.vector_load_idx %arg12[%add3A_1419, %select_n3A_884] : memref<512x32xf32, #tpu.memory_space<vmem>>[vector<16xi32>, vector<16xi32>], vector<16xf32>,
      %mul3A_1465 = arith.mulf %gather3A_1463, %gather3A_1464 : vector<16xf32>
      %add3A_1466 = arith.addf %add3A_1462, %mul3A_1465 : vector<16xf32>
      %gather3A_1467 = tpu.vector_load_idx %arg11[%add3A_1419, %select_n3A_909] : memref<512x32xf32, #tpu.memory_space<vmem>>[vector<16xi32>, vector<16xi32>], vector<16xf32>,
      %gather3A_1468 = tpu.vector_load_idx %arg12[%add3A_1419, %select_n3A_909] : memref<512x32xf32, #tpu.memory_space<vmem>>[vector<16xi32>, vector<16xi32>], vector<16xf32>,
      %mul3A_1469 = arith.mulf %gather3A_1467, %gather3A_1468 : vector<16xf32>
      %add3A_1470 = arith.addf %add3A_1466, %mul3A_1469 : vector<16xf32>
      %gather3A_1471 = tpu.vector_load_idx %arg11[%add3A_1419, %select_n3A_934] : memref<512x32xf32, #tpu.memory_space<vmem>>[vector<16xi32>, vector<16xi32>], vector<16xf32>,
      %gather3A_1472 = tpu.vector_load_idx %arg12[%add3A_1419, %select_n3A_934] : memref<512x32xf32, #tpu.memory_space<vmem>>[vector<16xi32>, vector<16xi32>], vector<16xf32>,
      %mul3A_1473 = arith.mulf %gather3A_1471, %gather3A_1472 : vector<16xf32>
      %add3A_1474 = arith.addf %add3A_1470, %mul3A_1473 : vector<16xf32>
      %gather3A_1475 = tpu.vector_load_idx %arg11[%add3A_1419, %select_n3A_959] : memref<512x32xf32, #tpu.memory_space<vmem>>[vector<16xi32>, vector<16xi32>], vector<16xf32>,
      %gather3A_1476 = tpu.vector_load_idx %arg12[%add3A_1419, %select_n3A_959] : memref<512x32xf32, #tpu.memory_space<vmem>>[vector<16xi32>, vector<16xi32>], vector<16xf32>,
      %mul3A_1477 = arith.mulf %gather3A_1475, %gather3A_1476 : vector<16xf32>
      %add3A_1478 = arith.addf %add3A_1474, %mul3A_1477 : vector<16xf32>
      %gather3A_1479 = tpu.vector_load_idx %arg11[%add3A_1419, %select_n3A_984] : memref<512x32xf32, #tpu.memory_space<vmem>>[vector<16xi32>, vector<16xi32>], vector<16xf32>,
      %gather3A_1480 = tpu.vector_load_idx %arg12[%add3A_1419, %select_n3A_984] : memref<512x32xf32, #tpu.memory_space<vmem>>[vector<16xi32>, vector<16xi32>], vector<16xf32>,
      %mul3A_1481 = arith.mulf %gather3A_1479, %gather3A_1480 : vector<16xf32>
      %add3A_1482 = arith.addf %add3A_1478, %mul3A_1481 : vector<16xf32>
      %gather3A_1483 = tpu.vector_load_idx %arg11[%add3A_1419, %select_n3A_1009] : memref<512x32xf32, #tpu.memory_space<vmem>>[vector<16xi32>, vector<16xi32>], vector<16xf32>,
      %gather3A_1484 = tpu.vector_load_idx %arg12[%add3A_1419, %select_n3A_1009] : memref<512x32xf32, #tpu.memory_space<vmem>>[vector<16xi32>, vector<16xi32>], vector<16xf32>,
      %mul3A_1485 = arith.mulf %gather3A_1483, %gather3A_1484 : vector<16xf32>
      %add3A_1486 = arith.addf %add3A_1482, %mul3A_1485 : vector<16xf32>
      %gather3A_1487 = tpu.vector_load_idx %arg11[%add3A_1419, %select_n3A_1034] : memref<512x32xf32, #tpu.memory_space<vmem>>[vector<16xi32>, vector<16xi32>], vector<16xf32>,
      %gather3A_1488 = tpu.vector_load_idx %arg12[%add3A_1419, %select_n3A_1034] : memref<512x32xf32, #tpu.memory_space<vmem>>[vector<16xi32>, vector<16xi32>], vector<16xf32>,
      %mul3A_1489 = arith.mulf %gather3A_1487, %gather3A_1488 : vector<16xf32>
      %add3A_1490 = arith.addf %add3A_1486, %mul3A_1489 : vector<16xf32>
      %gather3A_1491 = tpu.vector_load_idx %arg11[%add3A_1419, %select_n3A_1059] : memref<512x32xf32, #tpu.memory_space<vmem>>[vector<16xi32>, vector<16xi32>], vector<16xf32>,
      %gather3A_1492 = tpu.vector_load_idx %arg12[%add3A_1419, %select_n3A_1059] : memref<512x32xf32, #tpu.memory_space<vmem>>[vector<16xi32>, vector<16xi32>], vector<16xf32>,
      %mul3A_1493 = arith.mulf %gather3A_1491, %gather3A_1492 : vector<16xf32>
      %add3A_1494 = arith.addf %add3A_1490, %mul3A_1493 : vector<16xf32>
      %gather3A_1495 = tpu.vector_load_idx %arg11[%add3A_1419, %select_n3A_1084] : memref<512x32xf32, #tpu.memory_space<vmem>>[vector<16xi32>, vector<16xi32>], vector<16xf32>,
      %gather3A_1496 = tpu.vector_load_idx %arg12[%add3A_1419, %select_n3A_1084] : memref<512x32xf32, #tpu.memory_space<vmem>>[vector<16xi32>, vector<16xi32>], vector<16xf32>,
      %mul3A_1497 = arith.mulf %gather3A_1495, %gather3A_1496 : vector<16xf32>
      %add3A_1498 = arith.addf %add3A_1494, %mul3A_1497 : vector<16xf32>
      %gather3A_1499 = tpu.vector_load_idx %arg11[%add3A_1419, %select_n3A_1109] : memref<512x32xf32, #tpu.memory_space<vmem>>[vector<16xi32>, vector<16xi32>], vector<16xf32>,
      %gather3A_1500 = tpu.vector_load_idx %arg12[%add3A_1419, %select_n3A_1109] : memref<512x32xf32, #tpu.memory_space<vmem>>[vector<16xi32>, vector<16xi32>], vector<16xf32>,
      %mul3A_1501 = arith.mulf %gather3A_1499, %gather3A_1500 : vector<16xf32>
      %add3A_1502 = arith.addf %add3A_1498, %mul3A_1501 : vector<16xf32>
      %gather3A_1503 = tpu.vector_load_idx %arg11[%add3A_1419, %select_n3A_1134] : memref<512x32xf32, #tpu.memory_space<vmem>>[vector<16xi32>, vector<16xi32>], vector<16xf32>,
      %gather3A_1504 = tpu.vector_load_idx %arg12[%add3A_1419, %select_n3A_1134] : memref<512x32xf32, #tpu.memory_space<vmem>>[vector<16xi32>, vector<16xi32>], vector<16xf32>,
      %mul3A_1505 = arith.mulf %gather3A_1503, %gather3A_1504 : vector<16xf32>
      %add3A_1506 = arith.addf %add3A_1502, %mul3A_1505 : vector<16xf32>
      %gather3A_1507 = tpu.vector_load_idx %arg11[%add3A_1419, %select_n3A_1159] : memref<512x32xf32, #tpu.memory_space<vmem>>[vector<16xi32>, vector<16xi32>], vector<16xf32>,
      %gather3A_1508 = tpu.vector_load_idx %arg12[%add3A_1419, %select_n3A_1159] : memref<512x32xf32, #tpu.memory_space<vmem>>[vector<16xi32>, vector<16xi32>], vector<16xf32>,
      %mul3A_1509 = arith.mulf %gather3A_1507, %gather3A_1508 : vector<16xf32>
      %add3A_1510 = arith.addf %add3A_1506, %mul3A_1509 : vector<16xf32>
      %gather3A_1511 = tpu.vector_load_idx %arg11[%add3A_1419, %select_n3A_1184] : memref<512x32xf32, #tpu.memory_space<vmem>>[vector<16xi32>, vector<16xi32>], vector<16xf32>,
      %gather3A_1512 = tpu.vector_load_idx %arg12[%add3A_1419, %select_n3A_1184] : memref<512x32xf32, #tpu.memory_space<vmem>>[vector<16xi32>, vector<16xi32>], vector<16xf32>,
      %mul3A_1513 = arith.mulf %gather3A_1511, %gather3A_1512 : vector<16xf32>
      %add3A_1514 = arith.addf %add3A_1510, %mul3A_1513 : vector<16xf32>
      %gather3A_1515 = tpu.vector_load_idx %arg11[%add3A_1419, %select_n3A_1209] : memref<512x32xf32, #tpu.memory_space<vmem>>[vector<16xi32>, vector<16xi32>], vector<16xf32>,
      %gather3A_1516 = tpu.vector_load_idx %arg12[%add3A_1419, %select_n3A_1209] : memref<512x32xf32, #tpu.memory_space<vmem>>[vector<16xi32>, vector<16xi32>], vector<16xf32>,
      %mul3A_1517 = arith.mulf %gather3A_1515, %gather3A_1516 : vector<16xf32>
      %add3A_1518 = arith.addf %add3A_1514, %mul3A_1517 : vector<16xf32>
      %gather3A_1519 = tpu.vector_load_idx %arg11[%add3A_1419, %select_n3A_1234] : memref<512x32xf32, #tpu.memory_space<vmem>>[vector<16xi32>, vector<16xi32>], vector<16xf32>,
      %gather3A_1520 = tpu.vector_load_idx %arg12[%add3A_1419, %select_n3A_1234] : memref<512x32xf32, #tpu.memory_space<vmem>>[vector<16xi32>, vector<16xi32>], vector<16xf32>,
      %mul3A_1521 = arith.mulf %gather3A_1519, %gather3A_1520 : vector<16xf32>
      %add3A_1522 = arith.addf %add3A_1518, %mul3A_1521 : vector<16xf32>
      %gather3A_1523 = tpu.vector_load_idx %arg11[%add3A_1419, %select_n3A_1259] : memref<512x32xf32, #tpu.memory_space<vmem>>[vector<16xi32>, vector<16xi32>], vector<16xf32>,
      %gather3A_1524 = tpu.vector_load_idx %arg12[%add3A_1419, %select_n3A_1259] : memref<512x32xf32, #tpu.memory_space<vmem>>[vector<16xi32>, vector<16xi32>], vector<16xf32>,
      %mul3A_1525 = arith.mulf %gather3A_1523, %gather3A_1524 : vector<16xf32>
      %add3A_1526 = arith.addf %add3A_1522, %mul3A_1525 : vector<16xf32>
      %gather3A_1527 = tpu.vector_load_idx %arg11[%add3A_1419, %select_n3A_1284] : memref<512x32xf32, #tpu.memory_space<vmem>>[vector<16xi32>, vector<16xi32>], vector<16xf32>,
      %gather3A_1528 = tpu.vector_load_idx %arg12[%add3A_1419, %select_n3A_1284] : memref<512x32xf32, #tpu.memory_space<vmem>>[vector<16xi32>, vector<16xi32>], vector<16xf32>,
      %mul3A_1529 = arith.mulf %gather3A_1527, %gather3A_1528 : vector<16xf32>
      %add3A_1530 = arith.addf %add3A_1526, %mul3A_1529 : vector<16xf32>
      %gather3A_1531 = tpu.vector_load_idx %arg11[%add3A_1419, %select_n3A_1309] : memref<512x32xf32, #tpu.memory_space<vmem>>[vector<16xi32>, vector<16xi32>], vector<16xf32>,
      %gather3A_1532 = tpu.vector_load_idx %arg12[%add3A_1419, %select_n3A_1309] : memref<512x32xf32, #tpu.memory_space<vmem>>[vector<16xi32>, vector<16xi32>], vector<16xf32>,
      %mul3A_1533 = arith.mulf %gather3A_1531, %gather3A_1532 : vector<16xf32>
      %add3A_1534 = arith.addf %add3A_1530, %mul3A_1533 : vector<16xf32>
      %gather3A_1535 = tpu.vector_load_idx %arg11[%add3A_1419, %select_n3A_1334] : memref<512x32xf32, #tpu.memory_space<vmem>>[vector<16xi32>, vector<16xi32>], vector<16xf32>,
      %gather3A_1536 = tpu.vector_load_idx %arg12[%add3A_1419, %select_n3A_1334] : memref<512x32xf32, #tpu.memory_space<vmem>>[vector<16xi32>, vector<16xi32>], vector<16xf32>,
      %mul3A_1537 = arith.mulf %gather3A_1535, %gather3A_1536 : vector<16xf32>
      %add3A_1538 = arith.addf %add3A_1534, %mul3A_1537 : vector<16xf32>
      %gather3A_1539 = tpu.vector_load_idx %arg11[%add3A_1419, %select_n3A_1359] : memref<512x32xf32, #tpu.memory_space<vmem>>[vector<16xi32>, vector<16xi32>], vector<16xf32>,
      %gather3A_1540 = tpu.vector_load_idx %arg12[%add3A_1419, %select_n3A_1359] : memref<512x32xf32, #tpu.memory_space<vmem>>[vector<16xi32>, vector<16xi32>], vector<16xf32>,
      %mul3A_1541 = arith.mulf %gather3A_1539, %gather3A_1540 : vector<16xf32>
      %add3A_1542 = arith.addf %add3A_1538, %mul3A_1541 : vector<16xf32>
      %gather3A_1543 = tpu.vector_load_idx %arg11[%add3A_1419, %select_n3A_1384] : memref<512x32xf32, #tpu.memory_space<vmem>>[vector<16xi32>, vector<16xi32>], vector<16xf32>,
      %gather3A_1544 = tpu.vector_load_idx %arg12[%add3A_1419, %select_n3A_1384] : memref<512x32xf32, #tpu.memory_space<vmem>>[vector<16xi32>, vector<16xi32>], vector<16xf32>,
      %mul3A_1545 = arith.mulf %gather3A_1543, %gather3A_1544 : vector<16xf32>
      %add3A_1546 = arith.addf %add3A_1542, %mul3A_1545 : vector<16xf32>
      %gather3A_1547 = tpu.vector_load_idx %arg11[%add3A_1419, %select_n3A_1409] : memref<512x32xf32, #tpu.memory_space<vmem>>[vector<16xi32>, vector<16xi32>], vector<16xf32>,
      %gather3A_1548 = tpu.vector_load_idx %arg12[%add3A_1419, %select_n3A_1409] : memref<512x32xf32, #tpu.memory_space<vmem>>[vector<16xi32>, vector<16xi32>], vector<16xf32>,
      %mul3A_1549 = arith.mulf %gather3A_1547, %gather3A_1548 : vector<16xf32>
      %add3A_1550 = arith.addf %add3A_1546, %mul3A_1549 : vector<16xf32>
      %mul3A_1551 = arith.constant 16 : i32
      %mul3A_1552 = arith.muli %scan3A_1415, %mul3A_1551 : i32
      %get3A_1553 = arith.index_cast %mul3A_1552 : i32 to index
      %get3A_1554 = tpu.vector_load %arg9[%get3A_1553] {strides = array<i32>} : memref<512xi32, #tpu.memory_space<vmem>>, vector<16xi32>,
      %eq3A_1555 = arith.constant -1 : i32
      %eq3A_1556 = vector.broadcast %eq3A_1555 : i32 to vector<16xi32>
      %eq3A_1557 = arith.cmpi eq, %get3A_1554, %eq3A_1556 : vector<16xi32>
      %jit3A_1558 = arith.constant -1.000000e+02 : f32
      %broadcast_in_dim3A_1559 = vector.broadcast %jit3A_1558 : f32 to vector<16xf32>
      %select_n3A_1560 = arith.select %eq3A_1557, %broadcast_in_dim3A_1559, %add3A_1550 : vector<16xi1>, vector<16xf32>
      %mul3A_1561 = arith.constant 16 : i32
      %mul3A_1562 = arith.muli %scan3A_1415, %mul3A_1561 : i32
      %swap3A_1563 = arith.index_cast %mul3A_1562 : i32 to index
      %swap3A_1564 = tpu.vector_load %arg14[%swap3A_1563] {strides = array<i32>} : memref<512xf32, #tpu.memory_space<vmem>>, vector<16xf32>,
      tpu.vector_store %arg14[%swap3A_1563], %select_n3A_1560 {strides = array<i32>} : memref<512xf32, #tpu.memory_space<vmem>>, vector<16xf32>,
    }
    %scan3A_1414 = arith.constant 32 : i32
    "tpu.region"() ({
      %run_scoped3A_1415 = tpu.sem_alloc : memref<!tpu.dma_semaphore, #tpu.memory_space<semaphore_mem>>
      %dma_start3A_1416 = tpu.memref_slice %arg7[%mul3A_2] : memref<16384xf32, #tpu.memory_space<hbm>> -> memref<512xf32, #tpu.memory_space<hbm>>
      %dma_start3A_1417 = tpu.memref_slice %arg7[%mul3A_2] : memref<16384xf32, #tpu.memory_space<hbm>> -> memref<512xf32, #tpu.memory_space<hbm>>
      tpu.enqueue_dma source(%arg14 : memref<512xf32, #tpu.memory_space<vmem>>) target(%dma_start3A_1417 : memref<512xf32, #tpu.memory_space<hbm>>) target_semaphore(%run_scoped3A_1415 : memref<!tpu.dma_semaphore, #tpu.memory_space<semaphore_mem>>)
      %dma_wait3A_1418 = tpu.memref_slice %arg7[%mul3A_2] : memref<16384xf32, #tpu.memory_space<hbm>> -> memref<512xf32, #tpu.memory_space<hbm>>
      %dma_wait3A_1419 = tpu.memref_slice %arg7[%mul3A_2] : memref<16384xf32, #tpu.memory_space<hbm>> -> memref<512xf32, #tpu.memory_space<hbm>>
      tpu.wait_dma2 semaphore(%run_scoped3A_1415 : memref<!tpu.dma_semaphore, #tpu.memory_space<semaphore_mem>>) src(%arg14 : memref<512xf32, #tpu.memory_space<vmem>>) dst(%dma_wait3A_1419 : memref<512xf32, #tpu.memory_space<hbm>>)
      tpu.yield
    }) : () -> ()
    return
  }
}

</mosaic_0001>

<sc_bundles>
// kernel: _sc_call.3.cloned.1.call-start
scs
__scs_entry_jumppad:
0x0: {  	(pc) =	sbr.rel $0x88, $3  }
0x1: {  	(tag) =	ssettag $0x0;
	lr =	simm.s32 $0x1  }
0x2: {  	[smem:$0x3F9C] =	sst lr;
	_ =	strace $0xD0000000  }
0x3: {  	_ = 	snop  }
0x4: {  	_ = 	snop  }
0x5: {  	_ = 	snop  }
0x6: {  	_ = 	snop  }
0x7: {  	_ = 	snop  }
__scs_overlays_trampoline_lowered:
0x8: {  	[smem:$0x3FAB] =	sst s0  }
0x9: {  	[smem:$0x3FAC] =	sst s1  }
0xa: {  	[smem:$0x3FAD] =	sst s2  }
0xb: {  	[smem:$0x3FAE] =	sst s3  }
0xc: {  	[smem:$0x3FAF] =	sst s4  }
0xd: {  	[smem:$0x3FB0] =	sst s5  }
0xe: {  	[smem:$0x3FB1] =	sst s6  }
0xf: {  	[smem:$0x3FB2] =	sst s7  }
0x10: {  	[smem:$0x3FB3] =	sst s8  }
0x11: {  	[smem:$0x3FB4] =	sst s9;
	s0 =	simm.s32 @!p0 $0x0  }
0x12: {  	s1 =	sld [smem:$0x3F9A];
	s0 =	simm.s32 @p0 $0x1  }
0x13: {  	[smem:$0x3FB5] =	sst s0;
	s0 =	simm.s32 @!p1 $0x0  }
0x14: {  	s2 =	sld [smem:$0x3F99];
	s0 =	simm.s32 @p1 $0x1  }
0x15: {  	[smem:$0x3FB6] =	sst s0;
	s0 =	simm.s32 @!p2 $0x0  }
0x16: {  	s3 =	sld [smem:$0x3FDB];
	s0 =	simm.s32 @p2 $0x1  }
0x17: {  	s4 =	simm.s32 $0x1BF5;
	[smem:$0x3FB8] =	sst s0  }
0x18: {  	s0 =	sld [smem:$0x3F9B];
	_ =	swait.ge [sflag:s4], $0x0  }
0x19: {  	s7 =	sld [smem:$0x3F9C]  }
0x1a: {  	s8 =	sadd.s32 $0xFFFFE003, lr  }
0x1b: {  	s9 =	sadd.s32 $0xFFFFFEF7, lr;
	s5 =	simm.s32 $0xFFFFFFFF;
	p2 =	slt.u32 s8, $0xFFFFF086  }
0x1c: {  	p1 =	slt.u32 s9, $0xF7A;
	s5 =	simm.s32 @!p2 $0x0  }
0x1d: {  	s5 =	simm.s32 @p1 $0x1;
	p0 =	seq.s32 s7, s2  }
0x1e: {  	s7 =	smul.u32 @!p0 $0xF7A, s2;
	p2 =	seq.s32 @!p0 s5, $0x0  }
0x1f: {  	s9 =	smul.u32 $0xF7A, s1;
	s8 =	simm.s32 @!p0 $0x1BF5;
	p2 =	por !p2, p0  }
0x20: {  	[sflag:s8] =	ssyncset.s32 @!p0 $0xFFFFF086;
	s6 =	sadd.s32 @!p0 s3, s7;
	s7 =	simm.s32 @!p0 $0x108  }
0x21: {  	s3 =	sadd.s32 s3, s9;
	s6 =	sadd.s32 @!p0 $0x88, s6;
	s7 =	simm.s32 @p2 $0x1082  }
0x22: {  	[simem:s7], [sflag:s8] =	dma.local @!p0 [hbm:s6], $0xF7A  }
0x23: {  	s9 =	sor.u32 $0xD0000000, s2;
	s6 =	simm.s32 $0x108;
	_ =	swait.ge @!p0 [sflag:s8], $0x0  }
0x24: {  	s3 =	sadd.s32 $0x88, s3;
	s6 =	simm.s32 @!p1 $0x1082;
	[sflag:s4] =	ssyncset.s32 $0xFFFFF086  }
0x25: {  	[simem:s6], [sflag:s4] =	dma.local [hbm:s3], $0xF7A  }
0x26: {  	[smem:$0x3F9C] =	sst s1;
	(tag) =	ssettag s2;
	_ =	strace s9  }
0x27: {  	s1 =	sld [smem:$0x3FAC]  }
0x28: {  	s2 =	sld [smem:$0x3FAD]  }
0x29: {  	s4 =	sld [smem:$0x3FAF]  }
0x2a: {  	p0 =	seq.s32 s5, $0x0;
	s5 =	sld [smem:$0x3FB0]  }
0x2b: {  	s6 =	sld [smem:$0x3FB1]  }
0x2c: {  	s7 =	sld [smem:$0x3FB2]  }
0x2d: {  	s3 =	simm.s32 $0x108;
	s8 =	sld [smem:$0x3FB3]  }
0x2e: {  	s3 =	simm.s32 @!p0 $0x1082;
	s9 =	sld [smem:$0x3FB4]  }
0x2f: {  	lr =	sadd.s32 s0, s3;
	s0 =	sld [smem:$0x3FAB]  }
0x30: {  	s3 =	sld [smem:$0x3FAE]  }
0x31: {  	[smem:$0x3FB7] =	sst s10  }
0x32: {  	s10 =	sld [smem:$0x3FB5];
	_ =	sdelay $0x3  }
0x33: {  	p0 =	seq.s32 s10, $0x1;
	s10 =	sld [smem:$0x3FB7];
	_ =	sdelay $0x3  }
0x34: {  	[smem:$0x3FB7] =	sst s10  }
0x35: {  	s10 =	sld [smem:$0x3FB6];
	_ =	sdelay $0x3  }
0x36: {  	p1 =	seq.s32 s10, $0x1;
	s10 =	sld [smem:$0x3FB7];
	_ =	sdelay $0x3  }
0x37: {  	[smem:$0x3FB7] =	sst s10  }
0x38: {  	s10 =	sld [smem:$0x3FB8]  }
0x39: {  	_ = 	snop;
	(pc) =	sbr.ind lr, $3  }
0x3a: {  	_ = 	snop  }
0x3b: {  	_ = 	snop  }
0x3c: {  	p2 =	seq.s32 s10, $0x1;
	s10 =	sld [smem:$0x3FB7]  }
0x3d: {  	_ =	shalt  }
0x3e: {  	_ =	shalt  }
0x3f: {  	_ =	shalt  }
0x40: {  	_ =	shalt  }
0x41: {  	_ =	shalt  }
0x42: {  	_ =	shalt  }
0x43: {  	_ =	shalt  }
0x44: {  	_ =	shalt  }
0x45: {  	_ =	shalt  }
0x46: {  	_ =	shalt  }
0x47: {  	_ =	shalt  }
0x48: {  	_ =	shalt  }
0x49: {  	_ =	shalt  }
0x4a: {  	_ =	shalt  }
0x4b: {  	_ =	shalt  }
0x4c: {  	_ =	shalt  }
0x4d: {  	_ =	shalt  }
0x4e: {  	_ =	shalt  }
0x4f: {  	_ =	shalt  }
0x50: {  	_ =	shalt  }
0x51: {  	_ =	shalt  }
0x52: {  	_ =	shalt  }
0x53: {  	_ =	shalt  }
0x54: {  	_ =	shalt  }
0x55: {  	_ =	shalt  }
0x56: {  	_ =	shalt  }
0x57: {  	_ =	shalt  }
0x58: {  	_ =	shalt  }
0x59: {  	_ =	shalt  }
0x5a: {  	_ =	shalt  }
0x5b: {  	_ =	shalt  }
0x5c: {  	_ =	shalt  }
0x5d: {  	_ =	shalt  }
0x5e: {  	_ =	shalt  }
0x5f: {  	_ =	shalt  }
0x60: {  	_ =	shalt  }
0x61: {  	_ =	shalt  }
0x62: {  	_ =	shalt  }
0x63: {  	_ =	shalt  }
0x64: {  	_ =	shalt  }
0x65: {  	_ =	shalt  }
0x66: {  	_ =	shalt  }
0x67: {  	_ =	shalt  }
0x68: {  	_ =	shalt  }
0x69: {  	_ =	shalt  }
0x6a: {  	_ =	shalt  }
0x6b: {  	_ =	shalt  }
0x6c: {  	_ =	shalt  }
0x6d: {  	_ =	shalt  }
0x6e: {  	_ =	shalt  }
0x6f: {  	_ =	shalt  }
0x70: {  	_ =	shalt  }
0x71: {  	_ =	shalt  }
0x72: {  	_ =	shalt  }
0x73: {  	_ =	shalt  }
0x74: {  	_ =	shalt  }
0x75: {  	_ =	shalt  }
0x76: {  	_ =	shalt  }
0x77: {  	_ =	shalt  }
0x78: {  	_ =	shalt  }
0x79: {  	_ =	shalt  }
0x7a: {  	_ =	shalt  }
0x7b: {  	_ =	shalt  }
0x7c: {  	_ =	shalt  }
0x7d: {  	_ =	shalt  }
0x7e: {  	_ =	shalt  }
0x7f: {  	_ =	shalt  }
0x80: {  	_ =	shalt  }
0x81: {  	_ =	shalt  }
0x82: {  	_ =	shalt  }
0x83: {  	_ =	shalt  }
0x84: {  	_ =	shalt  }
0x85: {  	_ =	shalt  }
0x86: {  	_ =	shalt  }
0x87: {  	_ =	shalt  }
.Lfunc_end0:
.L_simem_size_0:
called_computation_lowered:
.L_overlay_start_0:
0x88: {  	s2 =	sld [smem:$0x3FD9]  }
0x89: {  	s3 =	sld [smem:$0x3FFE];
	_ =	sdelay $0x1  }
0x8a: {  	s1 =	srdreg.scid  }
0x8b: {  	s0 =	sand.u32 $0x1, s1  }
0x8c: {  	s17 =	sshll.u32 s0, $0xA;
	s2 =	sadd.s32 s3, s2  }
0x8d: {  	s2 =	sadd.s32 s2, s17  }
0x8e: {  	[smem:$0x3FC3] =	sst s2  }
0x8f: {  	_ = 	snop  }
0x90: {  	s2 =	sld [smem:$0x3FC9]  }
0x91: {  	s18 =	sld [smem:$0x3FC8]  }
0x92: {  	s4 =	sld [smem:$0x3FC5]  }
0x93: {  	s5 =	sld [smem:$0x3FD0];
	(tm) =	ssettm $0x1  }
0x94: {  	s6 =	sld [smem:$0x3FFB];
	_ =	sdelay $0x3  }
0x95: {  	_ =	strace s6  }
0x96: {  	s6 =	sld [smem:$0x3FFC];
	_ =	sdelay $0x3  }
0x97: {  	_ =	strace s6  }
0x98: {  	s6 =	sld [smem:$0x3FFD];
	_ =	sdelay $0x3  }
0x99: {  	_ =	strace s6  }
0x9a: {  	_ =	strace $0x8FFFFFFF  }
0x9b: {  	s19 =	sld [smem:$0x3FDB];
	_ =	sdelay $0x1  }
0x9c: {  	s7 =	simm.s32 $_scs_section_size  }
0x9d: {  	s8 =	simm.s32 $_size__tile_overlayer_lowered;
	s9 =	simm.s32 $_tile_overlayer_lowered  }
0x9e: {  	s22 =	simm.s32 $0x1BFF;
	s21 =	sshll.u32 s9, $0x1;
	s6 =	sadd.s32 s7, s19  }
0x9f: {  	s10 =	simm.s32 $0x0;
	s20 =	sshll.u32 s8, $0x1;
	s8 =	sadd.s32 s21, s6  }
0xa0: {  	[timem:s10], [sflag:s22] =	dma.local [hbm:s8], s20  }
0xa1: {  	_ =	swait.ge [sflag:s22], s20  }
0xa2: {  	s7 =	ssub.s32 $0x0, s20;
	[sflag:s22] =	ssyncset.done $0x0  }
0xa3: {  	[sflag:s22] =	ssyncadd.s32 s7;
	_ =	sdelay $0x1  }
0xa4: {  	s23 =	simm.s32 $0x1B8B  }
0xa5: {  	_ =	swait.ge [sflag:s23], $0x1  }
0xa6: {  	[sflag:s23] =	ssyncset.done $0x0  }
0xa7: {  	s25 =	simm.s32 $0x1B8E;
	s24 =	sld [smem:$0x3FFE];
	[sflag:s23] =	ssyncadd.s32 $0xFFFFFFFF  }
0xa8: {  	s26 =	simm.s32 $execute0_lowered;
	[smem:$0x3FD2] =	sst s25  }
0xa9: {  	s8 =	sshll.u32 s26, $0x1;
	_ =	strace $0x80000046;
	[dreg:$0x1] =	wrdreg $0xFFFFFFFF  }
0xaa: {  	s28 =	simm.s32 $_size_execute0_lowered;
	s6 =	sadd.s32 s6, s8;
	[dreg:$0x0] =	wrdreg $0x0  }
0xab: {  	s8 =	sshll.u32 s28, $0x1;
	[dreg:$0x2] =	wrdreg s6  }
0xac: {  	[dreg:$0x3] =	wrdreg s8  }
0xad: {  	[dreg:$0x4] =	wrdreg $0xC0  }
0xae: {  	_ =	task [dreg:s10], $0x5FFFF  }
0xaf: {  	[dreg:$0x1] =	wrdreg $0xFFFFFFFF  }
0xb0: {  	[dreg:$0x0] =	wrdreg $0x60  }
0xb1: {  	[dreg:$0x2] =	wrdreg s2  }
0xb2: {  	[dreg:$0x3] =	wrdreg s18  }
0xb3: {  	[dreg:$0x4] =	wrdreg s24  }
0xb4: {  	[dreg:$0x5] =	wrdreg s4  }
0xb5: {  	[dreg:$0x6] =	wrdreg s5  }
0xb6: {  	[dreg:$0x7] =	wrdreg $0x9  }
0xb7: {  	_ =	task.clear_ibuf [dreg:s10], $0x8FFFF;
	_ =	strace $0x90000046  }
0xb8: {  	s29 =	simm.s32 $0x9;
	_ =	strace $0x80000048  }
0xb9: {  	_ =	swait.ge [sflag:s29], $0x1  }
0xba: {  	[sflag:s29] =	ssyncadd.s32 $0xFFFFFFFF  }
0xbb: {  	_ =	strace $0x90000048  }
0xbc: {  	_ =	sfence  }
0xbd: {  	s30 =	sld [smem:$0x0];
	_ =	sdelay $0x2  }
0xbe: {  	s31 =	sshll.u32 s1, $0xD;
	s1 =	sshrl.u32 s1, $0x2  }
0xbf: {  	s3 =	sand.u32 $0x4000, s31;
	s1 =	sadd.s32 s1, s30  }
0xc0: {  	s0 =	sor.u32 s3, s0;
	s1 =	sshll.u32 s1, $0x11  }
0xc1: {  	s0 =	sor.u32 s1, s0  }
0xc2: {  	s0 =	sadd.s32 $0x8F2B, s0  }
0xc3: {  	[sflag:s0] =	ssyncadd.remote.s32 $0x1  }
0xc4: {  	_ =	sfence.sel $0xFFFF  }
0xc5: {  	[dreg:$0x0] =	wrdreg $0xFFFFFFFF;
	(pc) =	sbr.abs _section_cstart, $3  }
0xc6: {  	[dreg:$0x1] =	wrdreg $0xFFFFFFFF  }
0xc7: {  	_ =	task.clear_ibuf [dreg:s10], $0x2FFFF;
	_ =	strace $0x9FFFFFFF  }
0xc8: {  	(tm) =	ssettm $0x7FFFFFFF  }
0xc9: {  	_ =	shalt  }
tec
execute0_lowered:
.L_overlay_start_1:
0x0: {  	(tag) =	ssettag $0x1  }
0x1: {  	v0 =	vlaneseq.u32  }
0x2: {  	v17 =	vimm.s32 $0x14131211;
	v18 =	vimm.s32 $0x18171615;
	vm0 =	vcmask $0x1F10  }
0x3: {  	v19 =	vimm.s32 $0x1F1E1D;
	v20 =	vimm.s32 $0x15141312;
	v21 =	vimm.s32 $0x1001F1E  }
0x4: {  	v24 =	vimm.s32 $0x16151413;
	v25 =	vimm.s32 $0x1A191817;
	v37 =	vimm.s32 $0x1E1D1C1B  }
0x5: {  	v26 =	vimm.s32 $0x17161514;
	v27 =	vimm.s32 $0x1B1A1918;
	v29 =	vimm.s32 $0x201001F  }
0x6: {  	v33 =	vimm.s32 $0x4030201;
	v38 =	vimm.s32 $0x5040302;
	v39 =	vimm.s32 $0x98765432  }
0x7: {  	v40 =	vimm.s32 $0x32107654;
	v50 =	vimm.s32 $0x43218765;
	vm2 =	vcmask $0x2F10  }
0x8: {  	v51 =	vimm.s32 $0xB0A0908;
	vm1 =	vcmask $0x3F30;
	v54 =	vimm.s32 $0x54329876  }
0x9: {  	v55 =	vimm.s32 $0xC0B0A09;
	v41 =	vimm.s32 $0x6543A987;
	v58 =	vimm.s32 $0x6050403  }
0xa: {  	v59 =	vimm.s32 $0xD0C0B0A;
	v60 =	vimm.s32 $0xA9876543;
	v62 =	vimm.s32 $0x76543210  }
0xb: {  	v63 =	vimm.s32 $0xE0D0C0B;
	v1 =	vmul.u32 $0x20, v0;
	v2 =	vadd.s32 $0x1, v0  }
0xc: {  	v3 =	vadd.s32 $0x2, v0;
	v4 =	vadd.s32 $0x3, v0;
	v5 =	vadd.s32 $0x4, v0  }
0xd: {  	v6 =	vadd.s32 $0x5, v0;
	v7 =	vadd.s32 $0x6, v0;
	v8 =	vadd.s32 $0x7, v0  }
0xe: {  	v9 =	vadd.s32 $0x8, v0;
	v10 =	vadd.s32 $0x9, v0;
	v11 =	vadd.s32 $0xA, v0  }
0xf: {  	v12 =	vadd.s32 $0xB, v0;
	v13 =	vadd.s32 $0xC, v0;
	v14 =	vadd.s32 $0xD, v0  }
0x10: {  	v15 =	vadd.s32 $0xE, v0;
	v16 =	vadd.s32 $0xF, v0;
	v22 =	vunpack.c.0.s8.s32 v17  }
0x11: {  	v17 =	vunpack.c.0.s8.s32 v18;
	v18 =	vimm.s32 $0x1C1B1A19;
	v34 =	vunpack.c.0.s8.s32 v19  }
0x12: {  	v23 =	vunpack.c.0.s8.s32 v20;
	v19 =	vimm.s32 $0x19181716;
	v20 =	vimm.s32 $0x1D1C1B1A  }
0x13: {  	v35 =	vunpack.c.0.s8.s32 v21;
	v21 =	vor.u32 $0x10, v0;
	v36 =	vunpack.c.0.s8.s32 v24  }
0x14: {  	v24 =	vunpack.c.0.s8.s32 v25;
	v25 =	vimm.s32 $0x3020100;
	v30 =	vunpack.c.0.s8.s32 v26  }
0x15: {  	v26 =	vunpack.c.0.s8.s32 v27;
	v27 =	vunpack.c.0.s8.s32 v29;
	v29 =	vimm.s32 $0x87654321  }
0x16: {  	v39 =	vunpack.c.l.s4.s8 v39;
	v40 =	vunpack.c.l.s4.s8 v40;
	v46 =	vunpack.c.0.s8.s32 v38  }
0x17: {  	v53 =	vunpack.c.0.s8.s32 v51;
	v38 =	vunpack.c.0.s8.s32 v55;
	v57 =	vunpack.c.l.s4.s8 v41  }
0x18: {  	v41 =	vunpack.c.0.s8.s32 v58;
	v44 =	vunpack.c.0.s8.s32 v63;
	v37 =	vunpack.c.0.s8.s32 v37  }
0x19: {  	s1 =	rddreg [dreg:$0x0];
	v18 =	vunpack.c.0.s8.s32 v18;
	v19 =	vunpack.c.0.s8.s32 v19;
	v20 =	vunpack.c.0.s8.s32 v20  }
0x1a: {  	s2 =	rddreg [dreg:$0x1];
	v28 =	vunpack.c.0.s8.s32 v25;
	v25 =	vimm.s32 $0x1F1E1D1C;
	v29 =	vunpack.c.l.s4.s8 v29  }
0x1b: {  	s6 =	rddreg [dreg:$0x2];
	v22 =	vsel vm0, v17, v22;
	v25 =	vunpack.c.0.s8.s32 v25;
	v30 =	vsel vm0, v26, v30  }
0x1c: {  	s0 =	rddreg [dreg:$0x3];
	v39 =	vunpack.c.0.s8.s32 v39;
	v40 =	vunpack.c.0.s8.s32 v40;
	v36 =	vsel vm0, v24, v36  }
0x1d: {  	s11 =	rddreg [dreg:$0x4];
	s4 =	srdreg.scid;
	v31 =	vsel vm0, v34, v18;
	v23 =	vsel vm0, v19, v23;
	v32 =	vsel vm0, v35, v20  }
0x1e: {  	s3 =	simm.s32 $0x0;
	s5 =	stileid.u32;
	s13 =	simm.s32 $0x2;
	v29 =	vunpack.c.0.s8.s32 v29;
	v22 =	vcombine.low v22, v31;
	v23 =	vcombine.low v23, v32  }
0x1f: {  	s14 =	simm.s32 $0x80;
	s15 =	simm.s32 $0x180;
	s16 =	simm.s32 $0x600;
	v28 =	vsel vm0, v28, v25;
	v48 =	vand.u32 $0xF, v39;
	v39 =	vunpack.c.l.s4.s8 v50  }
0x20: {  	s17 =	simm.s32 $0x400;
	s18 =	simm.s32 $0x4600;
	s20 =	simm.s32 $0x480;
	v49 =	vand.u32 $0xF, v40;
	v40 =	vunpack.c.l.s4.s8 v54;
	v28 =	vcombine.low v30, v28  }
0x21: {  	s23 =	simm.s32 $0x100;
	s25 =	simm.s32 $0x500;
	s29 =	simm.s32 $0x3600;
	v30 =	vunpack.c.0.s8.s32 v33;
	v47 =	vand.u32 $0xF, v29;
	v39 =	vunpack.c.0.s8.s32 v39  }
0x22: {  	s30 =	simm.s32 $0x580;
	s31 =	simm.s32 $0x7600;
	s19 =	simm.s32 $0x8800;
	v32 =	vcombine.low v32, v48;
	v52 =	vsel vm2, v49, v25;
	v56 =	vunpack.c.0.s8.s32 v40  }
0x23: {  	s21 =	simm.s32 $0x0;
	s4 =	sand.u32 $0x1, s4;
	[smem:$0x7FF] =	sst s3;
	v31 =	vcombine.low v31, v47;
	v40 =	vunpack.c.0.s8.s32 v57;
	v39 =	vand.u32 $0xF, v39  }
0x24: {  	s5 =	sshll.u32 s5, $0x7;
	s7 =	sshll.u32 s4, $0x6;
	_ =	strace $0x80000047;
	v29 =	vsel vm0, v30, v34;
	v34 =	vsel vm2, v39, v34;
	v39 =	vand.u32 $0xF, v56  }
0x25: {  	s8 =	ssub.s32 $0x2, s4;
	s4 =	sadd.s32 $0xF42800, s6;
	s12 =	sor.u32 s7, s5;
	v30 =	vsel vm0, v46, v35;
	v35 =	vsel vm2, v39, v35;
	v39 =	vunpack.c.l.s4.s8 v60  }
0x26: {  	s6 =	sadd.s32 $0x1313200, s6;
	s26 =	sshrl.u32 s8, $0x1;
	s5 =	sadd.s32 s1, s12;
	v33 =	vsel vm1, v53, v52;
	v34 =	vsel vm1, v38, v34;
	v38 =	vunpack.c.0.s8.s32 v59  }
0x27: {  	s28 =	ssub.s32 s8, s26;
	s10 =	sadd.s32 s2, s12;
	s11 =	sadd.s32 s11, s12;
	v61 =	vand.u32 $0xF, v40;
	v40 =	vunpack.c.l.s4.s8 v62;
	v43 =	vunpack.c.0.s8.s32 v39  }
0x28: {  	s1 =	simm.s32 $0x8780;
	s2 =	simm.s32 $0x1;
	s7 =	sadd.s32 $0x10, s5;
	v42 =	vsel vm2, v61, v27;
	v35 =	vsel vm1, v38, v35;
	v38 =	vsel vm0, v41, v27  }
0x29: {  	s8 =	sadd.s32 $0x20, s5;
	s9 =	sadd.s32 $0x30, s5;
	s12 =	smax.u32 s28, $0x1;
	v39 =	vunpack.c.0.s8.s32 v40;
	v41 =	vsel vm1, v44, v42;
	v40 =	vand.u32 $0xF, v43  }
.LBB2_1:
0x2a: {  	[tilespmem:s3], [sflag:$0x2] =	stream.linear.gather [hbm4b:s5+s3], $0x80, $0x38;
	[tilespmem:$0x8A00] =	vst v63  }
0x2b: {  	_ =	swait.ge [sflag:s13], $0x80  }
0x2c: {  	[sflag:s13] =	ssyncset.done $0x0  }
0x2d: {  	[sflag:s13] =	ssyncadd.s32 $0xFFFFFF80  }
0x2e: {  	[tilespmem:s14], [sflag:$0x2] =	stream.linear.gather [hbm4b:s7+s3], $0x80, $0x38;
	[tilespmem:$0x8A00] =	vst v63  }
0x2f: {  	_ =	swait.ge [sflag:s13], $0x80  }
0x30: {  	[sflag:s13] =	ssyncset.done $0x0  }
0x31: {  	[sflag:s13] =	ssyncadd.s32 $0xFFFFFF80  }
0x32: {  	[tilespmem:s23], [sflag:$0x2] =	stream.linear.gather [hbm4b:s8+s3], $0x80, $0x38;
	[tilespmem:$0x8A00] =	vst v63  }
0x33: {  	_ =	swait.ge [sflag:s13], $0x80  }
0x34: {  	[sflag:s13] =	ssyncset.done $0x0  }
0x35: {  	[sflag:s13] =	ssyncadd.s32 $0xFFFFFF80  }
0x36: {  	[tilespmem:s15], [sflag:$0x2] =	stream.linear.gather [hbm4b:s9+s3], $0x80, $0x38;
	[tilespmem:$0x8A00] =	vst v63  }
0x37: {  	_ =	swait.ge [sflag:s13], $0x80  }
0x38: {  	[sflag:s13] =	ssyncset.done $0x0  }
0x39: {  	s22 =	simm.s32 $0x200;
	[sflag:s13] =	ssyncadd.s32 $0xFFFFFF80  }
0x3a: {  	[tilespmem:s22], [sflag:$0x2] =	stream.linear.gather [hbm4b:s10+s3], $0x200, $0x38;
	[tilespmem:$0x8A00] =	vst v63  }
0x3b: {  	_ =	swait.ge [sflag:s13], $0x200  }
0x3c: {  	[sflag:s13] =	ssyncset.done $0x0  }
0x3d: {  	[sflag:s13] =	ssyncadd.s32 $0xFFFFFE00  }
0x3e: {  	v42 =	vld [tilespmem:$0x200]  }
0x3f: {  	v43 =	vld [tilespmem:$0x210]  }
0x40: {  	v44 =	vld [tilespmem:$0x220]  }
0x41: {  	v45 =	vld [tilespmem:$0x230]  }
0x42: {  	v46 =	vld [tilespmem:$0x240]  }
0x43: {  	v47 =	vld [tilespmem:$0x250];
	vm1 =	veq.s32 v42, $0xFFFFFFFF  }
0x44: {  	v48 =	vld [tilespmem:$0x260];
	v42 =	vsel vm1, $0x0, v42;
	vm1 =	veq.s32 v43, $0xFFFFFFFF  }
0x45: {  	v53 =	vld [tilespmem:$0x270];
	[tilespmem:$0x400] =	vst v42;
	v52 =	vsel vm1, $0x0, v43;
	vm1 =	veq.s32 v44, $0xFFFFFFFF  }
0x46: {  	v55 =	vld [tilespmem:$0x280];
	[tilespmem:$0x410] =	vst v52;
	v54 =	vsel vm1, $0x0, v44;
	vm1 =	veq.s32 v45, $0xFFFFFFFF  }
0x47: {  	v57 =	vld [tilespmem:$0x290];
	[tilespmem:$0x420] =	vst v54;
	v56 =	vsel vm1, $0x0, v45;
	vm1 =	veq.s32 v46, $0xFFFFFFFF  }
0x48: {  	v59 =	vld [tilespmem:$0x2A0];
	[tilespmem:$0x430] =	vst v56;
	v58 =	vsel vm1, $0x0, v46;
	vm1 =	veq.s32 v47, $0xFFFFFFFF  }
0x49: {  	v61 =	vld [tilespmem:$0x2B0];
	[tilespmem:$0x440] =	vst v58;
	v60 =	vsel vm1, $0x0, v47;
	vm1 =	veq.s32 v48, $0xFFFFFFFF  }
0x4a: {  	v63 =	vld [tilespmem:$0x2C0];
	[tilespmem:$0x450] =	vst v60;
	v62 =	vsel vm1, $0x0, v48;
	vm1 =	veq.s32 v53, $0xFFFFFFFF  }
0x4b: {  	[tilespmem:$0x460] =	vst v62;
	v52 =	vsel vm1, $0x0, v53;
	vm1 =	veq.s32 v55, $0xFFFFFFFF;
	v53 =	vld [tilespmem:$0x2D0]  }
0x4c: {  	[tilespmem:$0x470] =	vst v52;
	v54 =	vsel vm1, $0x0, v55;
	vm1 =	veq.s32 v57, $0xFFFFFFFF;
	v55 =	vld [tilespmem:$0x2E0]  }
0x4d: {  	[tilespmem:$0x480] =	vst v54;
	v56 =	vsel vm1, $0x0, v57;
	vm1 =	veq.s32 v59, $0xFFFFFFFF;
	v57 =	vld [tilespmem:$0x2F0]  }
0x4e: {  	[tilespmem:$0x490] =	vst v56;
	v58 =	vsel vm1, $0x0, v59;
	vm1 =	veq.s32 v61, $0xFFFFFFFF;
	v59 =	vld [tilespmem:$0x300]  }
0x4f: {  	[tilespmem:$0x4A0] =	vst v58;
	v60 =	vsel vm1, $0x0, v61;
	vm1 =	veq.s32 v63, $0xFFFFFFFF;
	v61 =	vld [tilespmem:$0x310]  }
0x50: {  	[tilespmem:$0x4B0] =	vst v60;
	v62 =	vsel vm1, $0x0, v63;
	vm1 =	veq.s32 v53, $0xFFFFFFFF;
	v63 =	vld [tilespmem:$0x320]  }
0x51: {  	[tilespmem:$0x4C0] =	vst v62;
	v52 =	vsel vm1, $0x0, v53;
	vm1 =	veq.s32 v55, $0xFFFFFFFF;
	v53 =	vld [tilespmem:$0x330]  }
0x52: {  	[tilespmem:$0x4D0] =	vst v52;
	v54 =	vsel vm1, $0x0, v55;
	vm1 =	veq.s32 v57, $0xFFFFFFFF;
	v55 =	vld [tilespmem:$0x340]  }
0x53: {  	[tilespmem:$0x4E0] =	vst v54;
	v56 =	vsel vm1, $0x0, v57;
	vm1 =	veq.s32 v59, $0xFFFFFFFF;
	v57 =	vld [tilespmem:$0x350]  }
0x54: {  	[tilespmem:$0x4F0] =	vst v56;
	v58 =	vsel vm1, $0x0, v59;
	vm1 =	veq.s32 v61, $0xFFFFFFFF;
	v59 =	vld [tilespmem:$0x360]  }
0x55: {  	[tilespmem:$0x500] =	vst v58;
	v60 =	vsel vm1, $0x0, v61;
	vm1 =	veq.s32 v63, $0xFFFFFFFF;
	v61 =	vld [tilespmem:$0x370]  }
0x56: {  	[tilespmem:$0x510] =	vst v60;
	v62 =	vsel vm1, $0x0, v63;
	vm1 =	veq.s32 v53, $0xFFFFFFFF;
	v63 =	vld [tilespmem:$0x380]  }
0x57: {  	[tilespmem:$0x520] =	vst v62;
	v52 =	vsel vm1, $0x0, v53;
	vm1 =	veq.s32 v55, $0xFFFFFFFF;
	v53 =	vld [tilespmem:$0x390]  }
0x58: {  	[tilespmem:$0x530] =	vst v52;
	v54 =	vsel vm1, $0x0, v55;
	vm1 =	veq.s32 v57, $0xFFFFFFFF;
	v55 =	vld [tilespmem:$0x3A0]  }
0x59: {  	[tilespmem:$0x540] =	vst v54;
	v56 =	vsel vm1, $0x0, v57;
	vm1 =	veq.s32 v59, $0xFFFFFFFF;
	v57 =	vld [tilespmem:$0x3B0]  }
0x5a: {  	[tilespmem:$0x550] =	vst v56;
	v58 =	vsel vm1, $0x0, v59;
	vm1 =	veq.s32 v61, $0xFFFFFFFF;
	v59 =	vld [tilespmem:$0x3C0]  }
0x5b: {  	[tilespmem:$0x560] =	vst v58;
	v60 =	vsel vm1, $0x0, v61;
	vm1 =	veq.s32 v63, $0xFFFFFFFF;
	v61 =	vld [tilespmem:$0x3D0]  }
0x5c: {  	[tilespmem:$0x570] =	vst v60;
	v62 =	vsel vm1, $0x0, v63;
	vm1 =	veq.s32 v53, $0xFFFFFFFF;
	v63 =	vld [tilespmem:$0x3E0]  }
0x5d: {  	v51 =	vld [tilespmem:$0x3F0];
	[tilespmem:$0x580] =	vst v62;
	v50 =	vsel vm1, $0x0, v53;
	vm1 =	veq.s32 v55, $0xFFFFFFFF  }
0x5e: {  	[tilespmem:$0x590] =	vst v50;
	v52 =	vsel vm1, $0x0, v55;
	vm1 =	veq.s32 v57, $0xFFFFFFFF  }
0x5f: {  	[tilespmem:$0x5A0] =	vst v52;
	v53 =	vsel vm1, $0x0, v57;
	vm1 =	veq.s32 v59, $0xFFFFFFFF  }
0x60: {  	[tilespmem:$0x5B0] =	vst v53;
	v54 =	vsel vm1, $0x0, v59;
	vm1 =	veq.s32 v61, $0xFFFFFFFF  }
0x61: {  	[tilespmem:$0x5C0] =	vst v54;
	v55 =	vsel vm1, $0x0, v61;
	vm1 =	veq.s32 v63, $0xFFFFFFFF  }
0x62: {  	[tilespmem:$0x5D0] =	vst v55;
	v56 =	vsel vm1, $0x0, v63;
	vm1 =	veq.s32 v51, $0xFFFFFFFF  }
0x63: {  	[tilespmem:$0x5E0] =	vst v56;
	v57 =	vsel vm1, $0x0, v51  }
0x64: {  	[tilespmem:$0x5F0] =	vst v57  }
0x65: {  	[tilespmem:s16], [sflag:$0x1] =	stream.indirect.gather [hbm4b:s4+s14], $0x20, s3, s14, $0xb8;
	[tilespmem:$0x8A00] =	vst v63  }
0x66: {  	_ = 	snop  }
0x67: {  	[tilespmem:s18], [sflag:$0x1] =	stream.indirect.gather [hbm4b:s6+s14], $0x20, s17, s14, $0xb8;
	[tilespmem:$0x8A00] =	vst v63  }
0x68: {  	s24 =	simm.s32 $0x8600  }
0x69: {  	[tilespmem:s24], [sflag:$0x1] =	stream.indirect.gather [hbm4b:s0+s14], $0x1, s17, s14, $0xb8;
	[tilespmem:$0x8A00] =	vst v63  }
0x6a: {  	s26 =	simm.s32 $0x1600  }
0x6b: {  	[tilespmem:s26], [sflag:$0x1] =	stream.indirect.gather [hbm4b:s4+s14], $0x20, s14, s14, $0xb8;
	[tilespmem:$0x8A00] =	vst v63  }
0x6c: {  	s26 =	simm.s32 $0x5600  }
0x6d: {  	[tilespmem:s26], [sflag:$0x1] =	stream.indirect.gather [hbm4b:s6+s14], $0x20, s20, s14, $0xb8;
	[tilespmem:$0x8A00] =	vst v63  }
0x6e: {  	s26 =	simm.s32 $0x8680  }
0x6f: {  	[tilespmem:s26], [sflag:$0x1] =	stream.indirect.gather [hbm4b:s0+s14], $0x1, s20, s14, $0xb8;
	[tilespmem:$0x8A00] =	vst v63  }
0x70: {  	s26 =	simm.s32 $0x2600  }
0x71: {  	[tilespmem:s26], [sflag:$0x1] =	stream.indirect.gather [hbm4b:s4+s14], $0x20, s23, s14, $0xb8;
	[tilespmem:$0x8A00] =	vst v63  }
0x72: {  	s26 =	simm.s32 $0x6600  }
0x73: {  	[tilespmem:s26], [sflag:$0x1] =	stream.indirect.gather [hbm4b:s6+s14], $0x20, s25, s14, $0xb8;
	[tilespmem:$0x8A00] =	vst v63  }
0x74: {  	s26 =	simm.s32 $0x8700  }
0x75: {  	[tilespmem:s26], [sflag:$0x1] =	stream.indirect.gather [hbm4b:s0+s14], $0x1, s25, s14, $0xb8;
	[tilespmem:$0x8A00] =	vst v63  }
0x76: {  	_ = 	snop  }
0x77: {  	[tilespmem:s29], [sflag:$0x1] =	stream.indirect.gather [hbm4b:s4+s14], $0x20, s15, s14, $0xb8;
	[tilespmem:$0x8A00] =	vst v63  }
0x78: {  	_ = 	snop  }
0x79: {  	[tilespmem:s31], [sflag:$0x1] =	stream.indirect.gather [hbm4b:s6+s14], $0x20, s30, s14, $0xb8;
	[tilespmem:$0x8A00] =	vst v63  }
0x7a: {  	_ = 	snop  }
0x7b: {  	[tilespmem:s1], [sflag:$0x1] =	stream.indirect.gather [hbm4b:s0+s14], $0x1, s30, s14, $0xb8;
	[tilespmem:$0x8A00] =	vst v63  }
0x7c: {  	_ =	swait.ge [sflag:s2], $0x1000  }
0x7d: {  	[sflag:s2] =	ssyncset.done $0x0  }
0x7e: {  	[sflag:s2] =	ssyncadd.s32 $0xFFFFF000  }
0x7f: {  	_ =	swait.ge [sflag:s2], $0x1000  }
0x80: {  	[sflag:s2] =	ssyncset.done $0x0  }
0x81: {  	[sflag:s2] =	ssyncadd.s32 $0xFFFFF000  }
0x82: {  	_ =	swait.ge [sflag:s2], $0x80  }
0x83: {  	[sflag:s2] =	ssyncset.done $0x0  }
0x84: {  	[sflag:s2] =	ssyncadd.s32 $0xFFFFFF80  }
0x85: {  	_ =	swait.ge [sflag:s2], $0x1000  }
0x86: {  	[sflag:s2] =	ssyncset.done $0x0  }
0x87: {  	[sflag:s2] =	ssyncadd.s32 $0xFFFFF000  }
0x88: {  	_ =	swait.ge [sflag:s2], $0x1000  }
0x89: {  	[sflag:s2] =	ssyncset.done $0x0  }
0x8a: {  	[sflag:s2] =	ssyncadd.s32 $0xFFFFF000  }
0x8b: {  	_ =	swait.ge [sflag:s2], $0x80  }
0x8c: {  	[sflag:s2] =	ssyncset.done $0x0  }
0x8d: {  	[sflag:s2] =	ssyncadd.s32 $0xFFFFFF80  }
0x8e: {  	_ =	swait.ge [sflag:s2], $0x1000  }
0x8f: {  	[sflag:s2] =	ssyncset.done $0x0  }
0x90: {  	[sflag:s2] =	ssyncadd.s32 $0xFFFFF000  }
0x91: {  	_ =	swait.ge [sflag:s2], $0x1000  }
0x92: {  	[sflag:s2] =	ssyncset.done $0x0  }
0x93: {  	[sflag:s2] =	ssyncadd.s32 $0xFFFFF000  }
0x94: {  	_ =	swait.ge [sflag:s2], $0x80  }
0x95: {  	[sflag:s2] =	ssyncset.done $0x0  }
0x96: {  	[sflag:s2] =	ssyncadd.s32 $0xFFFFFF80  }
0x97: {  	_ =	swait.ge [sflag:s2], $0x1000  }
0x98: {  	v58 =	vmov s3;
	[sflag:s2] =	ssyncset.done $0x0  }
0x99: {  	v42 =	vshll.u32 v58, $0x5;
	[sflag:s2] =	ssyncadd.s32 $0xFFFFF000  }
0x9a: {  	v48 =	vor.u32 v1, v42;
	_ =	swait.ge [sflag:s2], $0x1000  }
0x9b: {  	v42 =	vor.u32 v0, v48;
	[sflag:s2] =	ssyncset.done $0x0  }
0x9c: {  	[sflag:s2] =	ssyncadd.s32 $0xFFFFF000  }
0x9d: {  	v59 =	vor.u32 v2, v48;
	_ =	swait.ge [sflag:s2], $0x80  }
0x9e: {  	[sflag:s2] =	ssyncset.done $0x0  }
0x9f: {  	[sflag:s2] =	ssyncadd.s32 $0xFFFFFF80  }
0xa0: {  	v60 =	vor.u32 v3, v48;
	v61 =	vld.idx.msk [tilespmem:v42+s16+$0x0], $0xffff  }
0xa1: {  	v42 =	vld.idx.msk [tilespmem:v42+s18+$0x0], $0xffff  }
0xa2: {  	v62 =	vor.u32 v4, v48;
	v63 =	vld.idx.msk [tilespmem:v59+s16+$0x0], $0xffff  }
0xa3: {  	v43 =	vld.idx.msk [tilespmem:v59+s18+$0x0], $0xffff  }
0xa4: {  	v49 =	vor.u32 v5, v48;
	v50 =	vld [tilespmem:s24+$0x0]  }
0xa5: {  	v51 =	vld.idx.msk [tilespmem:v60+s16+$0x0], $0xffff  }
0xa6: {  	v52 =	vor.u32 v6, v48;
	v44 =	vld.idx.msk [tilespmem:v60+s18+$0x0], $0xffff  }
0xa7: {  	v53 =	vld.idx.msk [tilespmem:v62+s16+$0x0], $0xffff;
	v42 =	vmul.f32 v42, v61  }
0xa8: {  	v57 =	vld.idx.msk [tilespmem:v62+s18+$0x0], $0xffff;
	v61 =	vor.u32 v7, v48  }
0xa9: {  	v54 =	vld.idx.msk [tilespmem:v49+s16+$0x0], $0xffff;
	v43 =	vmul.f32 v43, v63;
	v42 =	vadd.f32 v42, v50  }
0xaa: {  	v62 =	vld.idx.msk [tilespmem:v49+s18+$0x0], $0xffff;
	v63 =	vor.u32 v8, v48  }
0xab: {  	v59 =	vld.idx.msk [tilespmem:v52+s18+$0x0], $0xffff;
	v58 =	vmul.f32 v44, v51;
	v42 =	vadd.f32 v43, v42  }
0xac: {  	v60 =	vor.u32 v9, v48;
	v50 =	vld.idx.msk [tilespmem:v52+s16+$0x0], $0xffff  }
0xad: {  	v56 =	vmul.f32 v57, v53;
	v52 =	vld.idx.msk [tilespmem:v61+s16+$0x0], $0xffff;
	v42 =	vadd.f32 v58, v42  }
0xae: {  	v57 =	vor.u32 v10, v48;
	v45 =	vld.idx.msk [tilespmem:v61+s18+$0x0], $0xffff  }
0xaf: {  	v53 =	vld.idx.msk [tilespmem:v63+s16+$0x0], $0xffff;
	v61 =	vmul.f32 v62, v54;
	v42 =	vadd.f32 v56, v42  }
0xb0: {  	v62 =	vld.idx.msk [tilespmem:v63+s18+$0x0], $0xffff;
	v63 =	vor.u32 v11, v48  }
0xb1: {  	v54 =	vld.idx.msk [tilespmem:v60+s16+$0x0], $0xffff;
	v58 =	vmul.f32 v59, v50;
	v42 =	vadd.f32 v61, v42  }
0xb2: {  	v59 =	vld.idx.msk [tilespmem:v60+s18+$0x0], $0xffff;
	v60 =	vor.u32 v12, v48  }
0xb3: {  	v51 =	vld.idx.msk [tilespmem:v57+s16+$0x0], $0xffff;
	v56 =	vmul.f32 v45, v52;
	v42 =	vadd.f32 v58, v42  }
0xb4: {  	v45 =	vld.idx.msk [tilespmem:v57+s18+$0x0], $0xffff;
	v57 =	vor.u32 v13, v48  }
0xb5: {  	v52 =	vld.idx.msk [tilespmem:v63+s16+$0x0], $0xffff;
	v61 =	vmul.f32 v62, v53;
	v42 =	vadd.f32 v56, v42  }
0xb6: {  	v62 =	vld.idx.msk [tilespmem:v63+s18+$0x0], $0xffff;
	v63 =	vor.u32 v14, v48  }
0xb7: {  	v53 =	vld.idx.msk [tilespmem:v60+s16+$0x0], $0xffff;
	v58 =	vmul.f32 v59, v54;
	v42 =	vadd.f32 v61, v42  }
0xb8: {  	v59 =	vld.idx.msk [tilespmem:v60+s18+$0x0], $0xffff;
	v60 =	vor.u32 v15, v48  }
0xb9: {  	v54 =	vld.idx.msk [tilespmem:v57+s16+$0x0], $0xffff;
	v56 =	vmul.f32 v45, v51;
	v42 =	vadd.f32 v58, v42  }
0xba: {  	v57 =	vld.idx.msk [tilespmem:v57+s18+$0x0], $0xffff;
	v58 =	vor.u32 v16, v48  }
0xbb: {  	v51 =	vld.idx.msk [tilespmem:v63+s16+$0x0], $0xffff;
	v61 =	vmul.f32 v62, v52;
	v42 =	vadd.f32 v56, v42  }
0xbc: {  	v62 =	vld.idx.msk [tilespmem:v63+s18+$0x0], $0xffff;
	v63 =	vor.u32 v21, v48  }
0xbd: {  	v52 =	vld.idx.msk [tilespmem:v60+s16+$0x0], $0xffff;
	v59 =	vmul.f32 v59, v53;
	v42 =	vadd.f32 v61, v42  }
0xbe: {  	v44 =	vld.idx.msk [tilespmem:v60+s18+$0x0], $0xffff;
	v60 =	vor.u32 v22, v48  }
0xbf: {  	v53 =	vsel vm0, v27, v37;
	v45 =	vmul.f32 v57, v54;
	v55 =	vld.idx.msk [tilespmem:v58+s16+$0x0], $0xffff;
	v43 =	vadd.f32 v59, v42  }
0xc0: {  	v54 =	vor.u32 v23, v48;
	v46 =	vld.idx.msk [tilespmem:v58+s18+$0x0], $0xffff;
	v42 =	vcombine.low v36, v53  }
0xc1: {  	v56 =	vld.idx.msk [tilespmem:v63+s16+$0x0], $0xffff;
	v61 =	vmul.f32 v62, v51;
	v43 =	vadd.f32 v45, v43  }
0xc2: {  	v47 =	vld.idx.msk [tilespmem:v63+s18+$0x0], $0xffff;
	v62 =	vor.u32 v42, v48  }
0xc3: {  	v63 =	vsel vm0, v18, v17;
	v57 =	vld.idx.msk [tilespmem:v60+s16+$0x0], $0xffff;
	v44 =	vmul.f32 v44, v52;
	v45 =	vadd.f32 v61, v43  }
0xc4: {  	v50 =	vld.idx.msk [tilespmem:v60+s18+$0x0], $0xffff;
	v51 =	vor.u32 v28, v48;
	v43 =	vcombine.low v63, v29  }
0xc5: {  	v60 =	vsel vm0, v20, v19;
	v58 =	vld.idx.msk [tilespmem:v54+s16+$0x0], $0xffff;
	v46 =	vmul.f32 v46, v55;
	v45 =	vadd.f32 v44, v45  }
0xc6: {  	v52 =	vld.idx.msk [tilespmem:v54+s18+$0x0], $0xffff;
	v44 =	vcombine.low v60, v30;
	v54 =	vor.u32 v43, v48  }
0xc7: {  	v47 =	vmul.f32 v47, v56;
	v61 =	vsel vm0, v37, v24;
	v59 =	vld.idx.msk [tilespmem:v62+s16+$0x0], $0xffff;
	v46 =	vadd.f32 v46, v45  }
0xc8: {  	v49 =	vld.idx.msk [tilespmem:v62+s18+$0x0], $0xffff;
	v45 =	vcombine.low v61, v38;
	v55 =	vor.u32 v44, v48  }
0xc9: {  	v56 =	vsel vm0, v25, v26;
	v50 =	vmul.f32 v50, v57;
	v60 =	vld.idx.msk [tilespmem:v51+s16+$0x0], $0xffff;
	v47 =	vadd.f32 v47, v46  }
0xca: {  	v51 =	vld.idx.msk [tilespmem:v51+s18+$0x0], $0xffff;
	v46 =	vcombine.low v56, v39;
	v62 =	vor.u32 v45, v48  }
0xcb: {  	v63 =	vmul.f32 v52, v58;
	v57 =	vld.idx.msk [tilespmem:v54+s16+$0x0], $0xffff;
	v47 =	vadd.f32 v50, v47  }
0xcc: {  	v52 =	vld.idx.msk [tilespmem:v54+s18+$0x0], $0xffff;
	v54 =	vor.u32 v46, v48  }
0xcd: {  	v49 =	vmul.f32 v49, v59;
	v58 =	vld.idx.msk [tilespmem:v55+s16+$0x0], $0xffff;
	v47 =	vadd.f32 v63, v47  }
0xce: {  	v50 =	vld.idx.msk [tilespmem:v55+s18+$0x0], $0xffff;
	v55 =	vor.u32 v31, v48  }
0xcf: {  	v51 =	vmul.f32 v51, v60;
	v59 =	vld.idx.msk [tilespmem:v62+s16+$0x0], $0xffff;
	v49 =	vadd.f32 v49, v47  }
0xd0: {  	v56 =	vor.u32 v32, v48;
	v47 =	vcombine.low v53, v40;
	v53 =	vld.idx.msk [tilespmem:v62+s18+$0x0], $0xffff  }
0xd1: {  	v61 =	vmul.f32 v52, v57;
	v60 =	vld.idx.msk [tilespmem:v54+s16+$0x0], $0xffff;
	v49 =	vadd.f32 v51, v49  }
0xd2: {  	v62 =	vld.idx.msk [tilespmem:v54+s18+$0x0], $0xffff;
	v63 =	vor.u32 v47, v48  }
0xd3: {  	v57 =	vld.idx.msk [tilespmem:v55+s16+$0x0], $0xffff;
	v50 =	vmul.f32 v50, v58;
	v49 =	vadd.f32 v61, v49  }
0xd4: {  	v51 =	vld.idx.msk [tilespmem:v55+s18+$0x0], $0xffff;
	v55 =	vor.u32 v33, v48  }
0xd5: {  	v58 =	vld.idx.msk [tilespmem:v56+s16+$0x0], $0xffff;
	v61 =	vmul.f32 v53, v59;
	v49 =	vadd.f32 v50, v49  }
0xd6: {  	v53 =	vld.idx.msk [tilespmem:v56+s18+$0x0], $0xffff;
	v56 =	vor.u32 v34, v48  }
0xd7: {  	v50 =	vmul.f32 v62, v60;
	v59 =	vld.idx.msk [tilespmem:v63+s16+$0x0], $0xffff;
	v49 =	vadd.f32 v61, v49  }
0xd8: {  	v54 =	vor.u32 v35, v48;
	v52 =	vld.idx.msk [tilespmem:v63+s18+$0x0], $0xffff  }
0xd9: {  	v60 =	vld.idx.msk [tilespmem:v55+s16+$0x0], $0xffff;
	v62 =	vmul.f32 v51, v57;
	v49 =	vadd.f32 v50, v49  }
0xda: {  	v48 =	vor.u32 v41, v48;
	v51 =	vld.idx.msk [tilespmem:v55+s18+$0x0], $0xffff  }
0xdb: {  	v55 =	vld.idx.msk [tilespmem:v56+s16+$0x0], $0xffff;
	v63 =	vmul.f32 v53, v58;
	v49 =	vadd.f32 v62, v49  }
0xdc: {  	v61 =	vld.idx.msk [tilespmem:v56+s18+$0x0], $0xffff  }
0xdd: {  	v56 =	vld.idx.msk [tilespmem:v54+s16+$0x0], $0xffff;
	v62 =	vmul.f32 v52, v59;
	v49 =	vadd.f32 v63, v49  }
0xde: {  	v63 =	vld.idx.msk [tilespmem:v54+s18+$0x0], $0xffff  }
0xdf: {  	v57 =	vld.idx.msk [tilespmem:v48+s16+$0x0], $0xffff;
	v58 =	vmul.f32 v51, v60;
	v49 =	vadd.f32 v62, v49  }
0xe0: {  	v59 =	vld.idx.msk [tilespmem:v48+s18+$0x0], $0xffff  }
0xe1: {  	v61 =	vmul.f32 v61, v55;
	v60 =	vadd.f32 v58, v49  }
0xe2: {  	s26 =	simm.s32 $0x10  }
0xe3: {  	v62 =	vmov s26;
	v52 =	vmul.f32 v63, v56;
	v63 =	vld [tilespmem:s22+$0x0];
	v49 =	vadd.f32 v61, v60  }
0xe4: {  	v56 =	vshll.u32 v62, $0x5  }
0xe5: {  	v57 =	vmul.f32 v59, v57;
	v48 =	vor.u32 v1, v56;
	v49 =	vadd.f32 v52, v49  }
0xe6: {  	v58 =	vor.u32 v0, v48  }
0xe7: {  	v49 =	vadd.f32 v57, v49  }
0xe8: {  	v59 =	vor.u32 v2, v48;
	vm1 =	veq.s32 v63, $0xFFFFFFFF  }
0xe9: {  	v49 =	vsel vm1, $0xC2C80000, v49  }
0xea: {  	[tilespmem:s19+$0x0] =	vst v49  }
0xeb: {  	v60 =	vor.u32 v3, v48;
	v61 =	vld.idx.msk [tilespmem:v58+s16+$0x0], $0xffff  }
0xec: {  	v51 =	vld.idx.msk [tilespmem:v58+s18+$0x0], $0xffff  }
0xed: {  	v62 =	vor.u32 v4, v48;
	v54 =	vld.idx.msk [tilespmem:v59+s16+$0x0], $0xffff  }
0xee: {  	s22 =	simm.s32 $0x8610;
	v50 =	vld.idx.msk [tilespmem:v59+s18+$0x0], $0xffff  }
0xef: {  	v55 =	vor.u32 v5, v48;
	v56 =	vld [tilespmem:s22+$0x0]  }
0xf0: {  	v57 =	vld.idx.msk [tilespmem:v60+s16+$0x0], $0xffff  }
0xf1: {  	v49 =	vld.idx.msk [tilespmem:v60+s18+$0x0], $0xffff;
	v58 =	vor.u32 v6, v48  }
0xf2: {  	v59 =	vld.idx.msk [tilespmem:v62+s16+$0x0], $0xffff;
	v51 =	vmul.f32 v51, v61  }
0xf3: {  	v53 =	vor.u32 v7, v48;
	v52 =	vld.idx.msk [tilespmem:v62+s18+$0x0], $0xffff  }
0xf4: {  	v60 =	vld.idx.msk [tilespmem:v55+s16+$0x0], $0xffff;
	v50 =	vmul.f32 v50, v54;
	v51 =	vadd.f32 v51, v56  }
0xf5: {  	v63 =	vld.idx.msk [tilespmem:v55+s18+$0x0], $0xffff;
	v61 =	vor.u32 v8, v48  }
0xf6: {  	v49 =	vmul.f32 v49, v57;
	v56 =	vld.idx.msk [tilespmem:v58+s16+$0x0], $0xffff;
	v50 =	vadd.f32 v50, v51  }
0xf7: {  	v57 =	vor.u32 v9, v48;
	v51 =	vld.idx.msk [tilespmem:v58+s18+$0x0], $0xffff  }
0xf8: {  	v62 =	vmul.f32 v52, v59;
	v52 =	vld.idx.msk [tilespmem:v53+s18+$0x0], $0xffff;
	v49 =	vadd.f32 v49, v50  }
0xf9: {  	v58 =	vld.idx.msk [tilespmem:v53+s16+$0x0], $0xffff;
	v53 =	vor.u32 v10, v48  }
0xfa: {  	v59 =	vld.idx.msk [tilespmem:v61+s16+$0x0], $0xffff;
	v50 =	vmul.f32 v63, v60;
	v49 =	vadd.f32 v62, v49  }
0xfb: {  	v55 =	vor.u32 v11, v48;
	v54 =	vld.idx.msk [tilespmem:v61+s18+$0x0], $0xffff  }
0xfc: {  	v60 =	vld.idx.msk [tilespmem:v57+s16+$0x0], $0xffff;
	v63 =	vmul.f32 v51, v56;
	v49 =	vadd.f32 v50, v49  }
0xfd: {  	v61 =	vor.u32 v12, v48;
	v51 =	vld.idx.msk [tilespmem:v57+s18+$0x0], $0xffff  }
0xfe: {  	v57 =	vld.idx.msk [tilespmem:v53+s16+$0x0], $0xffff;
	v62 =	vmul.f32 v52, v58;
	v49 =	vadd.f32 v63, v49  }
0xff: {  	v52 =	vld.idx.msk [tilespmem:v53+s18+$0x0], $0xffff;
	v53 =	vor.u32 v13, v48  }
0x100: {  	v58 =	vld.idx.msk [tilespmem:v55+s16+$0x0], $0xffff;
	v63 =	vmul.f32 v54, v59;
	v49 =	vadd.f32 v62, v49  }
0x101: {  	v54 =	vld.idx.msk [tilespmem:v55+s18+$0x0], $0xffff;
	v55 =	vor.u32 v14, v48  }
0x102: {  	v59 =	vld.idx.msk [tilespmem:v61+s16+$0x0], $0xffff;
	v50 =	vmul.f32 v51, v60;
	v49 =	vadd.f32 v63, v49  }
0x103: {  	v56 =	vor.u32 v15, v48;
	v51 =	vld.idx.msk [tilespmem:v61+s18+$0x0], $0xffff  }
0x104: {  	v60 =	vld.idx.msk [tilespmem:v53+s16+$0x0], $0xffff;
	v61 =	vmul.f32 v52, v57;
	v49 =	vadd.f32 v50, v49  }
0x105: {  	v52 =	vld.idx.msk [tilespmem:v53+s18+$0x0], $0xffff;
	v62 =	vor.u32 v16, v48  }
0x106: {  	v57 =	vld.idx.msk [tilespmem:v55+s16+$0x0], $0xffff;
	v63 =	vmul.f32 v54, v58;
	v49 =	vadd.f32 v61, v49  }
0x107: {  	v54 =	vld.idx.msk [tilespmem:v55+s18+$0x0], $0xffff;
	v55 =	vor.u32 v21, v48  }
0x108: {  	v58 =	vld.idx.msk [tilespmem:v56+s16+$0x0], $0xffff;
	v61 =	vmul.f32 v51, v59;
	v49 =	vadd.f32 v63, v49  }
0x109: {  	v51 =	vld.idx.msk [tilespmem:v56+s18+$0x0], $0xffff;
	v56 =	vor.u32 v22, v48  }
0x10a: {  	v50 =	vmul.f32 v52, v60;
	v52 =	vld.idx.msk [tilespmem:v62+s18+$0x0], $0xffff;
	v49 =	vadd.f32 v61, v49  }
0x10b: {  	v53 =	vor.u32 v23, v48;
	v59 =	vld.idx.msk [tilespmem:v62+s16+$0x0], $0xffff  }
0x10c: {  	v60 =	vld.idx.msk [tilespmem:v55+s16+$0x0], $0xffff;
	v62 =	vmul.f32 v54, v57;
	v49 =	vadd.f32 v50, v49  }
0x10d: {  	v54 =	vld.idx.msk [tilespmem:v55+s18+$0x0], $0xffff;
	v63 =	vor.u32 v42, v48  }
0x10e: {  	v57 =	vld.idx.msk [tilespmem:v56+s16+$0x0], $0xffff;
	v61 =	vmul.f32 v51, v58;
	v49 =	vadd.f32 v62, v49  }
0x10f: {  	v51 =	vld.idx.msk [tilespmem:v56+s18+$0x0], $0xffff;
	v56 =	vor.u32 v28, v48  }
0x110: {  	v58 =	vld.idx.msk [tilespmem:v53+s16+$0x0], $0xffff;
	v62 =	vmul.f32 v52, v59;
	v49 =	vadd.f32 v61, v49  }
0x111: {  	v52 =	vld.idx.msk [tilespmem:v53+s18+$0x0], $0xffff;
	v53 =	vor.u32 v43, v48  }
0x112: {  	v50 =	vmul.f32 v54, v60;
	v54 =	vld.idx.msk [tilespmem:v63+s18+$0x0], $0xffff;
	v49 =	vadd.f32 v62, v49  }
0x113: {  	v55 =	vor.u32 v44, v48;
	v59 =	vld.idx.msk [tilespmem:v63+s16+$0x0], $0xffff  }
0x114: {  	v60 =	vld.idx.msk [tilespmem:v56+s16+$0x0], $0xffff;
	v63 =	vmul.f32 v51, v57;
	v49 =	vadd.f32 v50, v49  }
0x115: {  	v51 =	vld.idx.msk [tilespmem:v56+s18+$0x0], $0xffff;
	v61 =	vor.u32 v45, v48  }
0x116: {  	v57 =	vld.idx.msk [tilespmem:v53+s16+$0x0], $0xffff;
	v62 =	vmul.f32 v52, v58;
	v49 =	vadd.f32 v63, v49  }
0x117: {  	v52 =	vld.idx.msk [tilespmem:v53+s18+$0x0], $0xffff;
	v53 =	vor.u32 v46, v48  }
0x118: {  	v58 =	vld.idx.msk [tilespmem:v55+s16+$0x0], $0xffff;
	v63 =	vmul.f32 v54, v59;
	v49 =	vadd.f32 v62, v49  }
0x119: {  	v54 =	vld.idx.msk [tilespmem:v55+s18+$0x0], $0xffff;
	v55 =	vor.u32 v31, v48  }
0x11a: {  	v50 =	vmul.f32 v51, v60;
	v51 =	vld.idx.msk [tilespmem:v61+s18+$0x0], $0xffff;
	v49 =	vadd.f32 v63, v49  }
0x11b: {  	v56 =	vor.u32 v32, v48;
	v59 =	vld.idx.msk [tilespmem:v61+s16+$0x0], $0xffff  }
0x11c: {  	v60 =	vld.idx.msk [tilespmem:v53+s16+$0x0], $0xffff;
	v61 =	vmul.f32 v52, v57;
	v49 =	vadd.f32 v50, v49  }
0x11d: {  	v52 =	vld.idx.msk [tilespmem:v53+s18+$0x0], $0xffff;
	v62 =	vor.u32 v47, v48  }
0x11e: {  	v57 =	vld.idx.msk [tilespmem:v55+s16+$0x0], $0xffff;
	v63 =	vmul.f32 v54, v58;
	v49 =	vadd.f32 v61, v49  }
0x11f: {  	v54 =	vld.idx.msk [tilespmem:v55+s18+$0x0], $0xffff;
	v55 =	vor.u32 v33, v48  }
0x120: {  	v58 =	vld.idx.msk [tilespmem:v56+s16+$0x0], $0xffff;
	v61 =	vmul.f32 v51, v59;
	v49 =	vadd.f32 v63, v49  }
0x121: {  	v51 =	vld.idx.msk [tilespmem:v56+s18+$0x0], $0xffff;
	v56 =	vor.u32 v34, v48  }
0x122: {  	v50 =	vmul.f32 v52, v60;
	v52 =	vld.idx.msk [tilespmem:v62+s18+$0x0], $0xffff;
	v49 =	vadd.f32 v61, v49  }
0x123: {  	v53 =	vor.u32 v35, v48;
	v59 =	vld.idx.msk [tilespmem:v62+s16+$0x0], $0xffff  }
0x124: {  	v60 =	vld.idx.msk [tilespmem:v55+s16+$0x0], $0xffff;
	v62 =	vmul.f32 v54, v57;
	v49 =	vadd.f32 v50, v49  }
0x125: {  	v48 =	vor.u32 v41, v48;
	v54 =	vld.idx.msk [tilespmem:v55+s18+$0x0], $0xffff  }
0x126: {  	v55 =	vld.idx.msk [tilespmem:v56+s16+$0x0], $0xffff;
	v63 =	vmul.f32 v51, v58;
	v49 =	vadd.f32 v62, v49  }
0x127: {  	v61 =	vld.idx.msk [tilespmem:v56+s18+$0x0], $0xffff  }
0x128: {  	v56 =	vld.idx.msk [tilespmem:v53+s16+$0x0], $0xffff;
	v62 =	vmul.f32 v52, v59;
	v49 =	vadd.f32 v63, v49  }
0x129: {  	v63 =	vld.idx.msk [tilespmem:v53+s18+$0x0], $0xffff  }
0x12a: {  	v57 =	vld.idx.msk [tilespmem:v48+s16+$0x0], $0xffff;
	v58 =	vmul.f32 v54, v60;
	v49 =	vadd.f32 v62, v49  }
0x12b: {  	v59 =	vld.idx.msk [tilespmem:v48+s18+$0x0], $0xffff  }
0x12c: {  	v61 =	vmul.f32 v61, v55;
	v60 =	vadd.f32 v58, v49  }
0x12d: {  	s24 =	simm.s32 $0x210;
	s26 =	simm.s32 $0x20  }
0x12e: {  	v62 =	vmov s26;
	v49 =	vld [tilespmem:s24+$0x0];
	v52 =	vmul.f32 v63, v56;
	v51 =	vadd.f32 v61, v60  }
0x12f: {  	v63 =	vshll.u32 v62, $0x5  }
0x130: {  	s28 =	simm.s32 $0x30;
	s26 =	simm.s32 $0x8800;
	v48 =	vor.u32 v1, v63;
	v50 =	vadd.f32 v52, v51;
	v51 =	vmul.f32 v59, v57  }
.LBB2_2:
0x131: {  	p0 =	sne.s32 s28, $0x1F0;
	v52 =	vor.u32 v3, v48  }
0x132: {  	v53 =	vor.u32 v0, v48;
	v50 =	vadd.f32 v51, v50  }
0x133: {  	vm1 =	veq.s32 v49, $0xFFFFFFFF  }
0x134: {  	s26 =	sadd.s32 $0x10, s26;
	v49 =	vor.u32 v2, v48;
	v50 =	vsel vm1, $0xC2C80000, v50  }
0x135: {  	[tilespmem:s26+$0x0] =	vst v50  }
0x136: {  	v50 =	vld.idx.msk [tilespmem:v52+s16+$0x0], $0xffff  }
0x137: {  	v51 =	vld.idx.msk [tilespmem:v53+s16+$0x0], $0xffff  }
0x138: {  	v54 =	vor.u32 v4, v48;
	v53 =	vld.idx.msk [tilespmem:v53+s18+$0x0], $0xffff  }
0x139: {  	v55 =	vld.idx.msk [tilespmem:v49+s16+$0x0], $0xffff  }
0x13a: {  	v56 =	vor.u32 v5, v48;
	s22 =	sadd.s32 $0x10, s22;
	v49 =	vld.idx.msk [tilespmem:v49+s18+$0x0], $0xffff  }
0x13b: {  	v57 =	vld [tilespmem:s22+$0x0]  }
0x13c: {  	v58 =	vor.u32 v6, v48;
	v52 =	vld.idx.msk [tilespmem:v52+s18+$0x0], $0xffff  }
0x13d: {  	v59 =	vld.idx.msk [tilespmem:v54+s16+$0x0], $0xffff  }
0x13e: {  	v51 =	vmul.f32 v53, v51;
	v53 =	vld.idx.msk [tilespmem:v54+s18+$0x0], $0xffff;
	v54 =	vor.u32 v7, v48  }
0x13f: {  	v60 =	vld.idx.msk [tilespmem:v56+s16+$0x0], $0xffff  }
0x140: {  	v49 =	vmul.f32 v49, v55;
	v51 =	vadd.f32 v51, v57;
	v55 =	vld.idx.msk [tilespmem:v56+s18+$0x0], $0xffff;
	v56 =	vor.u32 v8, v48  }
0x141: {  	v57 =	vld.idx.msk [tilespmem:v58+s16+$0x0], $0xffff  }
0x142: {  	v50 =	vmul.f32 v52, v50;
	v52 =	vor.u32 v9, v48;
	v49 =	vadd.f32 v49, v51;
	v51 =	vld.idx.msk [tilespmem:v58+s18+$0x0], $0xffff  }
0x143: {  	v58 =	vld.idx.msk [tilespmem:v54+s16+$0x0], $0xffff  }
0x144: {  	v49 =	vadd.f32 v50, v49;
	v50 =	vmul.f32 v53, v59;
	v53 =	vld.idx.msk [tilespmem:v54+s18+$0x0], $0xffff;
	v54 =	vor.u32 v10, v48  }
0x145: {  	v59 =	vld.idx.msk [tilespmem:v56+s16+$0x0], $0xffff  }
0x146: {  	v49 =	vadd.f32 v50, v49;
	v50 =	vmul.f32 v55, v60;
	v55 =	vld.idx.msk [tilespmem:v56+s18+$0x0], $0xffff;
	v56 =	vor.u32 v11, v48  }
0x147: {  	v60 =	vld.idx.msk [tilespmem:v52+s16+$0x0], $0xffff  }
0x148: {  	v49 =	vadd.f32 v50, v49;
	v50 =	vmul.f32 v51, v57;
	v51 =	vld.idx.msk [tilespmem:v52+s18+$0x0], $0xffff;
	v52 =	vor.u32 v12, v48  }
0x149: {  	v57 =	vld.idx.msk [tilespmem:v54+s16+$0x0], $0xffff  }
0x14a: {  	v49 =	vadd.f32 v50, v49;
	v50 =	vmul.f32 v53, v58;
	v53 =	vld.idx.msk [tilespmem:v54+s18+$0x0], $0xffff;
	v54 =	vor.u32 v13, v48  }
0x14b: {  	v58 =	vld.idx.msk [tilespmem:v56+s16+$0x0], $0xffff  }
0x14c: {  	v49 =	vadd.f32 v50, v49;
	v50 =	vmul.f32 v55, v59;
	v55 =	vld.idx.msk [tilespmem:v56+s18+$0x0], $0xffff;
	v56 =	vor.u32 v14, v48  }
0x14d: {  	v59 =	vld.idx.msk [tilespmem:v52+s16+$0x0], $0xffff  }
0x14e: {  	v49 =	vadd.f32 v50, v49;
	v50 =	vmul.f32 v51, v60;
	v51 =	vld.idx.msk [tilespmem:v52+s18+$0x0], $0xffff;
	v52 =	vor.u32 v15, v48  }
0x14f: {  	v60 =	vld.idx.msk [tilespmem:v54+s16+$0x0], $0xffff  }
0x150: {  	v49 =	vadd.f32 v50, v49;
	v50 =	vmul.f32 v53, v57;
	v53 =	vld.idx.msk [tilespmem:v54+s18+$0x0], $0xffff;
	v54 =	vor.u32 v16, v48  }
0x151: {  	v57 =	vld.idx.msk [tilespmem:v56+s16+$0x0], $0xffff  }
0x152: {  	v49 =	vadd.f32 v50, v49;
	v50 =	vmul.f32 v55, v58;
	v55 =	vld.idx.msk [tilespmem:v56+s18+$0x0], $0xffff;
	v56 =	vor.u32 v21, v48  }
0x153: {  	v58 =	vld.idx.msk [tilespmem:v52+s16+$0x0], $0xffff  }
0x154: {  	v49 =	vadd.f32 v50, v49;
	v50 =	vmul.f32 v51, v59;
	v51 =	vld.idx.msk [tilespmem:v52+s18+$0x0], $0xffff;
	v52 =	vor.u32 v22, v48  }
0x155: {  	v59 =	vld.idx.msk [tilespmem:v54+s16+$0x0], $0xffff  }
0x156: {  	v49 =	vadd.f32 v50, v49;
	v50 =	vmul.f32 v53, v60;
	v53 =	vld.idx.msk [tilespmem:v54+s18+$0x0], $0xffff;
	v54 =	vor.u32 v23, v48  }
0x157: {  	v60 =	vld.idx.msk [tilespmem:v56+s16+$0x0], $0xffff  }
0x158: {  	v49 =	vadd.f32 v50, v49;
	v50 =	vmul.f32 v55, v57;
	v55 =	vld.idx.msk [tilespmem:v56+s18+$0x0], $0xffff;
	v56 =	vor.u32 v42, v48  }
0x159: {  	v57 =	vld.idx.msk [tilespmem:v52+s16+$0x0], $0xffff  }
0x15a: {  	v49 =	vadd.f32 v50, v49;
	v50 =	vmul.f32 v51, v58;
	v51 =	vld.idx.msk [tilespmem:v52+s18+$0x0], $0xffff;
	v52 =	vor.u32 v28, v48  }
0x15b: {  	v58 =	vld.idx.msk [tilespmem:v54+s16+$0x0], $0xffff  }
0x15c: {  	v49 =	vadd.f32 v50, v49;
	v50 =	vmul.f32 v53, v59;
	v53 =	vld.idx.msk [tilespmem:v54+s18+$0x0], $0xffff;
	v54 =	vor.u32 v43, v48  }
0x15d: {  	v59 =	vld.idx.msk [tilespmem:v56+s16+$0x0], $0xffff  }
0x15e: {  	v49 =	vadd.f32 v50, v49;
	v50 =	vmul.f32 v55, v60;
	v55 =	vld.idx.msk [tilespmem:v56+s18+$0x0], $0xffff;
	v56 =	vor.u32 v44, v48  }
0x15f: {  	v60 =	vld.idx.msk [tilespmem:v52+s16+$0x0], $0xffff  }
0x160: {  	v49 =	vadd.f32 v50, v49;
	v50 =	vmul.f32 v51, v57;
	v51 =	vld.idx.msk [tilespmem:v52+s18+$0x0], $0xffff;
	v52 =	vor.u32 v45, v48  }
0x161: {  	v57 =	vld.idx.msk [tilespmem:v54+s16+$0x0], $0xffff  }
0x162: {  	v49 =	vadd.f32 v50, v49;
	v50 =	vmul.f32 v53, v58;
	v53 =	vld.idx.msk [tilespmem:v54+s18+$0x0], $0xffff;
	v54 =	vor.u32 v46, v48  }
0x163: {  	v58 =	vld.idx.msk [tilespmem:v56+s16+$0x0], $0xffff  }
0x164: {  	v49 =	vadd.f32 v50, v49;
	v50 =	vmul.f32 v55, v59;
	v55 =	vld.idx.msk [tilespmem:v56+s18+$0x0], $0xffff;
	v56 =	vor.u32 v31, v48  }
0x165: {  	v59 =	vld.idx.msk [tilespmem:v52+s16+$0x0], $0xffff  }
0x166: {  	v49 =	vadd.f32 v50, v49;
	v50 =	vmul.f32 v51, v60;
	v51 =	vld.idx.msk [tilespmem:v52+s18+$0x0], $0xffff;
	v52 =	vor.u32 v32, v48  }
0x167: {  	v60 =	vld.idx.msk [tilespmem:v54+s16+$0x0], $0xffff  }
0x168: {  	v49 =	vadd.f32 v50, v49;
	v50 =	vmul.f32 v53, v57;
	v53 =	vld.idx.msk [tilespmem:v54+s18+$0x0], $0xffff;
	v54 =	vor.u32 v47, v48  }
0x169: {  	v57 =	vld.idx.msk [tilespmem:v56+s16+$0x0], $0xffff  }
0x16a: {  	v49 =	vadd.f32 v50, v49;
	v50 =	vmul.f32 v55, v58;
	v55 =	vld.idx.msk [tilespmem:v56+s18+$0x0], $0xffff;
	v56 =	vor.u32 v33, v48  }
0x16b: {  	v58 =	vld.idx.msk [tilespmem:v52+s16+$0x0], $0xffff  }
0x16c: {  	v49 =	vadd.f32 v50, v49;
	v50 =	vmul.f32 v51, v59;
	v51 =	vld.idx.msk [tilespmem:v52+s18+$0x0], $0xffff;
	v52 =	vor.u32 v34, v48  }
0x16d: {  	v59 =	vld.idx.msk [tilespmem:v54+s16+$0x0], $0xffff  }
0x16e: {  	v49 =	vadd.f32 v50, v49;
	v50 =	vmul.f32 v53, v60;
	v53 =	vld.idx.msk [tilespmem:v54+s18+$0x0], $0xffff;
	v54 =	vor.u32 v35, v48  }
0x16f: {  	v60 =	vld.idx.msk [tilespmem:v56+s16+$0x0], $0xffff  }
0x170: {  	v48 =	vor.u32 v41, v48;
	v49 =	vadd.f32 v50, v49;
	v50 =	vmul.f32 v55, v57;
	v55 =	vld.idx.msk [tilespmem:v56+s18+$0x0], $0xffff  }
0x171: {  	v56 =	vld.idx.msk [tilespmem:v52+s16+$0x0], $0xffff  }
0x172: {  	v49 =	vadd.f32 v50, v49;
	v50 =	vmul.f32 v51, v58;
	v51 =	vld.idx.msk [tilespmem:v52+s18+$0x0], $0xffff  }
0x173: {  	v52 =	vld.idx.msk [tilespmem:v54+s16+$0x0], $0xffff  }
0x174: {  	v49 =	vadd.f32 v50, v49;
	v50 =	vmul.f32 v53, v59;
	v53 =	vld.idx.msk [tilespmem:v54+s18+$0x0], $0xffff  }
0x175: {  	v54 =	vld.idx.msk [tilespmem:v48+s16+$0x0], $0xffff  }
0x176: {  	v49 =	vadd.f32 v50, v49;
	v50 =	vmul.f32 v55, v60;
	v55 =	vld.idx.msk [tilespmem:v48+s18+$0x0], $0xffff;
	_ =	sdelay $0x1  }
.Ltmp0:
0x177: {  	v48 =	vadd.f32 v50, v49;
	v49 =	vmul.f32 v51, v56;
	(pc) =	sbr.rel @p0 .LBB2_2-.Ltmp0, $4  }
0x178: {  	s24 =	sadd.s32 $0x10, s24  }
0x179: {  	v50 =	vmov s28;
	v52 =	vmul.f32 v53, v52;
	v51 =	vadd.f32 v49, v48;
	v49 =	vld [tilespmem:s24+$0x0]  }
0x17a: {  	v48 =	vshll.u32 v50, $0x5  }
0x17b: {  	s28 =	sadd.s32 $0x10, s28;
	v48 =	vor.u32 v1, v48;
	v50 =	vadd.f32 v52, v51;
	v51 =	vmul.f32 v55, v54  }
0x17c: {  	v52 =	vor.u32 v0, v48  }
0x17d: {  	v50 =	vadd.f32 v51, v50  }
0x17e: {  	v59 =	vor.u32 v2, v48;
	vm1 =	veq.s32 v49, $0xFFFFFFFF  }
0x17f: {  	s26 =	sadd.s32 $0x10, s26;
	v50 =	vsel vm1, $0xC2C80000, v50  }
0x180: {  	[tilespmem:s26+$0x0] =	vst v50  }
0x181: {  	v60 =	vor.u32 v3, v48;
	v61 =	vld.idx.msk [tilespmem:v52+s16+$0x0], $0xffff  }
0x182: {  	v52 =	vld.idx.msk [tilespmem:v52+s18+$0x0], $0xffff  }
0x183: {  	v53 =	vor.u32 v4, v48;
	v54 =	vld.idx.msk [tilespmem:v59+s16+$0x0], $0xffff  }
0x184: {  	s22 =	sadd.s32 $0x10, s22;
	v49 =	vld.idx.msk [tilespmem:v59+s18+$0x0], $0xffff  }
0x185: {  	v55 =	vor.u32 v5, v48;
	v56 =	vld [tilespmem:s22+$0x0]  }
0x186: {  	v57 =	vld.idx.msk [tilespmem:v60+s16+$0x0], $0xffff  }
0x187: {  	v58 =	vor.u32 v6, v48;
	v50 =	vld.idx.msk [tilespmem:v60+s18+$0x0], $0xffff  }
0x188: {  	v59 =	vld.idx.msk [tilespmem:v53+s16+$0x0], $0xffff;
	v51 =	vmul.f32 v52, v61  }
0x189: {  	v52 =	vld.idx.msk [tilespmem:v53+s18+$0x0], $0xffff;
	v53 =	vor.u32 v7, v48  }
0x18a: {  	v60 =	vld.idx.msk [tilespmem:v55+s16+$0x0], $0xffff;
	v49 =	vmul.f32 v49, v54;
	v51 =	vadd.f32 v51, v56  }
0x18b: {  	v63 =	vor.u32 v8, v48;
	v62 =	vld.idx.msk [tilespmem:v55+s18+$0x0], $0xffff  }
0x18c: {  	v50 =	vmul.f32 v50, v57;
	v56 =	vld.idx.msk [tilespmem:v58+s16+$0x0], $0xffff;
	v49 =	vadd.f32 v49, v51  }
0x18d: {  	v57 =	vor.u32 v9, v48;
	v51 =	vld.idx.msk [tilespmem:v58+s18+$0x0], $0xffff  }
0x18e: {  	v58 =	vld.idx.msk [tilespmem:v53+s16+$0x0], $0xffff;
	v61 =	vmul.f32 v52, v59;
	v49 =	vadd.f32 v50, v49  }
0x18f: {  	v52 =	vld.idx.msk [tilespmem:v53+s18+$0x0], $0xffff;
	v53 =	vor.u32 v10, v48  }
0x190: {  	v54 =	vld.idx.msk [tilespmem:v63+s18+$0x0], $0xffff;
	v50 =	vmul.f32 v62, v60;
	v49 =	vadd.f32 v61, v49  }
0x191: {  	v55 =	vor.u32 v11, v48;
	v59 =	vld.idx.msk [tilespmem:v63+s16+$0x0], $0xffff  }
0x192: {  	v60 =	vld.idx.msk [tilespmem:v57+s16+$0x0], $0xffff;
	v62 =	vmul.f32 v51, v56;
	v49 =	vadd.f32 v50, v49  }
0x193: {  	v63 =	vor.u32 v12, v48;
	v51 =	vld.idx.msk [tilespmem:v57+s18+$0x0], $0xffff  }
0x194: {  	v57 =	vld.idx.msk [tilespmem:v53+s16+$0x0], $0xffff;
	v61 =	vmul.f32 v52, v58;
	v49 =	vadd.f32 v62, v49  }
0x195: {  	v52 =	vld.idx.msk [tilespmem:v53+s18+$0x0], $0xffff;
	v53 =	vor.u32 v13, v48  }
0x196: {  	v58 =	vld.idx.msk [tilespmem:v55+s16+$0x0], $0xffff;
	v62 =	vmul.f32 v54, v59;
	v49 =	vadd.f32 v61, v49  }
0x197: {  	v54 =	vld.idx.msk [tilespmem:v55+s18+$0x0], $0xffff;
	v55 =	vor.u32 v14, v48  }
0x198: {  	v59 =	vld.idx.msk [tilespmem:v63+s16+$0x0], $0xffff;
	v50 =	vmul.f32 v51, v60;
	v49 =	vadd.f32 v62, v49  }
0x199: {  	v56 =	vor.u32 v15, v48;
	v51 =	vld.idx.msk [tilespmem:v63+s18+$0x0], $0xffff  }
0x19a: {  	v60 =	vld.idx.msk [tilespmem:v53+s16+$0x0], $0xffff;
	v63 =	vmul.f32 v52, v57;
	v49 =	vadd.f32 v50, v49  }
0x19b: {  	v61 =	vor.u32 v16, v48;
	v52 =	vld.idx.msk [tilespmem:v53+s18+$0x0], $0xffff  }
0x19c: {  	v57 =	vld.idx.msk [tilespmem:v55+s16+$0x0], $0xffff;
	v62 =	vmul.f32 v54, v58;
	v49 =	vadd.f32 v63, v49  }
0x19d: {  	v54 =	vld.idx.msk [tilespmem:v55+s18+$0x0], $0xffff;
	v55 =	vor.u32 v21, v48  }
0x19e: {  	v58 =	vld.idx.msk [tilespmem:v56+s16+$0x0], $0xffff;
	v63 =	vmul.f32 v51, v59;
	v49 =	vadd.f32 v62, v49  }
0x19f: {  	v51 =	vld.idx.msk [tilespmem:v56+s18+$0x0], $0xffff;
	v56 =	vor.u32 v22, v48  }
0x1a0: {  	v59 =	vld.idx.msk [tilespmem:v61+s16+$0x0], $0xffff;
	v50 =	vmul.f32 v52, v60;
	v49 =	vadd.f32 v63, v49  }
0x1a1: {  	v53 =	vor.u32 v23, v48;
	v52 =	vld.idx.msk [tilespmem:v61+s18+$0x0], $0xffff  }
0x1a2: {  	v60 =	vld.idx.msk [tilespmem:v55+s16+$0x0], $0xffff;
	v57 =	vmul.f32 v54, v57;
	v49 =	vadd.f32 v50, v49  }
0x1a3: {  	v42 =	vor.u32 v42, v48;
	v54 =	vld.idx.msk [tilespmem:v55+s18+$0x0], $0xffff  }
0x1a4: {  	v55 =	vld.idx.msk [tilespmem:v56+s16+$0x0], $0xffff;
	v61 =	vmul.f32 v51, v58;
	v49 =	vadd.f32 v57, v49  }
0x1a5: {  	v63 =	vor.u32 v28, v48;
	v62 =	vld.idx.msk [tilespmem:v56+s18+$0x0], $0xffff  }
0x1a6: {  	v58 =	vmul.f32 v52, v59;
	v59 =	vld.idx.msk [tilespmem:v53+s18+$0x0], $0xffff;
	v49 =	vadd.f32 v61, v49  }
0x1a7: {  	v43 =	vor.u32 v43, v48;
	v57 =	vld.idx.msk [tilespmem:v53+s16+$0x0], $0xffff  }
0x1a8: {  	v53 =	vld.idx.msk [tilespmem:v42+s16+$0x0], $0xffff;
	v61 =	vmul.f32 v54, v60;
	v49 =	vadd.f32 v58, v49  }
0x1a9: {  	v44 =	vor.u32 v44, v48;
	v42 =	vld.idx.msk [tilespmem:v42+s18+$0x0], $0xffff  }
0x1aa: {  	v54 =	vld.idx.msk [tilespmem:v63+s16+$0x0], $0xffff;
	v62 =	vmul.f32 v62, v55;
	v49 =	vadd.f32 v61, v49  }
0x1ab: {  	v45 =	vor.u32 v45, v48;
	v63 =	vld.idx.msk [tilespmem:v63+s18+$0x0], $0xffff  }
0x1ac: {  	v55 =	vld.idx.msk [tilespmem:v43+s16+$0x0], $0xffff;
	v58 =	vmul.f32 v59, v57;
	v49 =	vadd.f32 v62, v49  }
0x1ad: {  	v46 =	vor.u32 v46, v48;
	v43 =	vld.idx.msk [tilespmem:v43+s18+$0x0], $0xffff  }
0x1ae: {  	v59 =	vld.idx.msk [tilespmem:v44+s16+$0x0], $0xffff;
	v42 =	vmul.f32 v42, v53;
	v49 =	vadd.f32 v58, v49  }
0x1af: {  	v60 =	vor.u32 v31, v48;
	v44 =	vld.idx.msk [tilespmem:v44+s18+$0x0], $0xffff  }
0x1b0: {  	v61 =	vld.idx.msk [tilespmem:v45+s16+$0x0], $0xffff;
	v62 =	vmul.f32 v63, v54;
	v42 =	vadd.f32 v42, v49  }
0x1b1: {  	v45 =	vld.idx.msk [tilespmem:v45+s18+$0x0], $0xffff;
	v63 =	vor.u32 v32, v48  }
0x1b2: {  	v57 =	vld.idx.msk [tilespmem:v46+s16+$0x0], $0xffff;
	v43 =	vmul.f32 v43, v55;
	v42 =	vadd.f32 v62, v42  }
0x1b3: {  	v47 =	vor.u32 v47, v48;
	v46 =	vld.idx.msk [tilespmem:v46+s18+$0x0], $0xffff  }
0x1b4: {  	v58 =	vmul.f32 v44, v59;
	v59 =	vld.idx.msk [tilespmem:v60+s18+$0x0], $0xffff;
	v42 =	vadd.f32 v43, v42  }
0x1b5: {  	v49 =	vld.idx.msk [tilespmem:v60+s16+$0x0], $0xffff;
	v60 =	vor.u32 v33, v48  }
0x1b6: {  	v61 =	vmul.f32 v45, v61;
	v52 =	vld.idx.msk [tilespmem:v63+s16+$0x0], $0xffff;
	v42 =	vadd.f32 v58, v42  }
0x1b7: {  	v51 =	vor.u32 v34, v48;
	v62 =	vld.idx.msk [tilespmem:v63+s18+$0x0], $0xffff  }
0x1b8: {  	v53 =	vld.idx.msk [tilespmem:v47+s16+$0x0], $0xffff;
	v63 =	vmul.f32 v46, v57;
	v42 =	vadd.f32 v61, v42  }
0x1b9: {  	v46 =	vld.idx.msk [tilespmem:v47+s18+$0x0], $0xffff;
	v57 =	vor.u32 v35, v48  }
0x1ba: {  	v54 =	vld.idx.msk [tilespmem:v60+s16+$0x0], $0xffff;
	v58 =	vmul.f32 v59, v49;
	v42 =	vadd.f32 v63, v42  }
0x1bb: {  	v59 =	vld.idx.msk [tilespmem:v60+s18+$0x0], $0xffff;
	v60 =	vor.u32 v41, v48  }
0x1bc: {  	v62 =	vmul.f32 v62, v52;
	v61 =	vld.idx.msk [tilespmem:v51+s16+$0x0], $0xffff;
	v42 =	vadd.f32 v58, v42  }
0x1bd: {  	v63 =	vld.idx.msk [tilespmem:v51+s18+$0x0], $0xffff  }
0x1be: {  	v52 =	vld.idx.msk [tilespmem:v57+s16+$0x0], $0xffff;
	v55 =	vmul.f32 v46, v53;
	v42 =	vadd.f32 v62, v42  }
0x1bf: {  	v56 =	vld.idx.msk [tilespmem:v57+s18+$0x0], $0xffff  }
0x1c0: {  	v57 =	vld.idx.msk [tilespmem:v60+s16+$0x0], $0xffff;
	v58 =	vmul.f32 v59, v54;
	v42 =	vadd.f32 v55, v42  }
0x1c1: {  	v59 =	vld.idx.msk [tilespmem:v60+s18+$0x0], $0xffff  }
0x1c2: {  	v60 =	vmul.f32 v63, v61;
	v42 =	vadd.f32 v58, v42  }
0x1c3: {  	s24 =	sadd.s32 $0x10, s24  }
0x1c4: {  	v62 =	vld [tilespmem:s24+$0x0];
	v61 =	vmul.f32 v56, v52;
	v42 =	vadd.f32 v60, v42;
	_ =	sdelay $0x1  }
0x1c5: {  	v63 =	vmul.f32 v59, v57;
	v42 =	vadd.f32 v61, v42;
	_ =	sdelay $0x1  }
0x1c6: {  	v42 =	vadd.f32 v63, v42  }
0x1c7: {  	s21 =	sadd.s32 $0x1, s21;
	vm1 =	veq.s32 v62, $0xFFFFFFFF  }
0x1c8: {  	s28 =	sadd.s32 $0x10, s26;
	p0 =	sne.s32 s21, s12;
	v42 =	vsel vm1, $0xC2C80000, v42  }
.Ltmp1:
0x1c9: {  	[tilespmem:s28+$0x0] =	vst v42;
	(pc) =	sbr.rel @p0 .LBB2_1-.Ltmp1, $4  }
0x1ca: {  	[hbm4b:s11+s3] =	stream.linear.scatter [tilespmem:s19], [sflag:$0x2], $0x200, $0x38;
	[tilespmem:$0x8A00] =	vst v63  }
0x1cb: {  	_ =	swait.ge [sflag:s13], $0x200  }
0x1cc: {  	[sflag:s13] =	ssyncset.done $0x0  }
0x1cd: {  	[sflag:s13] =	ssyncadd.s32 $0xFFFFFE00  }
0x1ce: {  	_ =	sfence.sel $0x180000  }
0x1cf: {  	[bflag:$0x0] =	sbarrier.arrive $0xFFFF  }
0x1d0: {  	_ =	strace $0x90000047  }
0x1d1: {  	s0 =	stileid.u32;
	[bflag:$0x2] =	sbarrier.arrive $0xFFFF  }
0x1d2: {  	p0 =	sne.s32 s0, $0x0;
	s0 =	rddreg [dreg:$0x5]  }
0x1d3: {  	s0 =	sadd.s32 @!p0 $0x100000, s0  }
0x1d4: {  	[sflag:s0] =	ssyncadd.tile.s32 @!p0 $0x1;
	_ =	shalt  }
.Lfunc_end2:
_tile_overlayer_lowered:
.L_overlay_start_2:
0x1d5: {  	(tag) =	ssettag $0x2  }
0x1d6: {  	s0 =	rddreg [dreg:$0x0];
	s2 =	stileid.u32  }
0x1d7: {  	s1 =	rddreg [dreg:$0x1];
	p0 =	sne.s32 s2, $0x0  }
0x1d8: {  	s3 =	rddreg [dreg:$0x2];
	[bflag:$0x3] =	sbarrier.arrive $0xFFFF;
	s2 =	simm.s32 @!p0 $0x1C02  }
0x1d9: {  	[timem:s3], [sflag:s2] =	dma.local @!p0 [hbm:s0], s1  }
0x1da: {  	s0 =	simm.s32 @!p0 $0x2  }
0x1db: {  	_ =	swait.ge @!p0 [sflag:s0], s1  }
0x1dc: {  	s1 =	ssub.s32 @!p0 $0x0, s1;
	[sflag:s0] =	ssyncset.done @!p0 $0x0  }
0x1dd: {  	[sflag:s0] =	ssyncadd.s32 @!p0 s1  }
0x1de: {  	[bflag:$0x3] =	sbarrier.arrive $0xFFFF  }
0x1df: {  	_ =	shalt  }

</sc_bundles>
